<compile_context>
chip_gen: v7x
topology: tpu7x:2x2x1
jax: 0.10.2.dev20260603
libtpu: 0.0.44.dev20260713+nightly
codegen_flags: <defaults>
</compile_context>

<pallas_src>
import functools

import jax
import jax.numpy as jnp
from jax import lax
from jax.experimental import pallas as pl
from jax.experimental.pallas import tpu as pltpu
from jax.experimental.pallas import tpu_sc as plsc

B = 16384
EMB = 32
PACK = 4
GRP = 4


def _sc_gather(ntab_t, jtab_t, names, jobs):
    info = plsc.get_sparse_core_info()
    nc, ns = info.num_cores, info.num_subcores
    nw = nc * ns
    b_per_w = B // nw
    rows_w = b_per_w // PACK
    n_grp = b_per_w // GRP
    mesh = plsc.VectorSubcoreMesh(core_axis_name="c", subcore_axis_name="s")

    @functools.partial(
        pl.kernel,
        mesh=mesh,
        out_type=(
            jax.ShapeDtypeStruct((B // PACK, 128), jnp.float32),
            jax.ShapeDtypeStruct((B // PACK, 128), jnp.float32),
        ),
        scratch_types=[
            pltpu.VMEM((b_per_w,), jnp.int32),
            pltpu.VMEM((b_per_w,), jnp.int32),
            pltpu.VMEM((GRP * EMB, 128), jnp.float32),
            pltpu.VMEM((GRP * EMB, 128), jnp.float32),
            pltpu.VMEM((GRP * EMB, 128), jnp.float32),
            pltpu.VMEM((GRP * EMB, 128), jnp.float32),
            pltpu.VMEM((rows_w, 128), jnp.float32),
            pltpu.VMEM((rows_w, 128), jnp.float32),
            pltpu.SemaphoreType.DMA,
            pltpu.SemaphoreType.DMA,
        ],
        compiler_params=pltpu.CompilerParams(needs_layout_passes=False),
    )
    def gather_k(ntab, jtab, nidx, jidx, nout, jout,
                 nidx_v, jidx_v, nbuf0, nbuf1, jbuf0, jbuf1,
                 nout_v, jout_v, sem0, sem1):
        wid = lax.axis_index("s") * nc + lax.axis_index("c")
        base = wid * b_per_w
        pltpu.sync_copy(nidx.at[pl.ds(base, b_per_w)], nidx_v)
        pltpu.sync_copy(jidx.at[pl.ds(base, b_per_w)], jidx_v)
        row_lo = lax.iota(jnp.int32, 16)
        row_hi = row_lo + 16

        def fire(g, q, nbuf, jbuf, sem):
            nvec = nidx_v[pl.ds((g // 4) * 16, 16)]
            jvec = jidx_v[pl.ds((g // 4) * 16, 16)]
            for c in range(GRP):
                ni = nvec[q * GRP + c]
                ji = jvec[q * GRP + c]
                ncol = pl.multiple_of((ni >> 7) * 128, 128)
                jcol = pl.multiple_of((ji >> 7) * 128, 128)
                pltpu.async_copy(ntab.at[:, pl.ds(ncol, 128)],
                                 nbuf.at[pl.ds(c * EMB, EMB)], sem)
                pltpu.async_copy(jtab.at[:, pl.ds(jcol, 128)],
                                 jbuf.at[pl.ds(c * EMB, EMB)], sem)

        def extract(g, q, nbuf, jbuf):
            nvec = nidx_v[pl.ds((g // 4) * 16, 16)]
            jvec = jidx_v[pl.ds((g // 4) * 16, 16)]
            for c in range(GRP):
                ni = nvec[q * GRP + c]
                ji = jvec[q * GRP + c]
                nlane = jnp.broadcast_to(ni & jnp.int32(127), (16,))
                jlane = jnp.broadcast_to(ji & jnp.int32(127), (16,))
                pcol = c * EMB
                nout_v[g, pl.ds(pcol, 16)] = plsc.load_gather(
                    nbuf, [row_lo + c * EMB, nlane])
                nout_v[g, pl.ds(pcol + 16, 16)] = plsc.load_gather(
                    nbuf, [row_hi + c * EMB, nlane])
                jout_v[g, pl.ds(pcol, 16)] = plsc.load_gather(
                    jbuf, [row_lo + c * EMB, jlane])
                jout_v[g, pl.ds(pcol + 16, 16)] = plsc.load_gather(
                    jbuf, [row_hi + c * EMB, jlane])

        def drain(sem, nbuf):
            for _ in range(2 * GRP):
                pltpu.make_async_copy(
                    ntab.at[:, pl.ds(0, 128)], nbuf.at[pl.ds(0, EMB)], sem
                ).wait()

        fire(0, 0, nbuf0, jbuf0, sem0)

        def body(k, _):
            g1 = k + 1
            for q in range(4):
                @pl.when(jnp.logical_and(g1 < n_grp, g1 % 4 == q))
                def _(q=q):
                    if q % 2 == 0:
                        fire(g1, q, nbuf0, jbuf0, sem0)
                    else:
                        fire(g1, q, nbuf1, jbuf1, sem1)

            for q in range(4):
                @pl.when(k % 4 == q)
                def _(q=q):
                    if q % 2 == 0:
                        drain(sem0, nbuf0)
                        extract(k, q, nbuf0, jbuf0)
                    else:
                        drain(sem1, nbuf1)
                        extract(k, q, nbuf1, jbuf1)

            return ()

        lax.fori_loop(0, n_grp, body, ())
        pltpu.sync_copy(nout_v, nout.at[pl.ds(wid * rows_w, rows_w)])
        pltpu.sync_copy(jout_v, jout.at[pl.ds(wid * rows_w, rows_w)])

    return gather_k(ntab_t, jtab_t, names, jobs)


def _mlp_body(ne, je, gd, w1n, w1j, w1g, b1, w2, b2, w3, b3, w4, b4, out):
    x1 = jnp.dot(ne[...], w1n[...], preferred_element_type=jnp.float32)
    x2 = jnp.dot(je[...], w1j[...], preferred_element_type=jnp.float32)
    x3 = jnp.dot(gd[...], w1g[...], preferred_element_type=jnp.float32)
    h = jnp.maximum(x1 + x2 + x3 + b1[...], 0.0)
    h = jnp.maximum(jnp.dot(h, w2[...], preferred_element_type=jnp.float32) + b2[...], 0.0)
    h = jnp.maximum(jnp.dot(h, w3[...], preferred_element_type=jnp.float32) + b3[...], 0.0)
    z = jnp.dot(h, w4[...], preferred_element_type=jnp.float32) + b4[...]
    out[...] = 1.0 / (1.0 + jnp.exp(-z))


def _block_diag(w):
    k, n = w.shape
    out = jnp.zeros((PACK * k, PACK * n), dtype=w.dtype)
    for c in range(PACK):
        out = lax.dynamic_update_slice(out, w, (c * k, c * n))
    return out


def _tc_mlp(ne, je, gd, w1n, w1j, w1g, b1, w2, b2, w3, b3, w4, b4):
    rows = B // PACK
    blk = 4096
    grid = (rows // blk,)
    full = lambda a: pl.BlockSpec(a.shape, lambda i: (0, 0))
    return pl.pallas_call(
        _mlp_body,
        grid=grid,
        in_specs=[
            pl.BlockSpec((blk, 128), lambda i: (i, 0)),
            pl.BlockSpec((blk, 128), lambda i: (i, 0)),
            pl.BlockSpec((blk, PACK * 4), lambda i: (i, 0)),
            full(w1n), full(w1j), full(w1g), full(b1),
            full(w2), full(b2), full(w3), full(b3),
            full(w4), full(b4),
        ],
        out_specs=pl.BlockSpec((blk, PACK), lambda i: (i, 0)),
        out_shape=jax.ShapeDtypeStruct((rows, PACK), jnp.float32),
    )(ne, je, gd, w1n, w1j, w1g, b1, w2, b2, w3, b3, w4, b4)


def kernel(names, jobs, gender, dob, name_table, job_table,
           W1, b1, W2, b2, W3, b3, W4, b4):
    ne, je = _sc_gather(name_table.T, job_table.T, names, jobs)
    gd = jnp.concatenate([gender[:, None], dob], axis=1).reshape(B // PACK, PACK * 4)
    w1n = _block_diag(W1[:EMB])
    w1j = _block_diag(W1[EMB:2 * EMB])
    w1g = _block_diag(W1[2 * EMB:])
    tile = lambda b: jnp.tile(b, (PACK,))[None, :]
    out_packed = _tc_mlp(ne, je, gd,
                         w1n, w1j, w1g, tile(b1),
                         _block_diag(W2), tile(b2),
                         _block_diag(W3), tile(b3),
                         _block_diag(W4), tile(b4))
    return out_packed.reshape(B, 1)

# --- scband reference (transcript-rebuilt; emitter-appended) ---
"""Pipeline reference for scband-personal-linear-net-481036337578 (READ-ONLY COPY).

The authoritative reference and input builder live on the scoring server;
editing this copy changes nothing except your own understanding.
"""

import jax, jax.numpy as jnp
import numpy as np

B = 16384
NUM_NAMES = 1000000
NUM_JOBS = 100000
EMB = 32
IN_DIM = EMB * 2 + 1 + 3  # 68


def setup_inputs(seed: int = 0) -> dict:
    key = jax.random.key(seed)
    ks = jax.random.split(key, 14)
    names = jax.random.randint(ks[0], (B,), 0, NUM_NAMES, dtype=jnp.int64 if jax.config.jax_enable_x64 else jnp.int32)
    jobs = jax.random.randint(ks[1], (B,), 0, NUM_JOBS, dtype=jnp.int64 if jax.config.jax_enable_x64 else jnp.int32)
    gender = jax.random.uniform(ks[2], (B,), dtype=jnp.float32)
    dob = jax.random.normal(ks[3], (B, 3), dtype=jnp.float32)
    name_table = jax.random.normal(ks[4], (NUM_NAMES, EMB), dtype=jnp.float32) * 0.02
    job_table = jax.random.normal(ks[5], (NUM_JOBS, EMB), dtype=jnp.float32) * 0.02
    W1 = jax.random.normal(ks[6], (IN_DIM, 64), dtype=jnp.float32) * (1.0 / np.sqrt(IN_DIM))
    b1 = jnp.zeros((64,), dtype=jnp.float32)
    W2 = jax.random.normal(ks[7], (64, 16), dtype=jnp.float32) * (1.0 / np.sqrt(64))
    b2 = jnp.zeros((16,), dtype=jnp.float32)
    W3 = jax.random.normal(ks[8], (16, 4), dtype=jnp.float32) * (1.0 / np.sqrt(16))
    b3 = jnp.zeros((4,), dtype=jnp.float32)
    W4 = jax.random.normal(ks[9], (4, 1), dtype=jnp.float32) * (1.0 / np.sqrt(4))
    b4 = jnp.zeros((1,), dtype=jnp.float32)
    return {
        'names': names, 'jobs': jobs, 'gender': gender, 'dob': dob,
        'name_table': name_table, 'job_table': job_table,
        'W1': W1, 'b1': b1, 'W2': W2, 'b2': b2, 'W3': W3, 'b3': b3, 'W4': W4, 'b4': b4,
    }


def reference(names, jobs, gender, dob, name_table, job_table, W1, b1, W2, b2, W3, b3, W4, b4):
    name_input = jnp.take(name_table, names, axis=0)
    job_input = jnp.take(job_table, jobs, axis=0)
    x = jnp.concatenate([name_input, job_input, gender[:, None], dob], axis=1)
    h = jax.nn.relu(x @ W1 + b1)
    h = jax.nn.relu(h @ W2 + b2)
    h = jax.nn.relu(h @ W3 + b3)
    out = jax.nn.sigmoid(h @ W4 + b4)
    return out

if __name__ == "__main__":
    import jax
    _d = setup_inputs()
    print(jax.jit(kernel)(*tuple(_d.values())))

</pallas_src>

<mosaic_0001>
#map = affine_map<(d0, d1) -> (0, 0)>
#map1 = affine_map<(d0, d1) -> (0)>
module attributes {stable_mosaic.version = 14 : i64} {
  func.func @gather_k(%arg0: i32, %arg1: i32, %arg2: memref<32x1000000xf32, #tpu.memory_space<hbm>>, %arg3: memref<32x100000xf32, #tpu.memory_space<hbm>>, %arg4: memref<16384xi32, #tpu.memory_space<hbm>>, %arg5: memref<16384xi32, #tpu.memory_space<hbm>>, %arg6: memref<4096x128xf32, #tpu.memory_space<hbm>>, %arg7: memref<4096x128xf32, #tpu.memory_space<hbm>>, %arg8: memref<512xi32, #tpu.memory_space<vmem>>, %arg9: memref<512xi32, #tpu.memory_space<vmem>>, %arg10: memref<128x128xf32, #tpu.memory_space<vmem>>, %arg11: memref<128x128xf32, #tpu.memory_space<vmem>>, %arg12: memref<128x128xf32, #tpu.memory_space<vmem>>, %arg13: memref<128x128xf32, #tpu.memory_space<vmem>>, %arg14: memref<128x128xf32, #tpu.memory_space<vmem>>, %arg15: memref<128x128xf32, #tpu.memory_space<vmem>>, %arg16: memref<!tpu.dma_semaphore, #tpu.memory_space<semaphore_mem>>, %arg17: memref<!tpu.dma_semaphore, #tpu.memory_space<semaphore_mem>>) attributes {dimension_semantics = [#tpu.dimension_semantics<core_parallel>, #tpu.dimension_semantics<subcore_parallel>], iteration_bounds = array<i64: 2, 16>, scalar_prefetch = 0 : i64, scratch_operands = 10 : i64, tpu.core_type = #tpu.core_type<sc_vector_subcore>, window_params = [{transform_indices = #map}, {transform_indices = #map}, {transform_indices = #map1}, {transform_indices = #map1}, {transform_indices = #map}, {transform_indices = #map}]} {
    %mul3A = arith.constant 2 : i32
    %mul3A_0 = arith.muli %arg1, %mul3A : i32
    %add3A = arith.addi %mul3A_0, %arg0 : i32
    %mul3A_1 = arith.constant 512 : i32
    %mul3A_2 = arith.muli %add3A, %mul3A_1 : i32
    "tpu.region"() ({
      %run_scoped3A = tpu.sem_alloc : memref<!tpu.dma_semaphore, #tpu.memory_space<semaphore_mem>>
      %dma_start3A_148 = tpu.memref_slice %arg4[%mul3A_2] : memref<16384xi32, #tpu.memory_space<hbm>> -> memref<512xi32, #tpu.memory_space<hbm>>
      %dma_start3A_149 = tpu.memref_slice %arg4[%mul3A_2] : memref<16384xi32, #tpu.memory_space<hbm>> -> memref<512xi32, #tpu.memory_space<hbm>>
      tpu.enqueue_dma source(%dma_start3A_149 : memref<512xi32, #tpu.memory_space<hbm>>) target(%arg8 : memref<512xi32, #tpu.memory_space<vmem>>) target_semaphore(%run_scoped3A : memref<!tpu.dma_semaphore, #tpu.memory_space<semaphore_mem>>)
      %dma_wait3A = tpu.memref_slice %arg4[%mul3A_2] : memref<16384xi32, #tpu.memory_space<hbm>> -> memref<512xi32, #tpu.memory_space<hbm>>
      %dma_wait3A_150 = tpu.memref_slice %arg4[%mul3A_2] : memref<16384xi32, #tpu.memory_space<hbm>> -> memref<512xi32, #tpu.memory_space<hbm>>
      tpu.wait_dma2 semaphore(%run_scoped3A : memref<!tpu.dma_semaphore, #tpu.memory_space<semaphore_mem>>) src(%dma_wait3A_150 : memref<512xi32, #tpu.memory_space<hbm>>) dst(%arg8 : memref<512xi32, #tpu.memory_space<vmem>>)
      tpu.yield
    }) : () -> ()
    "tpu.region"() ({
      %run_scoped3A = tpu.sem_alloc : memref<!tpu.dma_semaphore, #tpu.memory_space<semaphore_mem>>
      %dma_start3A_148 = tpu.memref_slice %arg5[%mul3A_2] : memref<16384xi32, #tpu.memory_space<hbm>> -> memref<512xi32, #tpu.memory_space<hbm>>
      %dma_start3A_149 = tpu.memref_slice %arg5[%mul3A_2] : memref<16384xi32, #tpu.memory_space<hbm>> -> memref<512xi32, #tpu.memory_space<hbm>>
      tpu.enqueue_dma source(%dma_start3A_149 : memref<512xi32, #tpu.memory_space<hbm>>) target(%arg9 : memref<512xi32, #tpu.memory_space<vmem>>) target_semaphore(%run_scoped3A : memref<!tpu.dma_semaphore, #tpu.memory_space<semaphore_mem>>)
      %dma_wait3A = tpu.memref_slice %arg5[%mul3A_2] : memref<16384xi32, #tpu.memory_space<hbm>> -> memref<512xi32, #tpu.memory_space<hbm>>
      %dma_wait3A_150 = tpu.memref_slice %arg5[%mul3A_2] : memref<16384xi32, #tpu.memory_space<hbm>> -> memref<512xi32, #tpu.memory_space<hbm>>
      tpu.wait_dma2 semaphore(%run_scoped3A : memref<!tpu.dma_semaphore, #tpu.memory_space<semaphore_mem>>) src(%dma_wait3A_150 : memref<512xi32, #tpu.memory_space<hbm>>) dst(%arg9 : memref<512xi32, #tpu.memory_space<vmem>>)
      tpu.yield
    }) : () -> ()
    %iota3A = tpu.iota {dimensions = array<i32: 0>} : vector<16xi32>
    %add3A_3 = arith.constant 16 : i32
    %add3A_4 = vector.broadcast %add3A_3 : i32 to vector<16xi32>
    %add3A_5 = arith.addi %iota3A, %add3A_4 : vector<16xi32>
    %get3A = arith.constant 0 : index
    %get3A_6 = tpu.vector_load %arg8[%get3A] {strides = array<i32>} : memref<512xi32, #tpu.memory_space<vmem>>, vector<16xi32>,
    %get3A_7 = arith.constant 0 : index
    %get3A_8 = tpu.vector_load %arg9[%get3A_7] {strides = array<i32>} : memref<512xi32, #tpu.memory_space<vmem>>, vector<16xi32>,
    %slice3A = vector.extract_strided_slice %get3A_6 {offsets = [0], sizes = [1], strides = [1]} : vector<16xi32> to vector<1xi32>
    %squeeze3A = vector.extract %slice3A[0] : i32 from vector<1xi32>
    %slice3A_9 = vector.extract_strided_slice %get3A_8 {offsets = [0], sizes = [1], strides = [1]} : vector<16xi32> to vector<1xi32>
    %squeeze3A_10 = vector.extract %slice3A_9[0] : i32 from vector<1xi32>
    %shift_right_arithmetic3A = arith.constant 7 : i32
    %shift_right_arithmetic3A_11 = arith.shrsi %squeeze3A, %shift_right_arithmetic3A : i32
    %mul3A_12 = arith.constant 128 : i32
    %mul3A_13 = arith.muli %shift_right_arithmetic3A_11, %mul3A_12 : i32
    %multiple_of3A = tpu.assume_multiple %mul3A_13, 128 : i32
    %shift_right_arithmetic3A_14 = arith.constant 7 : i32
    %shift_right_arithmetic3A_15 = arith.shrsi %squeeze3A_10, %shift_right_arithmetic3A_14 : i32
    %mul3A_16 = arith.constant 128 : i32
    %mul3A_17 = arith.muli %shift_right_arithmetic3A_15, %mul3A_16 : i32
    %multiple_of3A_18 = tpu.assume_multiple %mul3A_17, 128 : i32
    %dma_start3A = arith.constant 0 : i32
    %dma_start3A_19 = arith.constant 0 : i32
    %dma_start3A_20 = tpu.memref_slice %arg10[%dma_start3A, %dma_start3A_19] : memref<128x128xf32, #tpu.memory_space<vmem>> -> memref<32x128xf32, #tpu.memory_space<vmem>>
    %dma_start3A_21 = arith.constant 0 : i32
    %dma_start3A_22 = tpu.memref_slice %arg2[%dma_start3A_21, %multiple_of3A] : memref<32x1000000xf32, #tpu.memory_space<hbm>> -> memref<32x128xf32, #tpu.memory_space<hbm>>
    %dma_start3A_23 = arith.constant 0 : i32
    %dma_start3A_24 = arith.constant 0 : i32
    %dma_start3A_25 = tpu.memref_slice %arg10[%dma_start3A_23, %dma_start3A_24] : memref<128x128xf32, #tpu.memory_space<vmem>> -> memref<32x128xf32, #tpu.memory_space<vmem>>
    %dma_start3A_26 = arith.constant 0 : i32
    %dma_start3A_27 = tpu.memref_slice %arg2[%dma_start3A_26, %multiple_of3A] : memref<32x1000000xf32, #tpu.memory_space<hbm>> -> memref<32x128xf32, #tpu.memory_space<hbm>>
    tpu.enqueue_dma source(%dma_start3A_27 : memref<32x128xf32, #tpu.memory_space<hbm>>) target(%dma_start3A_25 : memref<32x128xf32, #tpu.memory_space<vmem>>) target_semaphore(%arg16 : memref<!tpu.dma_semaphore, #tpu.memory_space<semaphore_mem>>)
    %dma_start3A_28 = arith.constant 0 : i32
    %dma_start3A_29 = arith.constant 0 : i32
    %dma_start3A_30 = tpu.memref_slice %arg12[%dma_start3A_28, %dma_start3A_29] : memref<128x128xf32, #tpu.memory_space<vmem>> -> memref<32x128xf32, #tpu.memory_space<vmem>>
    %dma_start3A_31 = arith.constant 0 : i32
    %dma_start3A_32 = tpu.memref_slice %arg3[%dma_start3A_31, %multiple_of3A_18] : memref<32x100000xf32, #tpu.memory_space<hbm>> -> memref<32x128xf32, #tpu.memory_space<hbm>>
    %dma_start3A_33 = arith.constant 0 : i32
    %dma_start3A_34 = arith.constant 0 : i32
    %dma_start3A_35 = tpu.memref_slice %arg12[%dma_start3A_33, %dma_start3A_34] : memref<128x128xf32, #tpu.memory_space<vmem>> -> memref<32x128xf32, #tpu.memory_space<vmem>>
    %dma_start3A_36 = arith.constant 0 : i32
    %dma_start3A_37 = tpu.memref_slice %arg3[%dma_start3A_36, %multiple_of3A_18] : memref<32x100000xf32, #tpu.memory_space<hbm>> -> memref<32x128xf32, #tpu.memory_space<hbm>>
    tpu.enqueue_dma source(%dma_start3A_37 : memref<32x128xf32, #tpu.memory_space<hbm>>) target(%dma_start3A_35 : memref<32x128xf32, #tpu.memory_space<vmem>>) target_semaphore(%arg16 : memref<!tpu.dma_semaphore, #tpu.memory_space<semaphore_mem>>)
    %slice3A_38 = vector.extract_strided_slice %get3A_6 {offsets = [1], sizes = [1], strides = [1]} : vector<16xi32> to vector<1xi32>
    %squeeze3A_39 = vector.extract %slice3A_38[0] : i32 from vector<1xi32>
    %slice3A_40 = vector.extract_strided_slice %get3A_8 {offsets = [1], sizes = [1], strides = [1]} : vector<16xi32> to vector<1xi32>
    %squeeze3A_41 = vector.extract %slice3A_40[0] : i32 from vector<1xi32>
    %shift_right_arithmetic3A_42 = arith.constant 7 : i32
    %shift_right_arithmetic3A_43 = arith.shrsi %squeeze3A_39, %shift_right_arithmetic3A_42 : i32
    %mul3A_44 = arith.constant 128 : i32
    %mul3A_45 = arith.muli %shift_right_arithmetic3A_43, %mul3A_44 : i32
    %multiple_of3A_46 = tpu.assume_multiple %mul3A_45, 128 : i32
    %shift_right_arithmetic3A_47 = arith.constant 7 : i32
    %shift_right_arithmetic3A_48 = arith.shrsi %squeeze3A_41, %shift_right_arithmetic3A_47 : i32
    %mul3A_49 = arith.constant 128 : i32
    %mul3A_50 = arith.muli %shift_right_arithmetic3A_48, %mul3A_49 : i32
    %multiple_of3A_51 = tpu.assume_multiple %mul3A_50, 128 : i32
    %dma_start3A_52 = arith.constant 32 : i32
    %dma_start3A_53 = arith.constant 0 : i32
    %dma_start3A_54 = tpu.memref_slice %arg10[%dma_start3A_52, %dma_start3A_53] : memref<128x128xf32, #tpu.memory_space<vmem>> -> memref<32x128xf32, #tpu.memory_space<vmem>>
    %dma_start3A_55 = arith.constant 0 : i32
    %dma_start3A_56 = tpu.memref_slice %arg2[%dma_start3A_55, %multiple_of3A_46] : memref<32x1000000xf32, #tpu.memory_space<hbm>> -> memref<32x128xf32, #tpu.memory_space<hbm>>
    %dma_start3A_57 = arith.constant 32 : i32
    %dma_start3A_58 = arith.constant 0 : i32
    %dma_start3A_59 = tpu.memref_slice %arg10[%dma_start3A_57, %dma_start3A_58] : memref<128x128xf32, #tpu.memory_space<vmem>> -> memref<32x128xf32, #tpu.memory_space<vmem>>
    %dma_start3A_60 = arith.constant 0 : i32
    %dma_start3A_61 = tpu.memref_slice %arg2[%dma_start3A_60, %multiple_of3A_46] : memref<32x1000000xf32, #tpu.memory_space<hbm>> -> memref<32x128xf32, #tpu.memory_space<hbm>>
    tpu.enqueue_dma source(%dma_start3A_61 : memref<32x128xf32, #tpu.memory_space<hbm>>) target(%dma_start3A_59 : memref<32x128xf32, #tpu.memory_space<vmem>>) target_semaphore(%arg16 : memref<!tpu.dma_semaphore, #tpu.memory_space<semaphore_mem>>)
    %dma_start3A_62 = arith.constant 32 : i32
    %dma_start3A_63 = arith.constant 0 : i32
    %dma_start3A_64 = tpu.memref_slice %arg12[%dma_start3A_62, %dma_start3A_63] : memref<128x128xf32, #tpu.memory_space<vmem>> -> memref<32x128xf32, #tpu.memory_space<vmem>>
    %dma_start3A_65 = arith.constant 0 : i32
    %dma_start3A_66 = tpu.memref_slice %arg3[%dma_start3A_65, %multiple_of3A_51] : memref<32x100000xf32, #tpu.memory_space<hbm>> -> memref<32x128xf32, #tpu.memory_space<hbm>>
    %dma_start3A_67 = arith.constant 32 : i32
    %dma_start3A_68 = arith.constant 0 : i32
    %dma_start3A_69 = tpu.memref_slice %arg12[%dma_start3A_67, %dma_start3A_68] : memref<128x128xf32, #tpu.memory_space<vmem>> -> memref<32x128xf32, #tpu.memory_space<vmem>>
    %dma_start3A_70 = arith.constant 0 : i32
    %dma_start3A_71 = tpu.memref_slice %arg3[%dma_start3A_70, %multiple_of3A_51] : memref<32x100000xf32, #tpu.memory_space<hbm>> -> memref<32x128xf32, #tpu.memory_space<hbm>>
    tpu.enqueue_dma source(%dma_start3A_71 : memref<32x128xf32, #tpu.memory_space<hbm>>) target(%dma_start3A_69 : memref<32x128xf32, #tpu.memory_space<vmem>>) target_semaphore(%arg16 : memref<!tpu.dma_semaphore, #tpu.memory_space<semaphore_mem>>)
    %slice3A_72 = vector.extract_strided_slice %get3A_6 {offsets = [2], sizes = [1], strides = [1]} : vector<16xi32> to vector<1xi32>
    %squeeze3A_73 = vector.extract %slice3A_72[0] : i32 from vector<1xi32>
    %slice3A_74 = vector.extract_strided_slice %get3A_8 {offsets = [2], sizes = [1], strides = [1]} : vector<16xi32> to vector<1xi32>
    %squeeze3A_75 = vector.extract %slice3A_74[0] : i32 from vector<1xi32>
    %shift_right_arithmetic3A_76 = arith.constant 7 : i32
    %shift_right_arithmetic3A_77 = arith.shrsi %squeeze3A_73, %shift_right_arithmetic3A_76 : i32
    %mul3A_78 = arith.constant 128 : i32
    %mul3A_79 = arith.muli %shift_right_arithmetic3A_77, %mul3A_78 : i32
    %multiple_of3A_80 = tpu.assume_multiple %mul3A_79, 128 : i32
    %shift_right_arithmetic3A_81 = arith.constant 7 : i32
    %shift_right_arithmetic3A_82 = arith.shrsi %squeeze3A_75, %shift_right_arithmetic3A_81 : i32
    %mul3A_83 = arith.constant 128 : i32
    %mul3A_84 = arith.muli %shift_right_arithmetic3A_82, %mul3A_83 : i32
    %multiple_of3A_85 = tpu.assume_multiple %mul3A_84, 128 : i32
    %dma_start3A_86 = arith.constant 64 : i32
    %dma_start3A_87 = arith.constant 0 : i32
    %dma_start3A_88 = tpu.memref_slice %arg10[%dma_start3A_86, %dma_start3A_87] : memref<128x128xf32, #tpu.memory_space<vmem>> -> memref<32x128xf32, #tpu.memory_space<vmem>>
    %dma_start3A_89 = arith.constant 0 : i32
    %dma_start3A_90 = tpu.memref_slice %arg2[%dma_start3A_89, %multiple_of3A_80] : memref<32x1000000xf32, #tpu.memory_space<hbm>> -> memref<32x128xf32, #tpu.memory_space<hbm>>
    %dma_start3A_91 = arith.constant 64 : i32
    %dma_start3A_92 = arith.constant 0 : i32
    %dma_start3A_93 = tpu.memref_slice %arg10[%dma_start3A_91, %dma_start3A_92] : memref<128x128xf32, #tpu.memory_space<vmem>> -> memref<32x128xf32, #tpu.memory_space<vmem>>
    %dma_start3A_94 = arith.constant 0 : i32
    %dma_start3A_95 = tpu.memref_slice %arg2[%dma_start3A_94, %multiple_of3A_80] : memref<32x1000000xf32, #tpu.memory_space<hbm>> -> memref<32x128xf32, #tpu.memory_space<hbm>>
    tpu.enqueue_dma source(%dma_start3A_95 : memref<32x128xf32, #tpu.memory_space<hbm>>) target(%dma_start3A_93 : memref<32x128xf32, #tpu.memory_space<vmem>>) target_semaphore(%arg16 : memref<!tpu.dma_semaphore, #tpu.memory_space<semaphore_mem>>)
    %dma_start3A_96 = arith.constant 64 : i32
    %dma_start3A_97 = arith.constant 0 : i32
    %dma_start3A_98 = tpu.memref_slice %arg12[%dma_start3A_96, %dma_start3A_97] : memref<128x128xf32, #tpu.memory_space<vmem>> -> memref<32x128xf32, #tpu.memory_space<vmem>>
    %dma_start3A_99 = arith.constant 0 : i32
    %dma_start3A_100 = tpu.memref_slice %arg3[%dma_start3A_99, %multiple_of3A_85] : memref<32x100000xf32, #tpu.memory_space<hbm>> -> memref<32x128xf32, #tpu.memory_space<hbm>>
    %dma_start3A_101 = arith.constant 64 : i32
    %dma_start3A_102 = arith.constant 0 : i32
    %dma_start3A_103 = tpu.memref_slice %arg12[%dma_start3A_101, %dma_start3A_102] : memref<128x128xf32, #tpu.memory_space<vmem>> -> memref<32x128xf32, #tpu.memory_space<vmem>>
    %dma_start3A_104 = arith.constant 0 : i32
    %dma_start3A_105 = tpu.memref_slice %arg3[%dma_start3A_104, %multiple_of3A_85] : memref<32x100000xf32, #tpu.memory_space<hbm>> -> memref<32x128xf32, #tpu.memory_space<hbm>>
    tpu.enqueue_dma source(%dma_start3A_105 : memref<32x128xf32, #tpu.memory_space<hbm>>) target(%dma_start3A_103 : memref<32x128xf32, #tpu.memory_space<vmem>>) target_semaphore(%arg16 : memref<!tpu.dma_semaphore, #tpu.memory_space<semaphore_mem>>)
    %slice3A_106 = vector.extract_strided_slice %get3A_6 {offsets = [3], sizes = [1], strides = [1]} : vector<16xi32> to vector<1xi32>
    %squeeze3A_107 = vector.extract %slice3A_106[0] : i32 from vector<1xi32>
    %slice3A_108 = vector.extract_strided_slice %get3A_8 {offsets = [3], sizes = [1], strides = [1]} : vector<16xi32> to vector<1xi32>
    %squeeze3A_109 = vector.extract %slice3A_108[0] : i32 from vector<1xi32>
    %shift_right_arithmetic3A_110 = arith.constant 7 : i32
    %shift_right_arithmetic3A_111 = arith.shrsi %squeeze3A_107, %shift_right_arithmetic3A_110 : i32
    %mul3A_112 = arith.constant 128 : i32
    %mul3A_113 = arith.muli %shift_right_arithmetic3A_111, %mul3A_112 : i32
    %multiple_of3A_114 = tpu.assume_multiple %mul3A_113, 128 : i32
    %shift_right_arithmetic3A_115 = arith.constant 7 : i32
    %shift_right_arithmetic3A_116 = arith.shrsi %squeeze3A_109, %shift_right_arithmetic3A_115 : i32
    %mul3A_117 = arith.constant 128 : i32
    %mul3A_118 = arith.muli %shift_right_arithmetic3A_116, %mul3A_117 : i32
    %multiple_of3A_119 = tpu.assume_multiple %mul3A_118, 128 : i32
    %dma_start3A_120 = arith.constant 96 : i32
    %dma_start3A_121 = arith.constant 0 : i32
    %dma_start3A_122 = tpu.memref_slice %arg10[%dma_start3A_120, %dma_start3A_121] : memref<128x128xf32, #tpu.memory_space<vmem>> -> memref<32x128xf32, #tpu.memory_space<vmem>>
    %dma_start3A_123 = arith.constant 0 : i32
    %dma_start3A_124 = tpu.memref_slice %arg2[%dma_start3A_123, %multiple_of3A_114] : memref<32x1000000xf32, #tpu.memory_space<hbm>> -> memref<32x128xf32, #tpu.memory_space<hbm>>
    %dma_start3A_125 = arith.constant 96 : i32
    %dma_start3A_126 = arith.constant 0 : i32
    %dma_start3A_127 = tpu.memref_slice %arg10[%dma_start3A_125, %dma_start3A_126] : memref<128x128xf32, #tpu.memory_space<vmem>> -> memref<32x128xf32, #tpu.memory_space<vmem>>
    %dma_start3A_128 = arith.constant 0 : i32
    %dma_start3A_129 = tpu.memref_slice %arg2[%dma_start3A_128, %multiple_of3A_114] : memref<32x1000000xf32, #tpu.memory_space<hbm>> -> memref<32x128xf32, #tpu.memory_space<hbm>>
    tpu.enqueue_dma source(%dma_start3A_129 : memref<32x128xf32, #tpu.memory_space<hbm>>) target(%dma_start3A_127 : memref<32x128xf32, #tpu.memory_space<vmem>>) target_semaphore(%arg16 : memref<!tpu.dma_semaphore, #tpu.memory_space<semaphore_mem>>)
    %dma_start3A_130 = arith.constant 96 : i32
    %dma_start3A_131 = arith.constant 0 : i32
    %dma_start3A_132 = tpu.memref_slice %arg12[%dma_start3A_130, %dma_start3A_131] : memref<128x128xf32, #tpu.memory_space<vmem>> -> memref<32x128xf32, #tpu.memory_space<vmem>>
    %dma_start3A_133 = arith.constant 0 : i32
    %dma_start3A_134 = tpu.memref_slice %arg3[%dma_start3A_133, %multiple_of3A_119] : memref<32x100000xf32, #tpu.memory_space<hbm>> -> memref<32x128xf32, #tpu.memory_space<hbm>>
    %dma_start3A_135 = arith.constant 96 : i32
    %dma_start3A_136 = arith.constant 0 : i32
    %dma_start3A_137 = tpu.memref_slice %arg12[%dma_start3A_135, %dma_start3A_136] : memref<128x128xf32, #tpu.memory_space<vmem>> -> memref<32x128xf32, #tpu.memory_space<vmem>>
    %dma_start3A_138 = arith.constant 0 : i32
    %dma_start3A_139 = tpu.memref_slice %arg3[%dma_start3A_138, %multiple_of3A_119] : memref<32x100000xf32, #tpu.memory_space<hbm>> -> memref<32x128xf32, #tpu.memory_space<hbm>>
    tpu.enqueue_dma source(%dma_start3A_139 : memref<32x128xf32, #tpu.memory_space<hbm>>) target(%dma_start3A_137 : memref<32x128xf32, #tpu.memory_space<vmem>>) target_semaphore(%arg16 : memref<!tpu.dma_semaphore, #tpu.memory_space<semaphore_mem>>)
    %scan3A = arith.constant 0 : i32
    %scan3A_140 = arith.constant 128 : i32
    %scan3A_141 = arith.addi %scan3A, %scan3A_140 : i32
    %scan3A_142 = arith.constant 1 : i32
    scf.for %scan3A_148 = %scan3A to %scan3A_141 step %scan3A_142  : i32 {
      %add3A_149 = arith.constant 1 : i32
      %add3A_150 = arith.addi %scan3A_148, %add3A_149 : i32
      %lt3A = arith.constant 128 : i32
      %lt3A_151 = arith.cmpi slt, %add3A_150, %lt3A : i32
      %jit3A = arith.constant 4 : i32
      %eq3A = arith.constant 0 : i32
      %eq3A_152 = arith.cmpi eq, %jit3A, %eq3A : i32
      %jit3A_153 = arith.constant 1 : i32
      %select_n3A = arith.select %eq3A_152, %jit3A_153, %jit3A : i32
      %rem3A = arith.remsi %add3A_150, %select_n3A : i32
      %ne3A = arith.constant 0 : i32
      %ne3A_154 = arith.cmpi ne, %rem3A, %ne3A : i32
      %lt3A_155 = arith.constant 0 : i32
      %lt3A_156 = arith.cmpi slt, %rem3A, %lt3A_155 : i32
      %lt3A_157 = arith.constant 0 : i32
      %lt3A_158 = arith.cmpi slt, %select_n3A, %lt3A_157 : i32
      %ne3A_159 = arith.xori %lt3A_156, %lt3A_158 : i1
      %and3A = arith.andi %ne3A_159, %ne3A_154 : i1
      %add3A_160 = arith.addi %rem3A, %select_n3A : i32
      %select_n3A_161 = arith.select %and3A, %add3A_160, %rem3A : i32
      %eq3A_162 = arith.constant 0 : i32
      %eq3A_163 = arith.cmpi eq, %select_n3A_161, %eq3A_162 : i32
      %and3A_164 = arith.andi %lt3A_151, %eq3A_163 : i1
      %convert_element_type3A = arith.extui %and3A_164 : i1 to i32
      %cond3A = arith.constant 0 : i32
      %cond3A_165 = arith.cmpi ne, %convert_element_type3A, %cond3A : i32
      scf.if %cond3A_165 {
        %jit3A_322 = arith.constant 4 : i32
        %div3A = arith.divsi %add3A_150, %jit3A_322 : i32
        %sign3A = arith.constant 0 : i32
        %sign3A_323 = arith.cmpi sgt, %add3A_150, %sign3A : i32
        %sign3A_324 = arith.extui %sign3A_323 : i1 to i32
        %sign3A_325 = arith.constant 0 : i32
        %sign3A_326 = arith.cmpi slt, %add3A_150, %sign3A_325 : i32
        %sign3A_327 = arith.extui %sign3A_326 : i1 to i32
        %sign3A_328 = arith.subi %sign3A_324, %sign3A_327 : i32
        %sign3A_329 = arith.constant 0 : i32
        %sign3A_330 = arith.cmpi sgt, %jit3A_322, %sign3A_329 : i32
        %sign3A_331 = arith.extui %sign3A_330 : i1 to i32
        %sign3A_332 = arith.constant 0 : i32
        %sign3A_333 = arith.cmpi slt, %jit3A_322, %sign3A_332 : i32
        %sign3A_334 = arith.extui %sign3A_333 : i1 to i32
        %sign3A_335 = arith.subi %sign3A_331, %sign3A_334 : i32
        %ne3A_336 = arith.cmpi ne, %sign3A_328, %sign3A_335 : i32
        %rem3A_337 = arith.remsi %add3A_150, %jit3A_322 : i32
        %ne3A_338 = arith.constant 0 : i32
        %ne3A_339 = arith.cmpi ne, %rem3A_337, %ne3A_338 : i32
        %and3A_340 = arith.andi %ne3A_336, %ne3A_339 : i1
        %sub3A = arith.constant 1 : i32
        %sub3A_341 = arith.subi %div3A, %sub3A : i32
        %select_n3A_342 = arith.select %and3A_340, %sub3A_341, %div3A : i32
        %mul3A_343 = arith.constant 16 : i32
        %mul3A_344 = arith.muli %select_n3A_342, %mul3A_343 : i32
        %get3A_345 = arith.index_cast %mul3A_344 : i32 to index
        %get3A_346 = tpu.vector_load %arg8[%get3A_345] {strides = array<i32>} : memref<512xi32, #tpu.memory_space<vmem>>, vector<16xi32>,
        %jit3A_347 = arith.constant 4 : i32
        %div3A_348 = arith.divsi %add3A_150, %jit3A_347 : i32
        %sign3A_349 = arith.constant 0 : i32
        %sign3A_350 = arith.cmpi sgt, %add3A_150, %sign3A_349 : i32
        %sign3A_351 = arith.extui %sign3A_350 : i1 to i32
        %sign3A_352 = arith.constant 0 : i32
        %sign3A_353 = arith.cmpi slt, %add3A_150, %sign3A_352 : i32
        %sign3A_354 = arith.extui %sign3A_353 : i1 to i32
        %sign3A_355 = arith.subi %sign3A_351, %sign3A_354 : i32
        %sign3A_356 = arith.constant 0 : i32
        %sign3A_357 = arith.cmpi sgt, %jit3A_347, %sign3A_356 : i32
        %sign3A_358 = arith.extui %sign3A_357 : i1 to i32
        %sign3A_359 = arith.constant 0 : i32
        %sign3A_360 = arith.cmpi slt, %jit3A_347, %sign3A_359 : i32
        %sign3A_361 = arith.extui %sign3A_360 : i1 to i32
        %sign3A_362 = arith.subi %sign3A_358, %sign3A_361 : i32
        %ne3A_363 = arith.cmpi ne, %sign3A_355, %sign3A_362 : i32
        %rem3A_364 = arith.remsi %add3A_150, %jit3A_347 : i32
        %ne3A_365 = arith.constant 0 : i32
        %ne3A_366 = arith.cmpi ne, %rem3A_364, %ne3A_365 : i32
        %and3A_367 = arith.andi %ne3A_363, %ne3A_366 : i1
        %sub3A_368 = arith.constant 1 : i32
        %sub3A_369 = arith.subi %div3A_348, %sub3A_368 : i32
        %select_n3A_370 = arith.select %and3A_367, %sub3A_369, %div3A_348 : i32
        %mul3A_371 = arith.constant 16 : i32
        %mul3A_372 = arith.muli %select_n3A_370, %mul3A_371 : i32
        %get3A_373 = arith.index_cast %mul3A_372 : i32 to index
        %get3A_374 = tpu.vector_load %arg9[%get3A_373] {strides = array<i32>} : memref<512xi32, #tpu.memory_space<vmem>>, vector<16xi32>,
        %slice3A_375 = vector.extract_strided_slice %get3A_346 {offsets = [0], sizes = [1], strides = [1]} : vector<16xi32> to vector<1xi32>
        %squeeze3A_376 = vector.extract %slice3A_375[0] : i32 from vector<1xi32>
        %slice3A_377 = vector.extract_strided_slice %get3A_374 {offsets = [0], sizes = [1], strides = [1]} : vector<16xi32> to vector<1xi32>
        %squeeze3A_378 = vector.extract %slice3A_377[0] : i32 from vector<1xi32>
        %shift_right_arithmetic3A_379 = arith.constant 7 : i32
        %shift_right_arithmetic3A_380 = arith.shrsi %squeeze3A_376, %shift_right_arithmetic3A_379 : i32
        %mul3A_381 = arith.constant 128 : i32
        %mul3A_382 = arith.muli %shift_right_arithmetic3A_380, %mul3A_381 : i32
        %multiple_of3A_383 = tpu.assume_multiple %mul3A_382, 128 : i32
        %shift_right_arithmetic3A_384 = arith.constant 7 : i32
        %shift_right_arithmetic3A_385 = arith.shrsi %squeeze3A_378, %shift_right_arithmetic3A_384 : i32
        %mul3A_386 = arith.constant 128 : i32
        %mul3A_387 = arith.muli %shift_right_arithmetic3A_385, %mul3A_386 : i32
        %multiple_of3A_388 = tpu.assume_multiple %mul3A_387, 128 : i32
        %dma_start3A_389 = arith.constant 0 : i32
        %dma_start3A_390 = arith.constant 0 : i32
        %dma_start3A_391 = tpu.memref_slice %arg10[%dma_start3A_389, %dma_start3A_390] : memref<128x128xf32, #tpu.memory_space<vmem>> -> memref<32x128xf32, #tpu.memory_space<vmem>>
        %dma_start3A_392 = arith.constant 0 : i32
        %dma_start3A_393 = tpu.memref_slice %arg2[%dma_start3A_392, %multiple_of3A_383] : memref<32x1000000xf32, #tpu.memory_space<hbm>> -> memref<32x128xf32, #tpu.memory_space<hbm>>
        %dma_start3A_394 = arith.constant 0 : i32
        %dma_start3A_395 = arith.constant 0 : i32
        %dma_start3A_396 = tpu.memref_slice %arg10[%dma_start3A_394, %dma_start3A_395] : memref<128x128xf32, #tpu.memory_space<vmem>> -> memref<32x128xf32, #tpu.memory_space<vmem>>
        %dma_start3A_397 = arith.constant 0 : i32
        %dma_start3A_398 = tpu.memref_slice %arg2[%dma_start3A_397, %multiple_of3A_383] : memref<32x1000000xf32, #tpu.memory_space<hbm>> -> memref<32x128xf32, #tpu.memory_space<hbm>>
        tpu.enqueue_dma source(%dma_start3A_398 : memref<32x128xf32, #tpu.memory_space<hbm>>) target(%dma_start3A_396 : memref<32x128xf32, #tpu.memory_space<vmem>>) target_semaphore(%arg16 : memref<!tpu.dma_semaphore, #tpu.memory_space<semaphore_mem>>)
        %dma_start3A_399 = arith.constant 0 : i32
        %dma_start3A_400 = arith.constant 0 : i32
        %dma_start3A_401 = tpu.memref_slice %arg12[%dma_start3A_399, %dma_start3A_400] : memref<128x128xf32, #tpu.memory_space<vmem>> -> memref<32x128xf32, #tpu.memory_space<vmem>>
        %dma_start3A_402 = arith.constant 0 : i32
        %dma_start3A_403 = tpu.memref_slice %arg3[%dma_start3A_402, %multiple_of3A_388] : memref<32x100000xf32, #tpu.memory_space<hbm>> -> memref<32x128xf32, #tpu.memory_space<hbm>>
        %dma_start3A_404 = arith.constant 0 : i32
        %dma_start3A_405 = arith.constant 0 : i32
        %dma_start3A_406 = tpu.memref_slice %arg12[%dma_start3A_404, %dma_start3A_405] : memref<128x128xf32, #tpu.memory_space<vmem>> -> memref<32x128xf32, #tpu.memory_space<vmem>>
        %dma_start3A_407 = arith.constant 0 : i32
        %dma_start3A_408 = tpu.memref_slice %arg3[%dma_start3A_407, %multiple_of3A_388] : memref<32x100000xf32, #tpu.memory_space<hbm>> -> memref<32x128xf32, #tpu.memory_space<hbm>>
        tpu.enqueue_dma source(%dma_start3A_408 : memref<32x128xf32, #tpu.memory_space<hbm>>) target(%dma_start3A_406 : memref<32x128xf32, #tpu.memory_space<vmem>>) target_semaphore(%arg16 : memref<!tpu.dma_semaphore, #tpu.memory_space<semaphore_mem>>)
        %slice3A_409 = vector.extract_strided_slice %get3A_346 {offsets = [1], sizes = [1], strides = [1]} : vector<16xi32> to vector<1xi32>
        %squeeze3A_410 = vector.extract %slice3A_409[0] : i32 from vector<1xi32>
        %slice3A_411 = vector.extract_strided_slice %get3A_374 {offsets = [1], sizes = [1], strides = [1]} : vector<16xi32> to vector<1xi32>
        %squeeze3A_412 = vector.extract %slice3A_411[0] : i32 from vector<1xi32>
        %shift_right_arithmetic3A_413 = arith.constant 7 : i32
        %shift_right_arithmetic3A_414 = arith.shrsi %squeeze3A_410, %shift_right_arithmetic3A_413 : i32
        %mul3A_415 = arith.constant 128 : i32
        %mul3A_416 = arith.muli %shift_right_arithmetic3A_414, %mul3A_415 : i32
        %multiple_of3A_417 = tpu.assume_multiple %mul3A_416, 128 : i32
        %shift_right_arithmetic3A_418 = arith.constant 7 : i32
        %shift_right_arithmetic3A_419 = arith.shrsi %squeeze3A_412, %shift_right_arithmetic3A_418 : i32
        %mul3A_420 = arith.constant 128 : i32
        %mul3A_421 = arith.muli %shift_right_arithmetic3A_419, %mul3A_420 : i32
        %multiple_of3A_422 = tpu.assume_multiple %mul3A_421, 128 : i32
        %dma_start3A_423 = arith.constant 32 : i32
        %dma_start3A_424 = arith.constant 0 : i32
        %dma_start3A_425 = tpu.memref_slice %arg10[%dma_start3A_423, %dma_start3A_424] : memref<128x128xf32, #tpu.memory_space<vmem>> -> memref<32x128xf32, #tpu.memory_space<vmem>>
        %dma_start3A_426 = arith.constant 0 : i32
        %dma_start3A_427 = tpu.memref_slice %arg2[%dma_start3A_426, %multiple_of3A_417] : memref<32x1000000xf32, #tpu.memory_space<hbm>> -> memref<32x128xf32, #tpu.memory_space<hbm>>
        %dma_start3A_428 = arith.constant 32 : i32
        %dma_start3A_429 = arith.constant 0 : i32
        %dma_start3A_430 = tpu.memref_slice %arg10[%dma_start3A_428, %dma_start3A_429] : memref<128x128xf32, #tpu.memory_space<vmem>> -> memref<32x128xf32, #tpu.memory_space<vmem>>
        %dma_start3A_431 = arith.constant 0 : i32
        %dma_start3A_432 = tpu.memref_slice %arg2[%dma_start3A_431, %multiple_of3A_417] : memref<32x1000000xf32, #tpu.memory_space<hbm>> -> memref<32x128xf32, #tpu.memory_space<hbm>>
        tpu.enqueue_dma source(%dma_start3A_432 : memref<32x128xf32, #tpu.memory_space<hbm>>) target(%dma_start3A_430 : memref<32x128xf32, #tpu.memory_space<vmem>>) target_semaphore(%arg16 : memref<!tpu.dma_semaphore, #tpu.memory_space<semaphore_mem>>)
        %dma_start3A_433 = arith.constant 32 : i32
        %dma_start3A_434 = arith.constant 0 : i32
        %dma_start3A_435 = tpu.memref_slice %arg12[%dma_start3A_433, %dma_start3A_434] : memref<128x128xf32, #tpu.memory_space<vmem>> -> memref<32x128xf32, #tpu.memory_space<vmem>>
        %dma_start3A_436 = arith.constant 0 : i32
        %dma_start3A_437 = tpu.memref_slice %arg3[%dma_start3A_436, %multiple_of3A_422] : memref<32x100000xf32, #tpu.memory_space<hbm>> -> memref<32x128xf32, #tpu.memory_space<hbm>>
        %dma_start3A_438 = arith.constant 32 : i32
        %dma_start3A_439 = arith.constant 0 : i32
        %dma_start3A_440 = tpu.memref_slice %arg12[%dma_start3A_438, %dma_start3A_439] : memref<128x128xf32, #tpu.memory_space<vmem>> -> memref<32x128xf32, #tpu.memory_space<vmem>>
        %dma_start3A_441 = arith.constant 0 : i32
        %dma_start3A_442 = tpu.memref_slice %arg3[%dma_start3A_441, %multiple_of3A_422] : memref<32x100000xf32, #tpu.memory_space<hbm>> -> memref<32x128xf32, #tpu.memory_space<hbm>>
        tpu.enqueue_dma source(%dma_start3A_442 : memref<32x128xf32, #tpu.memory_space<hbm>>) target(%dma_start3A_440 : memref<32x128xf32, #tpu.memory_space<vmem>>) target_semaphore(%arg16 : memref<!tpu.dma_semaphore, #tpu.memory_space<semaphore_mem>>)
        %slice3A_443 = vector.extract_strided_slice %get3A_346 {offsets = [2], sizes = [1], strides = [1]} : vector<16xi32> to vector<1xi32>
        %squeeze3A_444 = vector.extract %slice3A_443[0] : i32 from vector<1xi32>
        %slice3A_445 = vector.extract_strided_slice %get3A_374 {offsets = [2], sizes = [1], strides = [1]} : vector<16xi32> to vector<1xi32>
        %squeeze3A_446 = vector.extract %slice3A_445[0] : i32 from vector<1xi32>
        %shift_right_arithmetic3A_447 = arith.constant 7 : i32
        %shift_right_arithmetic3A_448 = arith.shrsi %squeeze3A_444, %shift_right_arithmetic3A_447 : i32
        %mul3A_449 = arith.constant 128 : i32
        %mul3A_450 = arith.muli %shift_right_arithmetic3A_448, %mul3A_449 : i32
        %multiple_of3A_451 = tpu.assume_multiple %mul3A_450, 128 : i32
        %shift_right_arithmetic3A_452 = arith.constant 7 : i32
        %shift_right_arithmetic3A_453 = arith.shrsi %squeeze3A_446, %shift_right_arithmetic3A_452 : i32
        %mul3A_454 = arith.constant 128 : i32
        %mul3A_455 = arith.muli %shift_right_arithmetic3A_453, %mul3A_454 : i32
        %multiple_of3A_456 = tpu.assume_multiple %mul3A_455, 128 : i32
        %dma_start3A_457 = arith.constant 64 : i32
        %dma_start3A_458 = arith.constant 0 : i32
        %dma_start3A_459 = tpu.memref_slice %arg10[%dma_start3A_457, %dma_start3A_458] : memref<128x128xf32, #tpu.memory_space<vmem>> -> memref<32x128xf32, #tpu.memory_space<vmem>>
        %dma_start3A_460 = arith.constant 0 : i32
        %dma_start3A_461 = tpu.memref_slice %arg2[%dma_start3A_460, %multiple_of3A_451] : memref<32x1000000xf32, #tpu.memory_space<hbm>> -> memref<32x128xf32, #tpu.memory_space<hbm>>
        %dma_start3A_462 = arith.constant 64 : i32
        %dma_start3A_463 = arith.constant 0 : i32
        %dma_start3A_464 = tpu.memref_slice %arg10[%dma_start3A_462, %dma_start3A_463] : memref<128x128xf32, #tpu.memory_space<vmem>> -> memref<32x128xf32, #tpu.memory_space<vmem>>
        %dma_start3A_465 = arith.constant 0 : i32
        %dma_start3A_466 = tpu.memref_slice %arg2[%dma_start3A_465, %multiple_of3A_451] : memref<32x1000000xf32, #tpu.memory_space<hbm>> -> memref<32x128xf32, #tpu.memory_space<hbm>>
        tpu.enqueue_dma source(%dma_start3A_466 : memref<32x128xf32, #tpu.memory_space<hbm>>) target(%dma_start3A_464 : memref<32x128xf32, #tpu.memory_space<vmem>>) target_semaphore(%arg16 : memref<!tpu.dma_semaphore, #tpu.memory_space<semaphore_mem>>)
        %dma_start3A_467 = arith.constant 64 : i32
        %dma_start3A_468 = arith.constant 0 : i32
        %dma_start3A_469 = tpu.memref_slice %arg12[%dma_start3A_467, %dma_start3A_468] : memref<128x128xf32, #tpu.memory_space<vmem>> -> memref<32x128xf32, #tpu.memory_space<vmem>>
        %dma_start3A_470 = arith.constant 0 : i32
        %dma_start3A_471 = tpu.memref_slice %arg3[%dma_start3A_470, %multiple_of3A_456] : memref<32x100000xf32, #tpu.memory_space<hbm>> -> memref<32x128xf32, #tpu.memory_space<hbm>>
        %dma_start3A_472 = arith.constant 64 : i32
        %dma_start3A_473 = arith.constant 0 : i32
        %dma_start3A_474 = tpu.memref_slice %arg12[%dma_start3A_472, %dma_start3A_473] : memref<128x128xf32, #tpu.memory_space<vmem>> -> memref<32x128xf32, #tpu.memory_space<vmem>>
        %dma_start3A_475 = arith.constant 0 : i32
        %dma_start3A_476 = tpu.memref_slice %arg3[%dma_start3A_475, %multiple_of3A_456] : memref<32x100000xf32, #tpu.memory_space<hbm>> -> memref<32x128xf32, #tpu.memory_space<hbm>>
        tpu.enqueue_dma source(%dma_start3A_476 : memref<32x128xf32, #tpu.memory_space<hbm>>) target(%dma_start3A_474 : memref<32x128xf32, #tpu.memory_space<vmem>>) target_semaphore(%arg16 : memref<!tpu.dma_semaphore, #tpu.memory_space<semaphore_mem>>)
        %slice3A_477 = vector.extract_strided_slice %get3A_346 {offsets = [3], sizes = [1], strides = [1]} : vector<16xi32> to vector<1xi32>
        %squeeze3A_478 = vector.extract %slice3A_477[0] : i32 from vector<1xi32>
        %slice3A_479 = vector.extract_strided_slice %get3A_374 {offsets = [3], sizes = [1], strides = [1]} : vector<16xi32> to vector<1xi32>
        %squeeze3A_480 = vector.extract %slice3A_479[0] : i32 from vector<1xi32>
        %shift_right_arithmetic3A_481 = arith.constant 7 : i32
        %shift_right_arithmetic3A_482 = arith.shrsi %squeeze3A_478, %shift_right_arithmetic3A_481 : i32
        %mul3A_483 = arith.constant 128 : i32
        %mul3A_484 = arith.muli %shift_right_arithmetic3A_482, %mul3A_483 : i32
        %multiple_of3A_485 = tpu.assume_multiple %mul3A_484, 128 : i32
        %shift_right_arithmetic3A_486 = arith.constant 7 : i32
        %shift_right_arithmetic3A_487 = arith.shrsi %squeeze3A_480, %shift_right_arithmetic3A_486 : i32
        %mul3A_488 = arith.constant 128 : i32
        %mul3A_489 = arith.muli %shift_right_arithmetic3A_487, %mul3A_488 : i32
        %multiple_of3A_490 = tpu.assume_multiple %mul3A_489, 128 : i32
        %dma_start3A_491 = arith.constant 96 : i32
        %dma_start3A_492 = arith.constant 0 : i32
        %dma_start3A_493 = tpu.memref_slice %arg10[%dma_start3A_491, %dma_start3A_492] : memref<128x128xf32, #tpu.memory_space<vmem>> -> memref<32x128xf32, #tpu.memory_space<vmem>>
        %dma_start3A_494 = arith.constant 0 : i32
        %dma_start3A_495 = tpu.memref_slice %arg2[%dma_start3A_494, %multiple_of3A_485] : memref<32x1000000xf32, #tpu.memory_space<hbm>> -> memref<32x128xf32, #tpu.memory_space<hbm>>
        %dma_start3A_496 = arith.constant 96 : i32
        %dma_start3A_497 = arith.constant 0 : i32
        %dma_start3A_498 = tpu.memref_slice %arg10[%dma_start3A_496, %dma_start3A_497] : memref<128x128xf32, #tpu.memory_space<vmem>> -> memref<32x128xf32, #tpu.memory_space<vmem>>
        %dma_start3A_499 = arith.constant 0 : i32
        %dma_start3A_500 = tpu.memref_slice %arg2[%dma_start3A_499, %multiple_of3A_485] : memref<32x1000000xf32, #tpu.memory_space<hbm>> -> memref<32x128xf32, #tpu.memory_space<hbm>>
        tpu.enqueue_dma source(%dma_start3A_500 : memref<32x128xf32, #tpu.memory_space<hbm>>) target(%dma_start3A_498 : memref<32x128xf32, #tpu.memory_space<vmem>>) target_semaphore(%arg16 : memref<!tpu.dma_semaphore, #tpu.memory_space<semaphore_mem>>)
        %dma_start3A_501 = arith.constant 96 : i32
        %dma_start3A_502 = arith.constant 0 : i32
        %dma_start3A_503 = tpu.memref_slice %arg12[%dma_start3A_501, %dma_start3A_502] : memref<128x128xf32, #tpu.memory_space<vmem>> -> memref<32x128xf32, #tpu.memory_space<vmem>>
        %dma_start3A_504 = arith.constant 0 : i32
        %dma_start3A_505 = tpu.memref_slice %arg3[%dma_start3A_504, %multiple_of3A_490] : memref<32x100000xf32, #tpu.memory_space<hbm>> -> memref<32x128xf32, #tpu.memory_space<hbm>>
        %dma_start3A_506 = arith.constant 96 : i32
        %dma_start3A_507 = arith.constant 0 : i32
        %dma_start3A_508 = tpu.memref_slice %arg12[%dma_start3A_506, %dma_start3A_507] : memref<128x128xf32, #tpu.memory_space<vmem>> -> memref<32x128xf32, #tpu.memory_space<vmem>>
        %dma_start3A_509 = arith.constant 0 : i32
        %dma_start3A_510 = tpu.memref_slice %arg3[%dma_start3A_509, %multiple_of3A_490] : memref<32x100000xf32, #tpu.memory_space<hbm>> -> memref<32x128xf32, #tpu.memory_space<hbm>>
        tpu.enqueue_dma source(%dma_start3A_510 : memref<32x128xf32, #tpu.memory_space<hbm>>) target(%dma_start3A_508 : memref<32x128xf32, #tpu.memory_space<vmem>>) target_semaphore(%arg16 : memref<!tpu.dma_semaphore, #tpu.memory_space<semaphore_mem>>)
      } else {
      }
      %lt3A_166 = arith.constant 128 : i32
      %lt3A_167 = arith.cmpi slt, %add3A_150, %lt3A_166 : i32
      %jit3A_168 = arith.constant 4 : i32
      %eq3A_169 = arith.constant 0 : i32
      %eq3A_170 = arith.cmpi eq, %jit3A_168, %eq3A_169 : i32
      %jit3A_171 = arith.constant 1 : i32
      %select_n3A_172 = arith.select %eq3A_170, %jit3A_171, %jit3A_168 : i32
      %rem3A_173 = arith.remsi %add3A_150, %select_n3A_172 : i32
      %ne3A_174 = arith.constant 0 : i32
      %ne3A_175 = arith.cmpi ne, %rem3A_173, %ne3A_174 : i32
      %lt3A_176 = arith.constant 0 : i32
      %lt3A_177 = arith.cmpi slt, %rem3A_173, %lt3A_176 : i32
      %lt3A_178 = arith.constant 0 : i32
      %lt3A_179 = arith.cmpi slt, %select_n3A_172, %lt3A_178 : i32
      %ne3A_180 = arith.xori %lt3A_177, %lt3A_179 : i1
      %and3A_181 = arith.andi %ne3A_180, %ne3A_175 : i1
      %add3A_182 = arith.addi %rem3A_173, %select_n3A_172 : i32
      %select_n3A_183 = arith.select %and3A_181, %add3A_182, %rem3A_173 : i32
      %eq3A_184 = arith.constant 1 : i32
      %eq3A_185 = arith.cmpi eq, %select_n3A_183, %eq3A_184 : i32
      %and3A_186 = arith.andi %lt3A_167, %eq3A_185 : i1
      %convert_element_type3A_187 = arith.extui %and3A_186 : i1 to i32
      %cond3A_188 = arith.constant 0 : i32
      %cond3A_189 = arith.cmpi ne, %convert_element_type3A_187, %cond3A_188 : i32
      scf.if %cond3A_189 {
        %jit3A_322 = arith.constant 4 : i32
        %div3A = arith.divsi %add3A_150, %jit3A_322 : i32
        %sign3A = arith.constant 0 : i32
        %sign3A_323 = arith.cmpi sgt, %add3A_150, %sign3A : i32
        %sign3A_324 = arith.extui %sign3A_323 : i1 to i32
        %sign3A_325 = arith.constant 0 : i32
        %sign3A_326 = arith.cmpi slt, %add3A_150, %sign3A_325 : i32
        %sign3A_327 = arith.extui %sign3A_326 : i1 to i32
        %sign3A_328 = arith.subi %sign3A_324, %sign3A_327 : i32
        %sign3A_329 = arith.constant 0 : i32
        %sign3A_330 = arith.cmpi sgt, %jit3A_322, %sign3A_329 : i32
        %sign3A_331 = arith.extui %sign3A_330 : i1 to i32
        %sign3A_332 = arith.constant 0 : i32
        %sign3A_333 = arith.cmpi slt, %jit3A_322, %sign3A_332 : i32
        %sign3A_334 = arith.extui %sign3A_333 : i1 to i32
        %sign3A_335 = arith.subi %sign3A_331, %sign3A_334 : i32
        %ne3A_336 = arith.cmpi ne, %sign3A_328, %sign3A_335 : i32
        %rem3A_337 = arith.remsi %add3A_150, %jit3A_322 : i32
        %ne3A_338 = arith.constant 0 : i32
        %ne3A_339 = arith.cmpi ne, %rem3A_337, %ne3A_338 : i32
        %and3A_340 = arith.andi %ne3A_336, %ne3A_339 : i1
        %sub3A = arith.constant 1 : i32
        %sub3A_341 = arith.subi %div3A, %sub3A : i32
        %select_n3A_342 = arith.select %and3A_340, %sub3A_341, %div3A : i32
        %mul3A_343 = arith.constant 16 : i32
        %mul3A_344 = arith.muli %select_n3A_342, %mul3A_343 : i32
        %get3A_345 = arith.index_cast %mul3A_344 : i32 to index
        %get3A_346 = tpu.vector_load %arg8[%get3A_345] {strides = array<i32>} : memref<512xi32, #tpu.memory_space<vmem>>, vector<16xi32>,
        %jit3A_347 = arith.constant 4 : i32
        %div3A_348 = arith.divsi %add3A_150, %jit3A_347 : i32
        %sign3A_349 = arith.constant 0 : i32
        %sign3A_350 = arith.cmpi sgt, %add3A_150, %sign3A_349 : i32
        %sign3A_351 = arith.extui %sign3A_350 : i1 to i32
        %sign3A_352 = arith.constant 0 : i32
        %sign3A_353 = arith.cmpi slt, %add3A_150, %sign3A_352 : i32
        %sign3A_354 = arith.extui %sign3A_353 : i1 to i32
        %sign3A_355 = arith.subi %sign3A_351, %sign3A_354 : i32
        %sign3A_356 = arith.constant 0 : i32
        %sign3A_357 = arith.cmpi sgt, %jit3A_347, %sign3A_356 : i32
        %sign3A_358 = arith.extui %sign3A_357 : i1 to i32
        %sign3A_359 = arith.constant 0 : i32
        %sign3A_360 = arith.cmpi slt, %jit3A_347, %sign3A_359 : i32
        %sign3A_361 = arith.extui %sign3A_360 : i1 to i32
        %sign3A_362 = arith.subi %sign3A_358, %sign3A_361 : i32
        %ne3A_363 = arith.cmpi ne, %sign3A_355, %sign3A_362 : i32
        %rem3A_364 = arith.remsi %add3A_150, %jit3A_347 : i32
        %ne3A_365 = arith.constant 0 : i32
        %ne3A_366 = arith.cmpi ne, %rem3A_364, %ne3A_365 : i32
        %and3A_367 = arith.andi %ne3A_363, %ne3A_366 : i1
        %sub3A_368 = arith.constant 1 : i32
        %sub3A_369 = arith.subi %div3A_348, %sub3A_368 : i32
        %select_n3A_370 = arith.select %and3A_367, %sub3A_369, %div3A_348 : i32
        %mul3A_371 = arith.constant 16 : i32
        %mul3A_372 = arith.muli %select_n3A_370, %mul3A_371 : i32
        %get3A_373 = arith.index_cast %mul3A_372 : i32 to index
        %get3A_374 = tpu.vector_load %arg9[%get3A_373] {strides = array<i32>} : memref<512xi32, #tpu.memory_space<vmem>>, vector<16xi32>,
        %slice3A_375 = vector.extract_strided_slice %get3A_346 {offsets = [4], sizes = [1], strides = [1]} : vector<16xi32> to vector<1xi32>
        %squeeze3A_376 = vector.extract %slice3A_375[0] : i32 from vector<1xi32>
        %slice3A_377 = vector.extract_strided_slice %get3A_374 {offsets = [4], sizes = [1], strides = [1]} : vector<16xi32> to vector<1xi32>
        %squeeze3A_378 = vector.extract %slice3A_377[0] : i32 from vector<1xi32>
        %shift_right_arithmetic3A_379 = arith.constant 7 : i32
        %shift_right_arithmetic3A_380 = arith.shrsi %squeeze3A_376, %shift_right_arithmetic3A_379 : i32
        %mul3A_381 = arith.constant 128 : i32
        %mul3A_382 = arith.muli %shift_right_arithmetic3A_380, %mul3A_381 : i32
        %multiple_of3A_383 = tpu.assume_multiple %mul3A_382, 128 : i32
        %shift_right_arithmetic3A_384 = arith.constant 7 : i32
        %shift_right_arithmetic3A_385 = arith.shrsi %squeeze3A_378, %shift_right_arithmetic3A_384 : i32
        %mul3A_386 = arith.constant 128 : i32
        %mul3A_387 = arith.muli %shift_right_arithmetic3A_385, %mul3A_386 : i32
        %multiple_of3A_388 = tpu.assume_multiple %mul3A_387, 128 : i32
        %dma_start3A_389 = arith.constant 0 : i32
        %dma_start3A_390 = arith.constant 0 : i32
        %dma_start3A_391 = tpu.memref_slice %arg11[%dma_start3A_389, %dma_start3A_390] : memref<128x128xf32, #tpu.memory_space<vmem>> -> memref<32x128xf32, #tpu.memory_space<vmem>>
        %dma_start3A_392 = arith.constant 0 : i32
        %dma_start3A_393 = tpu.memref_slice %arg2[%dma_start3A_392, %multiple_of3A_383] : memref<32x1000000xf32, #tpu.memory_space<hbm>> -> memref<32x128xf32, #tpu.memory_space<hbm>>
        %dma_start3A_394 = arith.constant 0 : i32
        %dma_start3A_395 = arith.constant 0 : i32
        %dma_start3A_396 = tpu.memref_slice %arg11[%dma_start3A_394, %dma_start3A_395] : memref<128x128xf32, #tpu.memory_space<vmem>> -> memref<32x128xf32, #tpu.memory_space<vmem>>
        %dma_start3A_397 = arith.constant 0 : i32
        %dma_start3A_398 = tpu.memref_slice %arg2[%dma_start3A_397, %multiple_of3A_383] : memref<32x1000000xf32, #tpu.memory_space<hbm>> -> memref<32x128xf32, #tpu.memory_space<hbm>>
        tpu.enqueue_dma source(%dma_start3A_398 : memref<32x128xf32, #tpu.memory_space<hbm>>) target(%dma_start3A_396 : memref<32x128xf32, #tpu.memory_space<vmem>>) target_semaphore(%arg17 : memref<!tpu.dma_semaphore, #tpu.memory_space<semaphore_mem>>)
        %dma_start3A_399 = arith.constant 0 : i32
        %dma_start3A_400 = arith.constant 0 : i32
        %dma_start3A_401 = tpu.memref_slice %arg13[%dma_start3A_399, %dma_start3A_400] : memref<128x128xf32, #tpu.memory_space<vmem>> -> memref<32x128xf32, #tpu.memory_space<vmem>>
        %dma_start3A_402 = arith.constant 0 : i32
        %dma_start3A_403 = tpu.memref_slice %arg3[%dma_start3A_402, %multiple_of3A_388] : memref<32x100000xf32, #tpu.memory_space<hbm>> -> memref<32x128xf32, #tpu.memory_space<hbm>>
        %dma_start3A_404 = arith.constant 0 : i32
        %dma_start3A_405 = arith.constant 0 : i32
        %dma_start3A_406 = tpu.memref_slice %arg13[%dma_start3A_404, %dma_start3A_405] : memref<128x128xf32, #tpu.memory_space<vmem>> -> memref<32x128xf32, #tpu.memory_space<vmem>>
        %dma_start3A_407 = arith.constant 0 : i32
        %dma_start3A_408 = tpu.memref_slice %arg3[%dma_start3A_407, %multiple_of3A_388] : memref<32x100000xf32, #tpu.memory_space<hbm>> -> memref<32x128xf32, #tpu.memory_space<hbm>>
        tpu.enqueue_dma source(%dma_start3A_408 : memref<32x128xf32, #tpu.memory_space<hbm>>) target(%dma_start3A_406 : memref<32x128xf32, #tpu.memory_space<vmem>>) target_semaphore(%arg17 : memref<!tpu.dma_semaphore, #tpu.memory_space<semaphore_mem>>)
        %slice3A_409 = vector.extract_strided_slice %get3A_346 {offsets = [5], sizes = [1], strides = [1]} : vector<16xi32> to vector<1xi32>
        %squeeze3A_410 = vector.extract %slice3A_409[0] : i32 from vector<1xi32>
        %slice3A_411 = vector.extract_strided_slice %get3A_374 {offsets = [5], sizes = [1], strides = [1]} : vector<16xi32> to vector<1xi32>
        %squeeze3A_412 = vector.extract %slice3A_411[0] : i32 from vector<1xi32>
        %shift_right_arithmetic3A_413 = arith.constant 7 : i32
        %shift_right_arithmetic3A_414 = arith.shrsi %squeeze3A_410, %shift_right_arithmetic3A_413 : i32
        %mul3A_415 = arith.constant 128 : i32
        %mul3A_416 = arith.muli %shift_right_arithmetic3A_414, %mul3A_415 : i32
        %multiple_of3A_417 = tpu.assume_multiple %mul3A_416, 128 : i32
        %shift_right_arithmetic3A_418 = arith.constant 7 : i32
        %shift_right_arithmetic3A_419 = arith.shrsi %squeeze3A_412, %shift_right_arithmetic3A_418 : i32
        %mul3A_420 = arith.constant 128 : i32
        %mul3A_421 = arith.muli %shift_right_arithmetic3A_419, %mul3A_420 : i32
        %multiple_of3A_422 = tpu.assume_multiple %mul3A_421, 128 : i32
        %dma_start3A_423 = arith.constant 32 : i32
        %dma_start3A_424 = arith.constant 0 : i32
        %dma_start3A_425 = tpu.memref_slice %arg11[%dma_start3A_423, %dma_start3A_424] : memref<128x128xf32, #tpu.memory_space<vmem>> -> memref<32x128xf32, #tpu.memory_space<vmem>>
        %dma_start3A_426 = arith.constant 0 : i32
        %dma_start3A_427 = tpu.memref_slice %arg2[%dma_start3A_426, %multiple_of3A_417] : memref<32x1000000xf32, #tpu.memory_space<hbm>> -> memref<32x128xf32, #tpu.memory_space<hbm>>
        %dma_start3A_428 = arith.constant 32 : i32
        %dma_start3A_429 = arith.constant 0 : i32
        %dma_start3A_430 = tpu.memref_slice %arg11[%dma_start3A_428, %dma_start3A_429] : memref<128x128xf32, #tpu.memory_space<vmem>> -> memref<32x128xf32, #tpu.memory_space<vmem>>
        %dma_start3A_431 = arith.constant 0 : i32
        %dma_start3A_432 = tpu.memref_slice %arg2[%dma_start3A_431, %multiple_of3A_417] : memref<32x1000000xf32, #tpu.memory_space<hbm>> -> memref<32x128xf32, #tpu.memory_space<hbm>>
        tpu.enqueue_dma source(%dma_start3A_432 : memref<32x128xf32, #tpu.memory_space<hbm>>) target(%dma_start3A_430 : memref<32x128xf32, #tpu.memory_space<vmem>>) target_semaphore(%arg17 : memref<!tpu.dma_semaphore, #tpu.memory_space<semaphore_mem>>)
        %dma_start3A_433 = arith.constant 32 : i32
        %dma_start3A_434 = arith.constant 0 : i32
        %dma_start3A_435 = tpu.memref_slice %arg13[%dma_start3A_433, %dma_start3A_434] : memref<128x128xf32, #tpu.memory_space<vmem>> -> memref<32x128xf32, #tpu.memory_space<vmem>>
        %dma_start3A_436 = arith.constant 0 : i32
        %dma_start3A_437 = tpu.memref_slice %arg3[%dma_start3A_436, %multiple_of3A_422] : memref<32x100000xf32, #tpu.memory_space<hbm>> -> memref<32x128xf32, #tpu.memory_space<hbm>>
        %dma_start3A_438 = arith.constant 32 : i32
        %dma_start3A_439 = arith.constant 0 : i32
        %dma_start3A_440 = tpu.memref_slice %arg13[%dma_start3A_438, %dma_start3A_439] : memref<128x128xf32, #tpu.memory_space<vmem>> -> memref<32x128xf32, #tpu.memory_space<vmem>>
        %dma_start3A_441 = arith.constant 0 : i32
        %dma_start3A_442 = tpu.memref_slice %arg3[%dma_start3A_441, %multiple_of3A_422] : memref<32x100000xf32, #tpu.memory_space<hbm>> -> memref<32x128xf32, #tpu.memory_space<hbm>>
        tpu.enqueue_dma source(%dma_start3A_442 : memref<32x128xf32, #tpu.memory_space<hbm>>) target(%dma_start3A_440 : memref<32x128xf32, #tpu.memory_space<vmem>>) target_semaphore(%arg17 : memref<!tpu.dma_semaphore, #tpu.memory_space<semaphore_mem>>)
        %slice3A_443 = vector.extract_strided_slice %get3A_346 {offsets = [6], sizes = [1], strides = [1]} : vector<16xi32> to vector<1xi32>
        %squeeze3A_444 = vector.extract %slice3A_443[0] : i32 from vector<1xi32>
        %slice3A_445 = vector.extract_strided_slice %get3A_374 {offsets = [6], sizes = [1], strides = [1]} : vector<16xi32> to vector<1xi32>
        %squeeze3A_446 = vector.extract %slice3A_445[0] : i32 from vector<1xi32>
        %shift_right_arithmetic3A_447 = arith.constant 7 : i32
        %shift_right_arithmetic3A_448 = arith.shrsi %squeeze3A_444, %shift_right_arithmetic3A_447 : i32
        %mul3A_449 = arith.constant 128 : i32
        %mul3A_450 = arith.muli %shift_right_arithmetic3A_448, %mul3A_449 : i32
        %multiple_of3A_451 = tpu.assume_multiple %mul3A_450, 128 : i32
        %shift_right_arithmetic3A_452 = arith.constant 7 : i32
        %shift_right_arithmetic3A_453 = arith.shrsi %squeeze3A_446, %shift_right_arithmetic3A_452 : i32
        %mul3A_454 = arith.constant 128 : i32
        %mul3A_455 = arith.muli %shift_right_arithmetic3A_453, %mul3A_454 : i32
        %multiple_of3A_456 = tpu.assume_multiple %mul3A_455, 128 : i32
        %dma_start3A_457 = arith.constant 64 : i32
        %dma_start3A_458 = arith.constant 0 : i32
        %dma_start3A_459 = tpu.memref_slice %arg11[%dma_start3A_457, %dma_start3A_458] : memref<128x128xf32, #tpu.memory_space<vmem>> -> memref<32x128xf32, #tpu.memory_space<vmem>>
        %dma_start3A_460 = arith.constant 0 : i32
        %dma_start3A_461 = tpu.memref_slice %arg2[%dma_start3A_460, %multiple_of3A_451] : memref<32x1000000xf32, #tpu.memory_space<hbm>> -> memref<32x128xf32, #tpu.memory_space<hbm>>
        %dma_start3A_462 = arith.constant 64 : i32
        %dma_start3A_463 = arith.constant 0 : i32
        %dma_start3A_464 = tpu.memref_slice %arg11[%dma_start3A_462, %dma_start3A_463] : memref<128x128xf32, #tpu.memory_space<vmem>> -> memref<32x128xf32, #tpu.memory_space<vmem>>
        %dma_start3A_465 = arith.constant 0 : i32
        %dma_start3A_466 = tpu.memref_slice %arg2[%dma_start3A_465, %multiple_of3A_451] : memref<32x1000000xf32, #tpu.memory_space<hbm>> -> memref<32x128xf32, #tpu.memory_space<hbm>>
        tpu.enqueue_dma source(%dma_start3A_466 : memref<32x128xf32, #tpu.memory_space<hbm>>) target(%dma_start3A_464 : memref<32x128xf32, #tpu.memory_space<vmem>>) target_semaphore(%arg17 : memref<!tpu.dma_semaphore, #tpu.memory_space<semaphore_mem>>)
        %dma_start3A_467 = arith.constant 64 : i32
        %dma_start3A_468 = arith.constant 0 : i32
        %dma_start3A_469 = tpu.memref_slice %arg13[%dma_start3A_467, %dma_start3A_468] : memref<128x128xf32, #tpu.memory_space<vmem>> -> memref<32x128xf32, #tpu.memory_space<vmem>>
        %dma_start3A_470 = arith.constant 0 : i32
        %dma_start3A_471 = tpu.memref_slice %arg3[%dma_start3A_470, %multiple_of3A_456] : memref<32x100000xf32, #tpu.memory_space<hbm>> -> memref<32x128xf32, #tpu.memory_space<hbm>>
        %dma_start3A_472 = arith.constant 64 : i32
        %dma_start3A_473 = arith.constant 0 : i32
        %dma_start3A_474 = tpu.memref_slice %arg13[%dma_start3A_472, %dma_start3A_473] : memref<128x128xf32, #tpu.memory_space<vmem>> -> memref<32x128xf32, #tpu.memory_space<vmem>>
        %dma_start3A_475 = arith.constant 0 : i32
        %dma_start3A_476 = tpu.memref_slice %arg3[%dma_start3A_475, %multiple_of3A_456] : memref<32x100000xf32, #tpu.memory_space<hbm>> -> memref<32x128xf32, #tpu.memory_space<hbm>>
        tpu.enqueue_dma source(%dma_start3A_476 : memref<32x128xf32, #tpu.memory_space<hbm>>) target(%dma_start3A_474 : memref<32x128xf32, #tpu.memory_space<vmem>>) target_semaphore(%arg17 : memref<!tpu.dma_semaphore, #tpu.memory_space<semaphore_mem>>)
        %slice3A_477 = vector.extract_strided_slice %get3A_346 {offsets = [7], sizes = [1], strides = [1]} : vector<16xi32> to vector<1xi32>
        %squeeze3A_478 = vector.extract %slice3A_477[0] : i32 from vector<1xi32>
        %slice3A_479 = vector.extract_strided_slice %get3A_374 {offsets = [7], sizes = [1], strides = [1]} : vector<16xi32> to vector<1xi32>
        %squeeze3A_480 = vector.extract %slice3A_479[0] : i32 from vector<1xi32>
        %shift_right_arithmetic3A_481 = arith.constant 7 : i32
        %shift_right_arithmetic3A_482 = arith.shrsi %squeeze3A_478, %shift_right_arithmetic3A_481 : i32
        %mul3A_483 = arith.constant 128 : i32
        %mul3A_484 = arith.muli %shift_right_arithmetic3A_482, %mul3A_483 : i32
        %multiple_of3A_485 = tpu.assume_multiple %mul3A_484, 128 : i32
        %shift_right_arithmetic3A_486 = arith.constant 7 : i32
        %shift_right_arithmetic3A_487 = arith.shrsi %squeeze3A_480, %shift_right_arithmetic3A_486 : i32
        %mul3A_488 = arith.constant 128 : i32
        %mul3A_489 = arith.muli %shift_right_arithmetic3A_487, %mul3A_488 : i32
        %multiple_of3A_490 = tpu.assume_multiple %mul3A_489, 128 : i32
        %dma_start3A_491 = arith.constant 96 : i32
        %dma_start3A_492 = arith.constant 0 : i32
        %dma_start3A_493 = tpu.memref_slice %arg11[%dma_start3A_491, %dma_start3A_492] : memref<128x128xf32, #tpu.memory_space<vmem>> -> memref<32x128xf32, #tpu.memory_space<vmem>>
        %dma_start3A_494 = arith.constant 0 : i32
        %dma_start3A_495 = tpu.memref_slice %arg2[%dma_start3A_494, %multiple_of3A_485] : memref<32x1000000xf32, #tpu.memory_space<hbm>> -> memref<32x128xf32, #tpu.memory_space<hbm>>
        %dma_start3A_496 = arith.constant 96 : i32
        %dma_start3A_497 = arith.constant 0 : i32
        %dma_start3A_498 = tpu.memref_slice %arg11[%dma_start3A_496, %dma_start3A_497] : memref<128x128xf32, #tpu.memory_space<vmem>> -> memref<32x128xf32, #tpu.memory_space<vmem>>
        %dma_start3A_499 = arith.constant 0 : i32
        %dma_start3A_500 = tpu.memref_slice %arg2[%dma_start3A_499, %multiple_of3A_485] : memref<32x1000000xf32, #tpu.memory_space<hbm>> -> memref<32x128xf32, #tpu.memory_space<hbm>>
        tpu.enqueue_dma source(%dma_start3A_500 : memref<32x128xf32, #tpu.memory_space<hbm>>) target(%dma_start3A_498 : memref<32x128xf32, #tpu.memory_space<vmem>>) target_semaphore(%arg17 : memref<!tpu.dma_semaphore, #tpu.memory_space<semaphore_mem>>)
        %dma_start3A_501 = arith.constant 96 : i32
        %dma_start3A_502 = arith.constant 0 : i32
        %dma_start3A_503 = tpu.memref_slice %arg13[%dma_start3A_501, %dma_start3A_502] : memref<128x128xf32, #tpu.memory_space<vmem>> -> memref<32x128xf32, #tpu.memory_space<vmem>>
        %dma_start3A_504 = arith.constant 0 : i32
        %dma_start3A_505 = tpu.memref_slice %arg3[%dma_start3A_504, %multiple_of3A_490] : memref<32x100000xf32, #tpu.memory_space<hbm>> -> memref<32x128xf32, #tpu.memory_space<hbm>>
        %dma_start3A_506 = arith.constant 96 : i32
        %dma_start3A_507 = arith.constant 0 : i32
        %dma_start3A_508 = tpu.memref_slice %arg13[%dma_start3A_506, %dma_start3A_507] : memref<128x128xf32, #tpu.memory_space<vmem>> -> memref<32x128xf32, #tpu.memory_space<vmem>>
        %dma_start3A_509 = arith.constant 0 : i32
        %dma_start3A_510 = tpu.memref_slice %arg3[%dma_start3A_509, %multiple_of3A_490] : memref<32x100000xf32, #tpu.memory_space<hbm>> -> memref<32x128xf32, #tpu.memory_space<hbm>>
        tpu.enqueue_dma source(%dma_start3A_510 : memref<32x128xf32, #tpu.memory_space<hbm>>) target(%dma_start3A_508 : memref<32x128xf32, #tpu.memory_space<vmem>>) target_semaphore(%arg17 : memref<!tpu.dma_semaphore, #tpu.memory_space<semaphore_mem>>)
      } else {
      }
      %lt3A_190 = arith.constant 128 : i32
      %lt3A_191 = arith.cmpi slt, %add3A_150, %lt3A_190 : i32
      %jit3A_192 = arith.constant 4 : i32
      %eq3A_193 = arith.constant 0 : i32
      %eq3A_194 = arith.cmpi eq, %jit3A_192, %eq3A_193 : i32
      %jit3A_195 = arith.constant 1 : i32
      %select_n3A_196 = arith.select %eq3A_194, %jit3A_195, %jit3A_192 : i32
      %rem3A_197 = arith.remsi %add3A_150, %select_n3A_196 : i32
      %ne3A_198 = arith.constant 0 : i32
      %ne3A_199 = arith.cmpi ne, %rem3A_197, %ne3A_198 : i32
      %lt3A_200 = arith.constant 0 : i32
      %lt3A_201 = arith.cmpi slt, %rem3A_197, %lt3A_200 : i32
      %lt3A_202 = arith.constant 0 : i32
      %lt3A_203 = arith.cmpi slt, %select_n3A_196, %lt3A_202 : i32
      %ne3A_204 = arith.xori %lt3A_201, %lt3A_203 : i1
      %and3A_205 = arith.andi %ne3A_204, %ne3A_199 : i1
      %add3A_206 = arith.addi %rem3A_197, %select_n3A_196 : i32
      %select_n3A_207 = arith.select %and3A_205, %add3A_206, %rem3A_197 : i32
      %eq3A_208 = arith.constant 2 : i32
      %eq3A_209 = arith.cmpi eq, %select_n3A_207, %eq3A_208 : i32
      %and3A_210 = arith.andi %lt3A_191, %eq3A_209 : i1
      %convert_element_type3A_211 = arith.extui %and3A_210 : i1 to i32
      %cond3A_212 = arith.constant 0 : i32
      %cond3A_213 = arith.cmpi ne, %convert_element_type3A_211, %cond3A_212 : i32
      scf.if %cond3A_213 {
        %jit3A_322 = arith.constant 4 : i32
        %div3A = arith.divsi %add3A_150, %jit3A_322 : i32
        %sign3A = arith.constant 0 : i32
        %sign3A_323 = arith.cmpi sgt, %add3A_150, %sign3A : i32
        %sign3A_324 = arith.extui %sign3A_323 : i1 to i32
        %sign3A_325 = arith.constant 0 : i32
        %sign3A_326 = arith.cmpi slt, %add3A_150, %sign3A_325 : i32
        %sign3A_327 = arith.extui %sign3A_326 : i1 to i32
        %sign3A_328 = arith.subi %sign3A_324, %sign3A_327 : i32
        %sign3A_329 = arith.constant 0 : i32
        %sign3A_330 = arith.cmpi sgt, %jit3A_322, %sign3A_329 : i32
        %sign3A_331 = arith.extui %sign3A_330 : i1 to i32
        %sign3A_332 = arith.constant 0 : i32
        %sign3A_333 = arith.cmpi slt, %jit3A_322, %sign3A_332 : i32
        %sign3A_334 = arith.extui %sign3A_333 : i1 to i32
        %sign3A_335 = arith.subi %sign3A_331, %sign3A_334 : i32
        %ne3A_336 = arith.cmpi ne, %sign3A_328, %sign3A_335 : i32
        %rem3A_337 = arith.remsi %add3A_150, %jit3A_322 : i32
        %ne3A_338 = arith.constant 0 : i32
        %ne3A_339 = arith.cmpi ne, %rem3A_337, %ne3A_338 : i32
        %and3A_340 = arith.andi %ne3A_336, %ne3A_339 : i1
        %sub3A = arith.constant 1 : i32
        %sub3A_341 = arith.subi %div3A, %sub3A : i32
        %select_n3A_342 = arith.select %and3A_340, %sub3A_341, %div3A : i32
        %mul3A_343 = arith.constant 16 : i32
        %mul3A_344 = arith.muli %select_n3A_342, %mul3A_343 : i32
        %get3A_345 = arith.index_cast %mul3A_344 : i32 to index
        %get3A_346 = tpu.vector_load %arg8[%get3A_345] {strides = array<i32>} : memref<512xi32, #tpu.memory_space<vmem>>, vector<16xi32>,
        %jit3A_347 = arith.constant 4 : i32
        %div3A_348 = arith.divsi %add3A_150, %jit3A_347 : i32
        %sign3A_349 = arith.constant 0 : i32
        %sign3A_350 = arith.cmpi sgt, %add3A_150, %sign3A_349 : i32
        %sign3A_351 = arith.extui %sign3A_350 : i1 to i32
        %sign3A_352 = arith.constant 0 : i32
        %sign3A_353 = arith.cmpi slt, %add3A_150, %sign3A_352 : i32
        %sign3A_354 = arith.extui %sign3A_353 : i1 to i32
        %sign3A_355 = arith.subi %sign3A_351, %sign3A_354 : i32
        %sign3A_356 = arith.constant 0 : i32
        %sign3A_357 = arith.cmpi sgt, %jit3A_347, %sign3A_356 : i32
        %sign3A_358 = arith.extui %sign3A_357 : i1 to i32
        %sign3A_359 = arith.constant 0 : i32
        %sign3A_360 = arith.cmpi slt, %jit3A_347, %sign3A_359 : i32
        %sign3A_361 = arith.extui %sign3A_360 : i1 to i32
        %sign3A_362 = arith.subi %sign3A_358, %sign3A_361 : i32
        %ne3A_363 = arith.cmpi ne, %sign3A_355, %sign3A_362 : i32
        %rem3A_364 = arith.remsi %add3A_150, %jit3A_347 : i32
        %ne3A_365 = arith.constant 0 : i32
        %ne3A_366 = arith.cmpi ne, %rem3A_364, %ne3A_365 : i32
        %and3A_367 = arith.andi %ne3A_363, %ne3A_366 : i1
        %sub3A_368 = arith.constant 1 : i32
        %sub3A_369 = arith.subi %div3A_348, %sub3A_368 : i32
        %select_n3A_370 = arith.select %and3A_367, %sub3A_369, %div3A_348 : i32
        %mul3A_371 = arith.constant 16 : i32
        %mul3A_372 = arith.muli %select_n3A_370, %mul3A_371 : i32
        %get3A_373 = arith.index_cast %mul3A_372 : i32 to index
        %get3A_374 = tpu.vector_load %arg9[%get3A_373] {strides = array<i32>} : memref<512xi32, #tpu.memory_space<vmem>>, vector<16xi32>,
        %slice3A_375 = vector.extract_strided_slice %get3A_346 {offsets = [8], sizes = [1], strides = [1]} : vector<16xi32> to vector<1xi32>
        %squeeze3A_376 = vector.extract %slice3A_375[0] : i32 from vector<1xi32>
        %slice3A_377 = vector.extract_strided_slice %get3A_374 {offsets = [8], sizes = [1], strides = [1]} : vector<16xi32> to vector<1xi32>
        %squeeze3A_378 = vector.extract %slice3A_377[0] : i32 from vector<1xi32>
        %shift_right_arithmetic3A_379 = arith.constant 7 : i32
        %shift_right_arithmetic3A_380 = arith.shrsi %squeeze3A_376, %shift_right_arithmetic3A_379 : i32
        %mul3A_381 = arith.constant 128 : i32
        %mul3A_382 = arith.muli %shift_right_arithmetic3A_380, %mul3A_381 : i32
        %multiple_of3A_383 = tpu.assume_multiple %mul3A_382, 128 : i32
        %shift_right_arithmetic3A_384 = arith.constant 7 : i32
        %shift_right_arithmetic3A_385 = arith.shrsi %squeeze3A_378, %shift_right_arithmetic3A_384 : i32
        %mul3A_386 = arith.constant 128 : i32
        %mul3A_387 = arith.muli %shift_right_arithmetic3A_385, %mul3A_386 : i32
        %multiple_of3A_388 = tpu.assume_multiple %mul3A_387, 128 : i32
        %dma_start3A_389 = arith.constant 0 : i32
        %dma_start3A_390 = arith.constant 0 : i32
        %dma_start3A_391 = tpu.memref_slice %arg10[%dma_start3A_389, %dma_start3A_390] : memref<128x128xf32, #tpu.memory_space<vmem>> -> memref<32x128xf32, #tpu.memory_space<vmem>>
        %dma_start3A_392 = arith.constant 0 : i32
        %dma_start3A_393 = tpu.memref_slice %arg2[%dma_start3A_392, %multiple_of3A_383] : memref<32x1000000xf32, #tpu.memory_space<hbm>> -> memref<32x128xf32, #tpu.memory_space<hbm>>
        %dma_start3A_394 = arith.constant 0 : i32
        %dma_start3A_395 = arith.constant 0 : i32
        %dma_start3A_396 = tpu.memref_slice %arg10[%dma_start3A_394, %dma_start3A_395] : memref<128x128xf32, #tpu.memory_space<vmem>> -> memref<32x128xf32, #tpu.memory_space<vmem>>
        %dma_start3A_397 = arith.constant 0 : i32
        %dma_start3A_398 = tpu.memref_slice %arg2[%dma_start3A_397, %multiple_of3A_383] : memref<32x1000000xf32, #tpu.memory_space<hbm>> -> memref<32x128xf32, #tpu.memory_space<hbm>>
        tpu.enqueue_dma source(%dma_start3A_398 : memref<32x128xf32, #tpu.memory_space<hbm>>) target(%dma_start3A_396 : memref<32x128xf32, #tpu.memory_space<vmem>>) target_semaphore(%arg16 : memref<!tpu.dma_semaphore, #tpu.memory_space<semaphore_mem>>)
        %dma_start3A_399 = arith.constant 0 : i32
        %dma_start3A_400 = arith.constant 0 : i32
        %dma_start3A_401 = tpu.memref_slice %arg12[%dma_start3A_399, %dma_start3A_400] : memref<128x128xf32, #tpu.memory_space<vmem>> -> memref<32x128xf32, #tpu.memory_space<vmem>>
        %dma_start3A_402 = arith.constant 0 : i32
        %dma_start3A_403 = tpu.memref_slice %arg3[%dma_start3A_402, %multiple_of3A_388] : memref<32x100000xf32, #tpu.memory_space<hbm>> -> memref<32x128xf32, #tpu.memory_space<hbm>>
        %dma_start3A_404 = arith.constant 0 : i32
        %dma_start3A_405 = arith.constant 0 : i32
        %dma_start3A_406 = tpu.memref_slice %arg12[%dma_start3A_404, %dma_start3A_405] : memref<128x128xf32, #tpu.memory_space<vmem>> -> memref<32x128xf32, #tpu.memory_space<vmem>>
        %dma_start3A_407 = arith.constant 0 : i32
        %dma_start3A_408 = tpu.memref_slice %arg3[%dma_start3A_407, %multiple_of3A_388] : memref<32x100000xf32, #tpu.memory_space<hbm>> -> memref<32x128xf32, #tpu.memory_space<hbm>>
        tpu.enqueue_dma source(%dma_start3A_408 : memref<32x128xf32, #tpu.memory_space<hbm>>) target(%dma_start3A_406 : memref<32x128xf32, #tpu.memory_space<vmem>>) target_semaphore(%arg16 : memref<!tpu.dma_semaphore, #tpu.memory_space<semaphore_mem>>)
        %slice3A_409 = vector.extract_strided_slice %get3A_346 {offsets = [9], sizes = [1], strides = [1]} : vector<16xi32> to vector<1xi32>
        %squeeze3A_410 = vector.extract %slice3A_409[0] : i32 from vector<1xi32>
        %slice3A_411 = vector.extract_strided_slice %get3A_374 {offsets = [9], sizes = [1], strides = [1]} : vector<16xi32> to vector<1xi32>
        %squeeze3A_412 = vector.extract %slice3A_411[0] : i32 from vector<1xi32>
        %shift_right_arithmetic3A_413 = arith.constant 7 : i32
        %shift_right_arithmetic3A_414 = arith.shrsi %squeeze3A_410, %shift_right_arithmetic3A_413 : i32
        %mul3A_415 = arith.constant 128 : i32
        %mul3A_416 = arith.muli %shift_right_arithmetic3A_414, %mul3A_415 : i32
        %multiple_of3A_417 = tpu.assume_multiple %mul3A_416, 128 : i32
        %shift_right_arithmetic3A_418 = arith.constant 7 : i32
        %shift_right_arithmetic3A_419 = arith.shrsi %squeeze3A_412, %shift_right_arithmetic3A_418 : i32
        %mul3A_420 = arith.constant 128 : i32
        %mul3A_421 = arith.muli %shift_right_arithmetic3A_419, %mul3A_420 : i32
        %multiple_of3A_422 = tpu.assume_multiple %mul3A_421, 128 : i32
        %dma_start3A_423 = arith.constant 32 : i32
        %dma_start3A_424 = arith.constant 0 : i32
        %dma_start3A_425 = tpu.memref_slice %arg10[%dma_start3A_423, %dma_start3A_424] : memref<128x128xf32, #tpu.memory_space<vmem>> -> memref<32x128xf32, #tpu.memory_space<vmem>>
        %dma_start3A_426 = arith.constant 0 : i32
        %dma_start3A_427 = tpu.memref_slice %arg2[%dma_start3A_426, %multiple_of3A_417] : memref<32x1000000xf32, #tpu.memory_space<hbm>> -> memref<32x128xf32, #tpu.memory_space<hbm>>
        %dma_start3A_428 = arith.constant 32 : i32
        %dma_start3A_429 = arith.constant 0 : i32
        %dma_start3A_430 = tpu.memref_slice %arg10[%dma_start3A_428, %dma_start3A_429] : memref<128x128xf32, #tpu.memory_space<vmem>> -> memref<32x128xf32, #tpu.memory_space<vmem>>
        %dma_start3A_431 = arith.constant 0 : i32
        %dma_start3A_432 = tpu.memref_slice %arg2[%dma_start3A_431, %multiple_of3A_417] : memref<32x1000000xf32, #tpu.memory_space<hbm>> -> memref<32x128xf32, #tpu.memory_space<hbm>>
        tpu.enqueue_dma source(%dma_start3A_432 : memref<32x128xf32, #tpu.memory_space<hbm>>) target(%dma_start3A_430 : memref<32x128xf32, #tpu.memory_space<vmem>>) target_semaphore(%arg16 : memref<!tpu.dma_semaphore, #tpu.memory_space<semaphore_mem>>)
        %dma_start3A_433 = arith.constant 32 : i32
        %dma_start3A_434 = arith.constant 0 : i32
        %dma_start3A_435 = tpu.memref_slice %arg12[%dma_start3A_433, %dma_start3A_434] : memref<128x128xf32, #tpu.memory_space<vmem>> -> memref<32x128xf32, #tpu.memory_space<vmem>>
        %dma_start3A_436 = arith.constant 0 : i32
        %dma_start3A_437 = tpu.memref_slice %arg3[%dma_start3A_436, %multiple_of3A_422] : memref<32x100000xf32, #tpu.memory_space<hbm>> -> memref<32x128xf32, #tpu.memory_space<hbm>>
        %dma_start3A_438 = arith.constant 32 : i32
        %dma_start3A_439 = arith.constant 0 : i32
        %dma_start3A_440 = tpu.memref_slice %arg12[%dma_start3A_438, %dma_start3A_439] : memref<128x128xf32, #tpu.memory_space<vmem>> -> memref<32x128xf32, #tpu.memory_space<vmem>>
        %dma_start3A_441 = arith.constant 0 : i32
        %dma_start3A_442 = tpu.memref_slice %arg3[%dma_start3A_441, %multiple_of3A_422] : memref<32x100000xf32, #tpu.memory_space<hbm>> -> memref<32x128xf32, #tpu.memory_space<hbm>>
        tpu.enqueue_dma source(%dma_start3A_442 : memref<32x128xf32, #tpu.memory_space<hbm>>) target(%dma_start3A_440 : memref<32x128xf32, #tpu.memory_space<vmem>>) target_semaphore(%arg16 : memref<!tpu.dma_semaphore, #tpu.memory_space<semaphore_mem>>)
        %slice3A_443 = vector.extract_strided_slice %get3A_346 {offsets = [10], sizes = [1], strides = [1]} : vector<16xi32> to vector<1xi32>
        %squeeze3A_444 = vector.extract %slice3A_443[0] : i32 from vector<1xi32>
        %slice3A_445 = vector.extract_strided_slice %get3A_374 {offsets = [10], sizes = [1], strides = [1]} : vector<16xi32> to vector<1xi32>
        %squeeze3A_446 = vector.extract %slice3A_445[0] : i32 from vector<1xi32>
        %shift_right_arithmetic3A_447 = arith.constant 7 : i32
        %shift_right_arithmetic3A_448 = arith.shrsi %squeeze3A_444, %shift_right_arithmetic3A_447 : i32
        %mul3A_449 = arith.constant 128 : i32
        %mul3A_450 = arith.muli %shift_right_arithmetic3A_448, %mul3A_449 : i32
        %multiple_of3A_451 = tpu.assume_multiple %mul3A_450, 128 : i32
        %shift_right_arithmetic3A_452 = arith.constant 7 : i32
        %shift_right_arithmetic3A_453 = arith.shrsi %squeeze3A_446, %shift_right_arithmetic3A_452 : i32
        %mul3A_454 = arith.constant 128 : i32
        %mul3A_455 = arith.muli %shift_right_arithmetic3A_453, %mul3A_454 : i32
        %multiple_of3A_456 = tpu.assume_multiple %mul3A_455, 128 : i32
        %dma_start3A_457 = arith.constant 64 : i32
        %dma_start3A_458 = arith.constant 0 : i32
        %dma_start3A_459 = tpu.memref_slice %arg10[%dma_start3A_457, %dma_start3A_458] : memref<128x128xf32, #tpu.memory_space<vmem>> -> memref<32x128xf32, #tpu.memory_space<vmem>>
        %dma_start3A_460 = arith.constant 0 : i32
        %dma_start3A_461 = tpu.memref_slice %arg2[%dma_start3A_460, %multiple_of3A_451] : memref<32x1000000xf32, #tpu.memory_space<hbm>> -> memref<32x128xf32, #tpu.memory_space<hbm>>
        %dma_start3A_462 = arith.constant 64 : i32
        %dma_start3A_463 = arith.constant 0 : i32
        %dma_start3A_464 = tpu.memref_slice %arg10[%dma_start3A_462, %dma_start3A_463] : memref<128x128xf32, #tpu.memory_space<vmem>> -> memref<32x128xf32, #tpu.memory_space<vmem>>
        %dma_start3A_465 = arith.constant 0 : i32
        %dma_start3A_466 = tpu.memref_slice %arg2[%dma_start3A_465, %multiple_of3A_451] : memref<32x1000000xf32, #tpu.memory_space<hbm>> -> memref<32x128xf32, #tpu.memory_space<hbm>>
        tpu.enqueue_dma source(%dma_start3A_466 : memref<32x128xf32, #tpu.memory_space<hbm>>) target(%dma_start3A_464 : memref<32x128xf32, #tpu.memory_space<vmem>>) target_semaphore(%arg16 : memref<!tpu.dma_semaphore, #tpu.memory_space<semaphore_mem>>)
        %dma_start3A_467 = arith.constant 64 : i32
        %dma_start3A_468 = arith.constant 0 : i32
        %dma_start3A_469 = tpu.memref_slice %arg12[%dma_start3A_467, %dma_start3A_468] : memref<128x128xf32, #tpu.memory_space<vmem>> -> memref<32x128xf32, #tpu.memory_space<vmem>>
        %dma_start3A_470 = arith.constant 0 : i32
        %dma_start3A_471 = tpu.memref_slice %arg3[%dma_start3A_470, %multiple_of3A_456] : memref<32x100000xf32, #tpu.memory_space<hbm>> -> memref<32x128xf32, #tpu.memory_space<hbm>>
        %dma_start3A_472 = arith.constant 64 : i32
        %dma_start3A_473 = arith.constant 0 : i32
        %dma_start3A_474 = tpu.memref_slice %arg12[%dma_start3A_472, %dma_start3A_473] : memref<128x128xf32, #tpu.memory_space<vmem>> -> memref<32x128xf32, #tpu.memory_space<vmem>>
        %dma_start3A_475 = arith.constant 0 : i32
        %dma_start3A_476 = tpu.memref_slice %arg3[%dma_start3A_475, %multiple_of3A_456] : memref<32x100000xf32, #tpu.memory_space<hbm>> -> memref<32x128xf32, #tpu.memory_space<hbm>>
        tpu.enqueue_dma source(%dma_start3A_476 : memref<32x128xf32, #tpu.memory_space<hbm>>) target(%dma_start3A_474 : memref<32x128xf32, #tpu.memory_space<vmem>>) target_semaphore(%arg16 : memref<!tpu.dma_semaphore, #tpu.memory_space<semaphore_mem>>)
        %slice3A_477 = vector.extract_strided_slice %get3A_346 {offsets = [11], sizes = [1], strides = [1]} : vector<16xi32> to vector<1xi32>
        %squeeze3A_478 = vector.extract %slice3A_477[0] : i32 from vector<1xi32>
        %slice3A_479 = vector.extract_strided_slice %get3A_374 {offsets = [11], sizes = [1], strides = [1]} : vector<16xi32> to vector<1xi32>
        %squeeze3A_480 = vector.extract %slice3A_479[0] : i32 from vector<1xi32>
        %shift_right_arithmetic3A_481 = arith.constant 7 : i32
        %shift_right_arithmetic3A_482 = arith.shrsi %squeeze3A_478, %shift_right_arithmetic3A_481 : i32
        %mul3A_483 = arith.constant 128 : i32
        %mul3A_484 = arith.muli %shift_right_arithmetic3A_482, %mul3A_483 : i32
        %multiple_of3A_485 = tpu.assume_multiple %mul3A_484, 128 : i32
        %shift_right_arithmetic3A_486 = arith.constant 7 : i32
        %shift_right_arithmetic3A_487 = arith.shrsi %squeeze3A_480, %shift_right_arithmetic3A_486 : i32
        %mul3A_488 = arith.constant 128 : i32
        %mul3A_489 = arith.muli %shift_right_arithmetic3A_487, %mul3A_488 : i32
        %multiple_of3A_490 = tpu.assume_multiple %mul3A_489, 128 : i32
        %dma_start3A_491 = arith.constant 96 : i32
        %dma_start3A_492 = arith.constant 0 : i32
        %dma_start3A_493 = tpu.memref_slice %arg10[%dma_start3A_491, %dma_start3A_492] : memref<128x128xf32, #tpu.memory_space<vmem>> -> memref<32x128xf32, #tpu.memory_space<vmem>>
        %dma_start3A_494 = arith.constant 0 : i32
        %dma_start3A_495 = tpu.memref_slice %arg2[%dma_start3A_494, %multiple_of3A_485] : memref<32x1000000xf32, #tpu.memory_space<hbm>> -> memref<32x128xf32, #tpu.memory_space<hbm>>
        %dma_start3A_496 = arith.constant 96 : i32
        %dma_start3A_497 = arith.constant 0 : i32
        %dma_start3A_498 = tpu.memref_slice %arg10[%dma_start3A_496, %dma_start3A_497] : memref<128x128xf32, #tpu.memory_space<vmem>> -> memref<32x128xf32, #tpu.memory_space<vmem>>
        %dma_start3A_499 = arith.constant 0 : i32
        %dma_start3A_500 = tpu.memref_slice %arg2[%dma_start3A_499, %multiple_of3A_485] : memref<32x1000000xf32, #tpu.memory_space<hbm>> -> memref<32x128xf32, #tpu.memory_space<hbm>>
        tpu.enqueue_dma source(%dma_start3A_500 : memref<32x128xf32, #tpu.memory_space<hbm>>) target(%dma_start3A_498 : memref<32x128xf32, #tpu.memory_space<vmem>>) target_semaphore(%arg16 : memref<!tpu.dma_semaphore, #tpu.memory_space<semaphore_mem>>)
        %dma_start3A_501 = arith.constant 96 : i32
        %dma_start3A_502 = arith.constant 0 : i32
        %dma_start3A_503 = tpu.memref_slice %arg12[%dma_start3A_501, %dma_start3A_502] : memref<128x128xf32, #tpu.memory_space<vmem>> -> memref<32x128xf32, #tpu.memory_space<vmem>>
        %dma_start3A_504 = arith.constant 0 : i32
        %dma_start3A_505 = tpu.memref_slice %arg3[%dma_start3A_504, %multiple_of3A_490] : memref<32x100000xf32, #tpu.memory_space<hbm>> -> memref<32x128xf32, #tpu.memory_space<hbm>>
        %dma_start3A_506 = arith.constant 96 : i32
        %dma_start3A_507 = arith.constant 0 : i32
        %dma_start3A_508 = tpu.memref_slice %arg12[%dma_start3A_506, %dma_start3A_507] : memref<128x128xf32, #tpu.memory_space<vmem>> -> memref<32x128xf32, #tpu.memory_space<vmem>>
        %dma_start3A_509 = arith.constant 0 : i32
        %dma_start3A_510 = tpu.memref_slice %arg3[%dma_start3A_509, %multiple_of3A_490] : memref<32x100000xf32, #tpu.memory_space<hbm>> -> memref<32x128xf32, #tpu.memory_space<hbm>>
        tpu.enqueue_dma source(%dma_start3A_510 : memref<32x128xf32, #tpu.memory_space<hbm>>) target(%dma_start3A_508 : memref<32x128xf32, #tpu.memory_space<vmem>>) target_semaphore(%arg16 : memref<!tpu.dma_semaphore, #tpu.memory_space<semaphore_mem>>)
      } else {
      }
      %lt3A_214 = arith.constant 128 : i32
      %lt3A_215 = arith.cmpi slt, %add3A_150, %lt3A_214 : i32
      %jit3A_216 = arith.constant 4 : i32
      %eq3A_217 = arith.constant 0 : i32
      %eq3A_218 = arith.cmpi eq, %jit3A_216, %eq3A_217 : i32
      %jit3A_219 = arith.constant 1 : i32
      %select_n3A_220 = arith.select %eq3A_218, %jit3A_219, %jit3A_216 : i32
      %rem3A_221 = arith.remsi %add3A_150, %select_n3A_220 : i32
      %ne3A_222 = arith.constant 0 : i32
      %ne3A_223 = arith.cmpi ne, %rem3A_221, %ne3A_222 : i32
      %lt3A_224 = arith.constant 0 : i32
      %lt3A_225 = arith.cmpi slt, %rem3A_221, %lt3A_224 : i32
      %lt3A_226 = arith.constant 0 : i32
      %lt3A_227 = arith.cmpi slt, %select_n3A_220, %lt3A_226 : i32
      %ne3A_228 = arith.xori %lt3A_225, %lt3A_227 : i1
      %and3A_229 = arith.andi %ne3A_228, %ne3A_223 : i1
      %add3A_230 = arith.addi %rem3A_221, %select_n3A_220 : i32
      %select_n3A_231 = arith.select %and3A_229, %add3A_230, %rem3A_221 : i32
      %eq3A_232 = arith.constant 3 : i32
      %eq3A_233 = arith.cmpi eq, %select_n3A_231, %eq3A_232 : i32
      %and3A_234 = arith.andi %lt3A_215, %eq3A_233 : i1
      %convert_element_type3A_235 = arith.extui %and3A_234 : i1 to i32
      %cond3A_236 = arith.constant 0 : i32
      %cond3A_237 = arith.cmpi ne, %convert_element_type3A_235, %cond3A_236 : i32
      scf.if %cond3A_237 {
        %jit3A_322 = arith.constant 4 : i32
        %div3A = arith.divsi %add3A_150, %jit3A_322 : i32
        %sign3A = arith.constant 0 : i32
        %sign3A_323 = arith.cmpi sgt, %add3A_150, %sign3A : i32
        %sign3A_324 = arith.extui %sign3A_323 : i1 to i32
        %sign3A_325 = arith.constant 0 : i32
        %sign3A_326 = arith.cmpi slt, %add3A_150, %sign3A_325 : i32
        %sign3A_327 = arith.extui %sign3A_326 : i1 to i32
        %sign3A_328 = arith.subi %sign3A_324, %sign3A_327 : i32
        %sign3A_329 = arith.constant 0 : i32
        %sign3A_330 = arith.cmpi sgt, %jit3A_322, %sign3A_329 : i32
        %sign3A_331 = arith.extui %sign3A_330 : i1 to i32
        %sign3A_332 = arith.constant 0 : i32
        %sign3A_333 = arith.cmpi slt, %jit3A_322, %sign3A_332 : i32
        %sign3A_334 = arith.extui %sign3A_333 : i1 to i32
        %sign3A_335 = arith.subi %sign3A_331, %sign3A_334 : i32
        %ne3A_336 = arith.cmpi ne, %sign3A_328, %sign3A_335 : i32
        %rem3A_337 = arith.remsi %add3A_150, %jit3A_322 : i32
        %ne3A_338 = arith.constant 0 : i32
        %ne3A_339 = arith.cmpi ne, %rem3A_337, %ne3A_338 : i32
        %and3A_340 = arith.andi %ne3A_336, %ne3A_339 : i1
        %sub3A = arith.constant 1 : i32
        %sub3A_341 = arith.subi %div3A, %sub3A : i32
        %select_n3A_342 = arith.select %and3A_340, %sub3A_341, %div3A : i32
        %mul3A_343 = arith.constant 16 : i32
        %mul3A_344 = arith.muli %select_n3A_342, %mul3A_343 : i32
        %get3A_345 = arith.index_cast %mul3A_344 : i32 to index
        %get3A_346 = tpu.vector_load %arg8[%get3A_345] {strides = array<i32>} : memref<512xi32, #tpu.memory_space<vmem>>, vector<16xi32>,
        %jit3A_347 = arith.constant 4 : i32
        %div3A_348 = arith.divsi %add3A_150, %jit3A_347 : i32
        %sign3A_349 = arith.constant 0 : i32
        %sign3A_350 = arith.cmpi sgt, %add3A_150, %sign3A_349 : i32
        %sign3A_351 = arith.extui %sign3A_350 : i1 to i32
        %sign3A_352 = arith.constant 0 : i32
        %sign3A_353 = arith.cmpi slt, %add3A_150, %sign3A_352 : i32
        %sign3A_354 = arith.extui %sign3A_353 : i1 to i32
        %sign3A_355 = arith.subi %sign3A_351, %sign3A_354 : i32
        %sign3A_356 = arith.constant 0 : i32
        %sign3A_357 = arith.cmpi sgt, %jit3A_347, %sign3A_356 : i32
        %sign3A_358 = arith.extui %sign3A_357 : i1 to i32
        %sign3A_359 = arith.constant 0 : i32
        %sign3A_360 = arith.cmpi slt, %jit3A_347, %sign3A_359 : i32
        %sign3A_361 = arith.extui %sign3A_360 : i1 to i32
        %sign3A_362 = arith.subi %sign3A_358, %sign3A_361 : i32
        %ne3A_363 = arith.cmpi ne, %sign3A_355, %sign3A_362 : i32
        %rem3A_364 = arith.remsi %add3A_150, %jit3A_347 : i32
        %ne3A_365 = arith.constant 0 : i32
        %ne3A_366 = arith.cmpi ne, %rem3A_364, %ne3A_365 : i32
        %and3A_367 = arith.andi %ne3A_363, %ne3A_366 : i1
        %sub3A_368 = arith.constant 1 : i32
        %sub3A_369 = arith.subi %div3A_348, %sub3A_368 : i32
        %select_n3A_370 = arith.select %and3A_367, %sub3A_369, %div3A_348 : i32
        %mul3A_371 = arith.constant 16 : i32
        %mul3A_372 = arith.muli %select_n3A_370, %mul3A_371 : i32
        %get3A_373 = arith.index_cast %mul3A_372 : i32 to index
        %get3A_374 = tpu.vector_load %arg9[%get3A_373] {strides = array<i32>} : memref<512xi32, #tpu.memory_space<vmem>>, vector<16xi32>,
        %slice3A_375 = vector.extract_strided_slice %get3A_346 {offsets = [12], sizes = [1], strides = [1]} : vector<16xi32> to vector<1xi32>
        %squeeze3A_376 = vector.extract %slice3A_375[0] : i32 from vector<1xi32>
        %slice3A_377 = vector.extract_strided_slice %get3A_374 {offsets = [12], sizes = [1], strides = [1]} : vector<16xi32> to vector<1xi32>
        %squeeze3A_378 = vector.extract %slice3A_377[0] : i32 from vector<1xi32>
        %shift_right_arithmetic3A_379 = arith.constant 7 : i32
        %shift_right_arithmetic3A_380 = arith.shrsi %squeeze3A_376, %shift_right_arithmetic3A_379 : i32
        %mul3A_381 = arith.constant 128 : i32
        %mul3A_382 = arith.muli %shift_right_arithmetic3A_380, %mul3A_381 : i32
        %multiple_of3A_383 = tpu.assume_multiple %mul3A_382, 128 : i32
        %shift_right_arithmetic3A_384 = arith.constant 7 : i32
        %shift_right_arithmetic3A_385 = arith.shrsi %squeeze3A_378, %shift_right_arithmetic3A_384 : i32
        %mul3A_386 = arith.constant 128 : i32
        %mul3A_387 = arith.muli %shift_right_arithmetic3A_385, %mul3A_386 : i32
        %multiple_of3A_388 = tpu.assume_multiple %mul3A_387, 128 : i32
        %dma_start3A_389 = arith.constant 0 : i32
        %dma_start3A_390 = arith.constant 0 : i32
        %dma_start3A_391 = tpu.memref_slice %arg11[%dma_start3A_389, %dma_start3A_390] : memref<128x128xf32, #tpu.memory_space<vmem>> -> memref<32x128xf32, #tpu.memory_space<vmem>>
        %dma_start3A_392 = arith.constant 0 : i32
        %dma_start3A_393 = tpu.memref_slice %arg2[%dma_start3A_392, %multiple_of3A_383] : memref<32x1000000xf32, #tpu.memory_space<hbm>> -> memref<32x128xf32, #tpu.memory_space<hbm>>
        %dma_start3A_394 = arith.constant 0 : i32
        %dma_start3A_395 = arith.constant 0 : i32
        %dma_start3A_396 = tpu.memref_slice %arg11[%dma_start3A_394, %dma_start3A_395] : memref<128x128xf32, #tpu.memory_space<vmem>> -> memref<32x128xf32, #tpu.memory_space<vmem>>
        %dma_start3A_397 = arith.constant 0 : i32
        %dma_start3A_398 = tpu.memref_slice %arg2[%dma_start3A_397, %multiple_of3A_383] : memref<32x1000000xf32, #tpu.memory_space<hbm>> -> memref<32x128xf32, #tpu.memory_space<hbm>>
        tpu.enqueue_dma source(%dma_start3A_398 : memref<32x128xf32, #tpu.memory_space<hbm>>) target(%dma_start3A_396 : memref<32x128xf32, #tpu.memory_space<vmem>>) target_semaphore(%arg17 : memref<!tpu.dma_semaphore, #tpu.memory_space<semaphore_mem>>)
        %dma_start3A_399 = arith.constant 0 : i32
        %dma_start3A_400 = arith.constant 0 : i32
        %dma_start3A_401 = tpu.memref_slice %arg13[%dma_start3A_399, %dma_start3A_400] : memref<128x128xf32, #tpu.memory_space<vmem>> -> memref<32x128xf32, #tpu.memory_space<vmem>>
        %dma_start3A_402 = arith.constant 0 : i32
        %dma_start3A_403 = tpu.memref_slice %arg3[%dma_start3A_402, %multiple_of3A_388] : memref<32x100000xf32, #tpu.memory_space<hbm>> -> memref<32x128xf32, #tpu.memory_space<hbm>>
        %dma_start3A_404 = arith.constant 0 : i32
        %dma_start3A_405 = arith.constant 0 : i32
        %dma_start3A_406 = tpu.memref_slice %arg13[%dma_start3A_404, %dma_start3A_405] : memref<128x128xf32, #tpu.memory_space<vmem>> -> memref<32x128xf32, #tpu.memory_space<vmem>>
        %dma_start3A_407 = arith.constant 0 : i32
        %dma_start3A_408 = tpu.memref_slice %arg3[%dma_start3A_407, %multiple_of3A_388] : memref<32x100000xf32, #tpu.memory_space<hbm>> -> memref<32x128xf32, #tpu.memory_space<hbm>>
        tpu.enqueue_dma source(%dma_start3A_408 : memref<32x128xf32, #tpu.memory_space<hbm>>) target(%dma_start3A_406 : memref<32x128xf32, #tpu.memory_space<vmem>>) target_semaphore(%arg17 : memref<!tpu.dma_semaphore, #tpu.memory_space<semaphore_mem>>)
        %slice3A_409 = vector.extract_strided_slice %get3A_346 {offsets = [13], sizes = [1], strides = [1]} : vector<16xi32> to vector<1xi32>
        %squeeze3A_410 = vector.extract %slice3A_409[0] : i32 from vector<1xi32>
        %slice3A_411 = vector.extract_strided_slice %get3A_374 {offsets = [13], sizes = [1], strides = [1]} : vector<16xi32> to vector<1xi32>
        %squeeze3A_412 = vector.extract %slice3A_411[0] : i32 from vector<1xi32>
        %shift_right_arithmetic3A_413 = arith.constant 7 : i32
        %shift_right_arithmetic3A_414 = arith.shrsi %squeeze3A_410, %shift_right_arithmetic3A_413 : i32
        %mul3A_415 = arith.constant 128 : i32
        %mul3A_416 = arith.muli %shift_right_arithmetic3A_414, %mul3A_415 : i32
        %multiple_of3A_417 = tpu.assume_multiple %mul3A_416, 128 : i32
        %shift_right_arithmetic3A_418 = arith.constant 7 : i32
        %shift_right_arithmetic3A_419 = arith.shrsi %squeeze3A_412, %shift_right_arithmetic3A_418 : i32
        %mul3A_420 = arith.constant 128 : i32
        %mul3A_421 = arith.muli %shift_right_arithmetic3A_419, %mul3A_420 : i32
        %multiple_of3A_422 = tpu.assume_multiple %mul3A_421, 128 : i32
        %dma_start3A_423 = arith.constant 32 : i32
        %dma_start3A_424 = arith.constant 0 : i32
        %dma_start3A_425 = tpu.memref_slice %arg11[%dma_start3A_423, %dma_start3A_424] : memref<128x128xf32, #tpu.memory_space<vmem>> -> memref<32x128xf32, #tpu.memory_space<vmem>>
        %dma_start3A_426 = arith.constant 0 : i32
        %dma_start3A_427 = tpu.memref_slice %arg2[%dma_start3A_426, %multiple_of3A_417] : memref<32x1000000xf32, #tpu.memory_space<hbm>> -> memref<32x128xf32, #tpu.memory_space<hbm>>
        %dma_start3A_428 = arith.constant 32 : i32
        %dma_start3A_429 = arith.constant 0 : i32
        %dma_start3A_430 = tpu.memref_slice %arg11[%dma_start3A_428, %dma_start3A_429] : memref<128x128xf32, #tpu.memory_space<vmem>> -> memref<32x128xf32, #tpu.memory_space<vmem>>
        %dma_start3A_431 = arith.constant 0 : i32
        %dma_start3A_432 = tpu.memref_slice %arg2[%dma_start3A_431, %multiple_of3A_417] : memref<32x1000000xf32, #tpu.memory_space<hbm>> -> memref<32x128xf32, #tpu.memory_space<hbm>>
        tpu.enqueue_dma source(%dma_start3A_432 : memref<32x128xf32, #tpu.memory_space<hbm>>) target(%dma_start3A_430 : memref<32x128xf32, #tpu.memory_space<vmem>>) target_semaphore(%arg17 : memref<!tpu.dma_semaphore, #tpu.memory_space<semaphore_mem>>)
        %dma_start3A_433 = arith.constant 32 : i32
        %dma_start3A_434 = arith.constant 0 : i32
        %dma_start3A_435 = tpu.memref_slice %arg13[%dma_start3A_433, %dma_start3A_434] : memref<128x128xf32, #tpu.memory_space<vmem>> -> memref<32x128xf32, #tpu.memory_space<vmem>>
        %dma_start3A_436 = arith.constant 0 : i32
        %dma_start3A_437 = tpu.memref_slice %arg3[%dma_start3A_436, %multiple_of3A_422] : memref<32x100000xf32, #tpu.memory_space<hbm>> -> memref<32x128xf32, #tpu.memory_space<hbm>>
        %dma_start3A_438 = arith.constant 32 : i32
        %dma_start3A_439 = arith.constant 0 : i32
        %dma_start3A_440 = tpu.memref_slice %arg13[%dma_start3A_438, %dma_start3A_439] : memref<128x128xf32, #tpu.memory_space<vmem>> -> memref<32x128xf32, #tpu.memory_space<vmem>>
        %dma_start3A_441 = arith.constant 0 : i32
        %dma_start3A_442 = tpu.memref_slice %arg3[%dma_start3A_441, %multiple_of3A_422] : memref<32x100000xf32, #tpu.memory_space<hbm>> -> memref<32x128xf32, #tpu.memory_space<hbm>>
        tpu.enqueue_dma source(%dma_start3A_442 : memref<32x128xf32, #tpu.memory_space<hbm>>) target(%dma_start3A_440 : memref<32x128xf32, #tpu.memory_space<vmem>>) target_semaphore(%arg17 : memref<!tpu.dma_semaphore, #tpu.memory_space<semaphore_mem>>)
        %slice3A_443 = vector.extract_strided_slice %get3A_346 {offsets = [14], sizes = [1], strides = [1]} : vector<16xi32> to vector<1xi32>
        %squeeze3A_444 = vector.extract %slice3A_443[0] : i32 from vector<1xi32>
        %slice3A_445 = vector.extract_strided_slice %get3A_374 {offsets = [14], sizes = [1], strides = [1]} : vector<16xi32> to vector<1xi32>
        %squeeze3A_446 = vector.extract %slice3A_445[0] : i32 from vector<1xi32>
        %shift_right_arithmetic3A_447 = arith.constant 7 : i32
        %shift_right_arithmetic3A_448 = arith.shrsi %squeeze3A_444, %shift_right_arithmetic3A_447 : i32
        %mul3A_449 = arith.constant 128 : i32
        %mul3A_450 = arith.muli %shift_right_arithmetic3A_448, %mul3A_449 : i32
        %multiple_of3A_451 = tpu.assume_multiple %mul3A_450, 128 : i32
        %shift_right_arithmetic3A_452 = arith.constant 7 : i32
        %shift_right_arithmetic3A_453 = arith.shrsi %squeeze3A_446, %shift_right_arithmetic3A_452 : i32
        %mul3A_454 = arith.constant 128 : i32
        %mul3A_455 = arith.muli %shift_right_arithmetic3A_453, %mul3A_454 : i32
        %multiple_of3A_456 = tpu.assume_multiple %mul3A_455, 128 : i32
        %dma_start3A_457 = arith.constant 64 : i32
        %dma_start3A_458 = arith.constant 0 : i32
        %dma_start3A_459 = tpu.memref_slice %arg11[%dma_start3A_457, %dma_start3A_458] : memref<128x128xf32, #tpu.memory_space<vmem>> -> memref<32x128xf32, #tpu.memory_space<vmem>>
        %dma_start3A_460 = arith.constant 0 : i32
        %dma_start3A_461 = tpu.memref_slice %arg2[%dma_start3A_460, %multiple_of3A_451] : memref<32x1000000xf32, #tpu.memory_space<hbm>> -> memref<32x128xf32, #tpu.memory_space<hbm>>
        %dma_start3A_462 = arith.constant 64 : i32
        %dma_start3A_463 = arith.constant 0 : i32
        %dma_start3A_464 = tpu.memref_slice %arg11[%dma_start3A_462, %dma_start3A_463] : memref<128x128xf32, #tpu.memory_space<vmem>> -> memref<32x128xf32, #tpu.memory_space<vmem>>
        %dma_start3A_465 = arith.constant 0 : i32
        %dma_start3A_466 = tpu.memref_slice %arg2[%dma_start3A_465, %multiple_of3A_451] : memref<32x1000000xf32, #tpu.memory_space<hbm>> -> memref<32x128xf32, #tpu.memory_space<hbm>>
        tpu.enqueue_dma source(%dma_start3A_466 : memref<32x128xf32, #tpu.memory_space<hbm>>) target(%dma_start3A_464 : memref<32x128xf32, #tpu.memory_space<vmem>>) target_semaphore(%arg17 : memref<!tpu.dma_semaphore, #tpu.memory_space<semaphore_mem>>)
        %dma_start3A_467 = arith.constant 64 : i32
        %dma_start3A_468 = arith.constant 0 : i32
        %dma_start3A_469 = tpu.memref_slice %arg13[%dma_start3A_467, %dma_start3A_468] : memref<128x128xf32, #tpu.memory_space<vmem>> -> memref<32x128xf32, #tpu.memory_space<vmem>>
        %dma_start3A_470 = arith.constant 0 : i32
        %dma_start3A_471 = tpu.memref_slice %arg3[%dma_start3A_470, %multiple_of3A_456] : memref<32x100000xf32, #tpu.memory_space<hbm>> -> memref<32x128xf32, #tpu.memory_space<hbm>>
        %dma_start3A_472 = arith.constant 64 : i32
        %dma_start3A_473 = arith.constant 0 : i32
        %dma_start3A_474 = tpu.memref_slice %arg13[%dma_start3A_472, %dma_start3A_473] : memref<128x128xf32, #tpu.memory_space<vmem>> -> memref<32x128xf32, #tpu.memory_space<vmem>>
        %dma_start3A_475 = arith.constant 0 : i32
        %dma_start3A_476 = tpu.memref_slice %arg3[%dma_start3A_475, %multiple_of3A_456] : memref<32x100000xf32, #tpu.memory_space<hbm>> -> memref<32x128xf32, #tpu.memory_space<hbm>>
        tpu.enqueue_dma source(%dma_start3A_476 : memref<32x128xf32, #tpu.memory_space<hbm>>) target(%dma_start3A_474 : memref<32x128xf32, #tpu.memory_space<vmem>>) target_semaphore(%arg17 : memref<!tpu.dma_semaphore, #tpu.memory_space<semaphore_mem>>)
        %slice3A_477 = vector.extract_strided_slice %get3A_346 {offsets = [15], sizes = [1], strides = [1]} : vector<16xi32> to vector<1xi32>
        %squeeze3A_478 = vector.extract %slice3A_477[0] : i32 from vector<1xi32>
        %slice3A_479 = vector.extract_strided_slice %get3A_374 {offsets = [15], sizes = [1], strides = [1]} : vector<16xi32> to vector<1xi32>
        %squeeze3A_480 = vector.extract %slice3A_479[0] : i32 from vector<1xi32>
        %shift_right_arithmetic3A_481 = arith.constant 7 : i32
        %shift_right_arithmetic3A_482 = arith.shrsi %squeeze3A_478, %shift_right_arithmetic3A_481 : i32
        %mul3A_483 = arith.constant 128 : i32
        %mul3A_484 = arith.muli %shift_right_arithmetic3A_482, %mul3A_483 : i32
        %multiple_of3A_485 = tpu.assume_multiple %mul3A_484, 128 : i32
        %shift_right_arithmetic3A_486 = arith.constant 7 : i32
        %shift_right_arithmetic3A_487 = arith.shrsi %squeeze3A_480, %shift_right_arithmetic3A_486 : i32
        %mul3A_488 = arith.constant 128 : i32
        %mul3A_489 = arith.muli %shift_right_arithmetic3A_487, %mul3A_488 : i32
        %multiple_of3A_490 = tpu.assume_multiple %mul3A_489, 128 : i32
        %dma_start3A_491 = arith.constant 96 : i32
        %dma_start3A_492 = arith.constant 0 : i32
        %dma_start3A_493 = tpu.memref_slice %arg11[%dma_start3A_491, %dma_start3A_492] : memref<128x128xf32, #tpu.memory_space<vmem>> -> memref<32x128xf32, #tpu.memory_space<vmem>>
        %dma_start3A_494 = arith.constant 0 : i32
        %dma_start3A_495 = tpu.memref_slice %arg2[%dma_start3A_494, %multiple_of3A_485] : memref<32x1000000xf32, #tpu.memory_space<hbm>> -> memref<32x128xf32, #tpu.memory_space<hbm>>
        %dma_start3A_496 = arith.constant 96 : i32
        %dma_start3A_497 = arith.constant 0 : i32
        %dma_start3A_498 = tpu.memref_slice %arg11[%dma_start3A_496, %dma_start3A_497] : memref<128x128xf32, #tpu.memory_space<vmem>> -> memref<32x128xf32, #tpu.memory_space<vmem>>
        %dma_start3A_499 = arith.constant 0 : i32
        %dma_start3A_500 = tpu.memref_slice %arg2[%dma_start3A_499, %multiple_of3A_485] : memref<32x1000000xf32, #tpu.memory_space<hbm>> -> memref<32x128xf32, #tpu.memory_space<hbm>>
        tpu.enqueue_dma source(%dma_start3A_500 : memref<32x128xf32, #tpu.memory_space<hbm>>) target(%dma_start3A_498 : memref<32x128xf32, #tpu.memory_space<vmem>>) target_semaphore(%arg17 : memref<!tpu.dma_semaphore, #tpu.memory_space<semaphore_mem>>)
        %dma_start3A_501 = arith.constant 96 : i32
        %dma_start3A_502 = arith.constant 0 : i32
        %dma_start3A_503 = tpu.memref_slice %arg13[%dma_start3A_501, %dma_start3A_502] : memref<128x128xf32, #tpu.memory_space<vmem>> -> memref<32x128xf32, #tpu.memory_space<vmem>>
        %dma_start3A_504 = arith.constant 0 : i32
        %dma_start3A_505 = tpu.memref_slice %arg3[%dma_start3A_504, %multiple_of3A_490] : memref<32x100000xf32, #tpu.memory_space<hbm>> -> memref<32x128xf32, #tpu.memory_space<hbm>>
        %dma_start3A_506 = arith.constant 96 : i32
        %dma_start3A_507 = arith.constant 0 : i32
        %dma_start3A_508 = tpu.memref_slice %arg13[%dma_start3A_506, %dma_start3A_507] : memref<128x128xf32, #tpu.memory_space<vmem>> -> memref<32x128xf32, #tpu.memory_space<vmem>>
        %dma_start3A_509 = arith.constant 0 : i32
        %dma_start3A_510 = tpu.memref_slice %arg3[%dma_start3A_509, %multiple_of3A_490] : memref<32x100000xf32, #tpu.memory_space<hbm>> -> memref<32x128xf32, #tpu.memory_space<hbm>>
        tpu.enqueue_dma source(%dma_start3A_510 : memref<32x128xf32, #tpu.memory_space<hbm>>) target(%dma_start3A_508 : memref<32x128xf32, #tpu.memory_space<vmem>>) target_semaphore(%arg17 : memref<!tpu.dma_semaphore, #tpu.memory_space<semaphore_mem>>)
      } else {
      }
      %jit3A_238 = arith.constant 4 : i32
      %eq3A_239 = arith.constant 0 : i32
      %eq3A_240 = arith.cmpi eq, %jit3A_238, %eq3A_239 : i32
      %jit3A_241 = arith.constant 1 : i32
      %select_n3A_242 = arith.select %eq3A_240, %jit3A_241, %jit3A_238 : i32
      %rem3A_243 = arith.remsi %scan3A_148, %select_n3A_242 : i32
      %ne3A_244 = arith.constant 0 : i32
      %ne3A_245 = arith.cmpi ne, %rem3A_243, %ne3A_244 : i32
      %lt3A_246 = arith.constant 0 : i32
      %lt3A_247 = arith.cmpi slt, %rem3A_243, %lt3A_246 : i32
      %lt3A_248 = arith.constant 0 : i32
      %lt3A_249 = arith.cmpi slt, %select_n3A_242, %lt3A_248 : i32
      %ne3A_250 = arith.xori %lt3A_247, %lt3A_249 : i1
      %and3A_251 = arith.andi %ne3A_250, %ne3A_245 : i1
      %add3A_252 = arith.addi %rem3A_243, %select_n3A_242 : i32
      %select_n3A_253 = arith.select %and3A_251, %add3A_252, %rem3A_243 : i32
      %eq3A_254 = arith.constant 0 : i32
      %eq3A_255 = arith.cmpi eq, %select_n3A_253, %eq3A_254 : i32
      %convert_element_type3A_256 = arith.extui %eq3A_255 : i1 to i32
      %cond3A_257 = arith.constant 0 : i32
      %cond3A_258 = arith.cmpi ne, %convert_element_type3A_256, %cond3A_257 : i32
      scf.if %cond3A_258 {
        %dma_wait3A = arith.constant 0 : i32
        %dma_wait3A_322 = arith.constant 0 : i32
        %dma_wait3A_323 = tpu.memref_slice %arg10[%dma_wait3A, %dma_wait3A_322] : memref<128x128xf32, #tpu.memory_space<vmem>> -> memref<32x128xf32, #tpu.memory_space<vmem>>
        %dma_wait3A_324 = arith.constant 0 : i32
        %dma_wait3A_325 = arith.constant 0 : i32
        %dma_wait3A_326 = tpu.memref_slice %arg2[%dma_wait3A_324, %dma_wait3A_325] : memref<32x1000000xf32, #tpu.memory_space<hbm>> -> memref<32x128xf32, #tpu.memory_space<hbm>>
        %dma_wait3A_327 = arith.constant 0 : i32
        %dma_wait3A_328 = arith.constant 0 : i32
        %dma_wait3A_329 = tpu.memref_slice %arg10[%dma_wait3A_327, %dma_wait3A_328] : memref<128x128xf32, #tpu.memory_space<vmem>> -> memref<32x128xf32, #tpu.memory_space<vmem>>
        %dma_wait3A_330 = arith.constant 0 : i32
        %dma_wait3A_331 = arith.constant 0 : i32
        %dma_wait3A_332 = tpu.memref_slice %arg2[%dma_wait3A_330, %dma_wait3A_331] : memref<32x1000000xf32, #tpu.memory_space<hbm>> -> memref<32x128xf32, #tpu.memory_space<hbm>>
        tpu.wait_dma2 semaphore(%arg16 : memref<!tpu.dma_semaphore, #tpu.memory_space<semaphore_mem>>) src(%dma_wait3A_332 : memref<32x128xf32, #tpu.memory_space<hbm>>) dst(%dma_wait3A_329 : memref<32x128xf32, #tpu.memory_space<vmem>>)
        %dma_wait3A_333 = arith.constant 0 : i32
        %dma_wait3A_334 = arith.constant 0 : i32
        %dma_wait3A_335 = tpu.memref_slice %arg10[%dma_wait3A_333, %dma_wait3A_334] : memref<128x128xf32, #tpu.memory_space<vmem>> -> memref<32x128xf32, #tpu.memory_space<vmem>>
        %dma_wait3A_336 = arith.constant 0 : i32
        %dma_wait3A_337 = arith.constant 0 : i32
        %dma_wait3A_338 = tpu.memref_slice %arg2[%dma_wait3A_336, %dma_wait3A_337] : memref<32x1000000xf32, #tpu.memory_space<hbm>> -> memref<32x128xf32, #tpu.memory_space<hbm>>
        %dma_wait3A_339 = arith.constant 0 : i32
        %dma_wait3A_340 = arith.constant 0 : i32
        %dma_wait3A_341 = tpu.memref_slice %arg10[%dma_wait3A_339, %dma_wait3A_340] : memref<128x128xf32, #tpu.memory_space<vmem>> -> memref<32x128xf32, #tpu.memory_space<vmem>>
        %dma_wait3A_342 = arith.constant 0 : i32
        %dma_wait3A_343 = arith.constant 0 : i32
        %dma_wait3A_344 = tpu.memref_slice %arg2[%dma_wait3A_342, %dma_wait3A_343] : memref<32x1000000xf32, #tpu.memory_space<hbm>> -> memref<32x128xf32, #tpu.memory_space<hbm>>
        tpu.wait_dma2 semaphore(%arg16 : memref<!tpu.dma_semaphore, #tpu.memory_space<semaphore_mem>>) src(%dma_wait3A_344 : memref<32x128xf32, #tpu.memory_space<hbm>>) dst(%dma_wait3A_341 : memref<32x128xf32, #tpu.memory_space<vmem>>)
        %dma_wait3A_345 = arith.constant 0 : i32
        %dma_wait3A_346 = arith.constant 0 : i32
        %dma_wait3A_347 = tpu.memref_slice %arg10[%dma_wait3A_345, %dma_wait3A_346] : memref<128x128xf32, #tpu.memory_space<vmem>> -> memref<32x128xf32, #tpu.memory_space<vmem>>
        %dma_wait3A_348 = arith.constant 0 : i32
        %dma_wait3A_349 = arith.constant 0 : i32
        %dma_wait3A_350 = tpu.memref_slice %arg2[%dma_wait3A_348, %dma_wait3A_349] : memref<32x1000000xf32, #tpu.memory_space<hbm>> -> memref<32x128xf32, #tpu.memory_space<hbm>>
        %dma_wait3A_351 = arith.constant 0 : i32
        %dma_wait3A_352 = arith.constant 0 : i32
        %dma_wait3A_353 = tpu.memref_slice %arg10[%dma_wait3A_351, %dma_wait3A_352] : memref<128x128xf32, #tpu.memory_space<vmem>> -> memref<32x128xf32, #tpu.memory_space<vmem>>
        %dma_wait3A_354 = arith.constant 0 : i32
        %dma_wait3A_355 = arith.constant 0 : i32
        %dma_wait3A_356 = tpu.memref_slice %arg2[%dma_wait3A_354, %dma_wait3A_355] : memref<32x1000000xf32, #tpu.memory_space<hbm>> -> memref<32x128xf32, #tpu.memory_space<hbm>>
        tpu.wait_dma2 semaphore(%arg16 : memref<!tpu.dma_semaphore, #tpu.memory_space<semaphore_mem>>) src(%dma_wait3A_356 : memref<32x128xf32, #tpu.memory_space<hbm>>) dst(%dma_wait3A_353 : memref<32x128xf32, #tpu.memory_space<vmem>>)
        %dma_wait3A_357 = arith.constant 0 : i32
        %dma_wait3A_358 = arith.constant 0 : i32
        %dma_wait3A_359 = tpu.memref_slice %arg10[%dma_wait3A_357, %dma_wait3A_358] : memref<128x128xf32, #tpu.memory_space<vmem>> -> memref<32x128xf32, #tpu.memory_space<vmem>>
        %dma_wait3A_360 = arith.constant 0 : i32
        %dma_wait3A_361 = arith.constant 0 : i32
        %dma_wait3A_362 = tpu.memref_slice %arg2[%dma_wait3A_360, %dma_wait3A_361] : memref<32x1000000xf32, #tpu.memory_space<hbm>> -> memref<32x128xf32, #tpu.memory_space<hbm>>
        %dma_wait3A_363 = arith.constant 0 : i32
        %dma_wait3A_364 = arith.constant 0 : i32
        %dma_wait3A_365 = tpu.memref_slice %arg10[%dma_wait3A_363, %dma_wait3A_364] : memref<128x128xf32, #tpu.memory_space<vmem>> -> memref<32x128xf32, #tpu.memory_space<vmem>>
        %dma_wait3A_366 = arith.constant 0 : i32
        %dma_wait3A_367 = arith.constant 0 : i32
        %dma_wait3A_368 = tpu.memref_slice %arg2[%dma_wait3A_366, %dma_wait3A_367] : memref<32x1000000xf32, #tpu.memory_space<hbm>> -> memref<32x128xf32, #tpu.memory_space<hbm>>
        tpu.wait_dma2 semaphore(%arg16 : memref<!tpu.dma_semaphore, #tpu.memory_space<semaphore_mem>>) src(%dma_wait3A_368 : memref<32x128xf32, #tpu.memory_space<hbm>>) dst(%dma_wait3A_365 : memref<32x128xf32, #tpu.memory_space<vmem>>)
        %dma_wait3A_369 = arith.constant 0 : i32
        %dma_wait3A_370 = arith.constant 0 : i32
        %dma_wait3A_371 = tpu.memref_slice %arg10[%dma_wait3A_369, %dma_wait3A_370] : memref<128x128xf32, #tpu.memory_space<vmem>> -> memref<32x128xf32, #tpu.memory_space<vmem>>
        %dma_wait3A_372 = arith.constant 0 : i32
        %dma_wait3A_373 = arith.constant 0 : i32
        %dma_wait3A_374 = tpu.memref_slice %arg2[%dma_wait3A_372, %dma_wait3A_373] : memref<32x1000000xf32, #tpu.memory_space<hbm>> -> memref<32x128xf32, #tpu.memory_space<hbm>>
        %dma_wait3A_375 = arith.constant 0 : i32
        %dma_wait3A_376 = arith.constant 0 : i32
        %dma_wait3A_377 = tpu.memref_slice %arg10[%dma_wait3A_375, %dma_wait3A_376] : memref<128x128xf32, #tpu.memory_space<vmem>> -> memref<32x128xf32, #tpu.memory_space<vmem>>
        %dma_wait3A_378 = arith.constant 0 : i32
        %dma_wait3A_379 = arith.constant 0 : i32
        %dma_wait3A_380 = tpu.memref_slice %arg2[%dma_wait3A_378, %dma_wait3A_379] : memref<32x1000000xf32, #tpu.memory_space<hbm>> -> memref<32x128xf32, #tpu.memory_space<hbm>>
        tpu.wait_dma2 semaphore(%arg16 : memref<!tpu.dma_semaphore, #tpu.memory_space<semaphore_mem>>) src(%dma_wait3A_380 : memref<32x128xf32, #tpu.memory_space<hbm>>) dst(%dma_wait3A_377 : memref<32x128xf32, #tpu.memory_space<vmem>>)
        %dma_wait3A_381 = arith.constant 0 : i32
        %dma_wait3A_382 = arith.constant 0 : i32
        %dma_wait3A_383 = tpu.memref_slice %arg10[%dma_wait3A_381, %dma_wait3A_382] : memref<128x128xf32, #tpu.memory_space<vmem>> -> memref<32x128xf32, #tpu.memory_space<vmem>>
        %dma_wait3A_384 = arith.constant 0 : i32
        %dma_wait3A_385 = arith.constant 0 : i32
        %dma_wait3A_386 = tpu.memref_slice %arg2[%dma_wait3A_384, %dma_wait3A_385] : memref<32x1000000xf32, #tpu.memory_space<hbm>> -> memref<32x128xf32, #tpu.memory_space<hbm>>
        %dma_wait3A_387 = arith.constant 0 : i32
        %dma_wait3A_388 = arith.constant 0 : i32
        %dma_wait3A_389 = tpu.memref_slice %arg10[%dma_wait3A_387, %dma_wait3A_388] : memref<128x128xf32, #tpu.memory_space<vmem>> -> memref<32x128xf32, #tpu.memory_space<vmem>>
        %dma_wait3A_390 = arith.constant 0 : i32
        %dma_wait3A_391 = arith.constant 0 : i32
        %dma_wait3A_392 = tpu.memref_slice %arg2[%dma_wait3A_390, %dma_wait3A_391] : memref<32x1000000xf32, #tpu.memory_space<hbm>> -> memref<32x128xf32, #tpu.memory_space<hbm>>
        tpu.wait_dma2 semaphore(%arg16 : memref<!tpu.dma_semaphore, #tpu.memory_space<semaphore_mem>>) src(%dma_wait3A_392 : memref<32x128xf32, #tpu.memory_space<hbm>>) dst(%dma_wait3A_389 : memref<32x128xf32, #tpu.memory_space<vmem>>)
        %dma_wait3A_393 = arith.constant 0 : i32
        %dma_wait3A_394 = arith.constant 0 : i32
        %dma_wait3A_395 = tpu.memref_slice %arg10[%dma_wait3A_393, %dma_wait3A_394] : memref<128x128xf32, #tpu.memory_space<vmem>> -> memref<32x128xf32, #tpu.memory_space<vmem>>
        %dma_wait3A_396 = arith.constant 0 : i32
        %dma_wait3A_397 = arith.constant 0 : i32
        %dma_wait3A_398 = tpu.memref_slice %arg2[%dma_wait3A_396, %dma_wait3A_397] : memref<32x1000000xf32, #tpu.memory_space<hbm>> -> memref<32x128xf32, #tpu.memory_space<hbm>>
        %dma_wait3A_399 = arith.constant 0 : i32
        %dma_wait3A_400 = arith.constant 0 : i32
        %dma_wait3A_401 = tpu.memref_slice %arg10[%dma_wait3A_399, %dma_wait3A_400] : memref<128x128xf32, #tpu.memory_space<vmem>> -> memref<32x128xf32, #tpu.memory_space<vmem>>
        %dma_wait3A_402 = arith.constant 0 : i32
        %dma_wait3A_403 = arith.constant 0 : i32
        %dma_wait3A_404 = tpu.memref_slice %arg2[%dma_wait3A_402, %dma_wait3A_403] : memref<32x1000000xf32, #tpu.memory_space<hbm>> -> memref<32x128xf32, #tpu.memory_space<hbm>>
        tpu.wait_dma2 semaphore(%arg16 : memref<!tpu.dma_semaphore, #tpu.memory_space<semaphore_mem>>) src(%dma_wait3A_404 : memref<32x128xf32, #tpu.memory_space<hbm>>) dst(%dma_wait3A_401 : memref<32x128xf32, #tpu.memory_space<vmem>>)
        %dma_wait3A_405 = arith.constant 0 : i32
        %dma_wait3A_406 = arith.constant 0 : i32
        %dma_wait3A_407 = tpu.memref_slice %arg10[%dma_wait3A_405, %dma_wait3A_406] : memref<128x128xf32, #tpu.memory_space<vmem>> -> memref<32x128xf32, #tpu.memory_space<vmem>>
        %dma_wait3A_408 = arith.constant 0 : i32
        %dma_wait3A_409 = arith.constant 0 : i32
        %dma_wait3A_410 = tpu.memref_slice %arg2[%dma_wait3A_408, %dma_wait3A_409] : memref<32x1000000xf32, #tpu.memory_space<hbm>> -> memref<32x128xf32, #tpu.memory_space<hbm>>
        %dma_wait3A_411 = arith.constant 0 : i32
        %dma_wait3A_412 = arith.constant 0 : i32
        %dma_wait3A_413 = tpu.memref_slice %arg10[%dma_wait3A_411, %dma_wait3A_412] : memref<128x128xf32, #tpu.memory_space<vmem>> -> memref<32x128xf32, #tpu.memory_space<vmem>>
        %dma_wait3A_414 = arith.constant 0 : i32
        %dma_wait3A_415 = arith.constant 0 : i32
        %dma_wait3A_416 = tpu.memref_slice %arg2[%dma_wait3A_414, %dma_wait3A_415] : memref<32x1000000xf32, #tpu.memory_space<hbm>> -> memref<32x128xf32, #tpu.memory_space<hbm>>
        tpu.wait_dma2 semaphore(%arg16 : memref<!tpu.dma_semaphore, #tpu.memory_space<semaphore_mem>>) src(%dma_wait3A_416 : memref<32x128xf32, #tpu.memory_space<hbm>>) dst(%dma_wait3A_413 : memref<32x128xf32, #tpu.memory_space<vmem>>)
        %jit3A_417 = arith.constant 4 : i32
        %div3A = arith.divsi %scan3A_148, %jit3A_417 : i32
        %sign3A = arith.constant 0 : i32
        %sign3A_418 = arith.cmpi sgt, %scan3A_148, %sign3A : i32
        %sign3A_419 = arith.extui %sign3A_418 : i1 to i32
        %sign3A_420 = arith.constant 0 : i32
        %sign3A_421 = arith.cmpi slt, %scan3A_148, %sign3A_420 : i32
        %sign3A_422 = arith.extui %sign3A_421 : i1 to i32
        %sign3A_423 = arith.subi %sign3A_419, %sign3A_422 : i32
        %sign3A_424 = arith.constant 0 : i32
        %sign3A_425 = arith.cmpi sgt, %jit3A_417, %sign3A_424 : i32
        %sign3A_426 = arith.extui %sign3A_425 : i1 to i32
        %sign3A_427 = arith.constant 0 : i32
        %sign3A_428 = arith.cmpi slt, %jit3A_417, %sign3A_427 : i32
        %sign3A_429 = arith.extui %sign3A_428 : i1 to i32
        %sign3A_430 = arith.subi %sign3A_426, %sign3A_429 : i32
        %ne3A_431 = arith.cmpi ne, %sign3A_423, %sign3A_430 : i32
        %rem3A_432 = arith.remsi %scan3A_148, %jit3A_417 : i32
        %ne3A_433 = arith.constant 0 : i32
        %ne3A_434 = arith.cmpi ne, %rem3A_432, %ne3A_433 : i32
        %and3A_435 = arith.andi %ne3A_431, %ne3A_434 : i1
        %sub3A = arith.constant 1 : i32
        %sub3A_436 = arith.subi %div3A, %sub3A : i32
        %select_n3A_437 = arith.select %and3A_435, %sub3A_436, %div3A : i32
        %mul3A_438 = arith.constant 16 : i32
        %mul3A_439 = arith.muli %select_n3A_437, %mul3A_438 : i32
        %get3A_440 = arith.index_cast %mul3A_439 : i32 to index
        %get3A_441 = tpu.vector_load %arg8[%get3A_440] {strides = array<i32>} : memref<512xi32, #tpu.memory_space<vmem>>, vector<16xi32>,
        %jit3A_442 = arith.constant 4 : i32
        %div3A_443 = arith.divsi %scan3A_148, %jit3A_442 : i32
        %sign3A_444 = arith.constant 0 : i32
        %sign3A_445 = arith.cmpi sgt, %scan3A_148, %sign3A_444 : i32
        %sign3A_446 = arith.extui %sign3A_445 : i1 to i32
        %sign3A_447 = arith.constant 0 : i32
        %sign3A_448 = arith.cmpi slt, %scan3A_148, %sign3A_447 : i32
        %sign3A_449 = arith.extui %sign3A_448 : i1 to i32
        %sign3A_450 = arith.subi %sign3A_446, %sign3A_449 : i32
        %sign3A_451 = arith.constant 0 : i32
        %sign3A_452 = arith.cmpi sgt, %jit3A_442, %sign3A_451 : i32
        %sign3A_453 = arith.extui %sign3A_452 : i1 to i32
        %sign3A_454 = arith.constant 0 : i32
        %sign3A_455 = arith.cmpi slt, %jit3A_442, %sign3A_454 : i32
        %sign3A_456 = arith.extui %sign3A_455 : i1 to i32
        %sign3A_457 = arith.subi %sign3A_453, %sign3A_456 : i32
        %ne3A_458 = arith.cmpi ne, %sign3A_450, %sign3A_457 : i32
        %rem3A_459 = arith.remsi %scan3A_148, %jit3A_442 : i32
        %ne3A_460 = arith.constant 0 : i32
        %ne3A_461 = arith.cmpi ne, %rem3A_459, %ne3A_460 : i32
        %and3A_462 = arith.andi %ne3A_458, %ne3A_461 : i1
        %sub3A_463 = arith.constant 1 : i32
        %sub3A_464 = arith.subi %div3A_443, %sub3A_463 : i32
        %select_n3A_465 = arith.select %and3A_462, %sub3A_464, %div3A_443 : i32
        %mul3A_466 = arith.constant 16 : i32
        %mul3A_467 = arith.muli %select_n3A_465, %mul3A_466 : i32
        %get3A_468 = arith.index_cast %mul3A_467 : i32 to index
        %get3A_469 = tpu.vector_load %arg9[%get3A_468] {strides = array<i32>} : memref<512xi32, #tpu.memory_space<vmem>>, vector<16xi32>,
        %slice3A_470 = vector.extract_strided_slice %get3A_441 {offsets = [0], sizes = [1], strides = [1]} : vector<16xi32> to vector<1xi32>
        %squeeze3A_471 = vector.extract %slice3A_470[0] : i32 from vector<1xi32>
        %slice3A_472 = vector.extract_strided_slice %get3A_469 {offsets = [0], sizes = [1], strides = [1]} : vector<16xi32> to vector<1xi32>
        %squeeze3A_473 = vector.extract %slice3A_472[0] : i32 from vector<1xi32>
        %and3A_474 = arith.constant 127 : i32
        %and3A_475 = arith.andi %squeeze3A_471, %and3A_474 : i32
        %broadcast_in_dim3A = vector.broadcast %and3A_475 : i32 to vector<16xi32>
        %and3A_476 = arith.constant 127 : i32
        %and3A_477 = arith.andi %squeeze3A_473, %and3A_476 : i32
        %broadcast_in_dim3A_478 = vector.broadcast %and3A_477 : i32 to vector<16xi32>
        %add3A_479 = arith.constant 0 : i32
        %add3A_480 = vector.broadcast %add3A_479 : i32 to vector<16xi32>
        %add3A_481 = arith.addi %iota3A, %add3A_480 : vector<16xi32>
        %gather3A = tpu.vector_load_idx %arg10[%add3A_481, %broadcast_in_dim3A] : memref<128x128xf32, #tpu.memory_space<vmem>>[vector<16xi32>, vector<16xi32>], vector<16xf32>,
        %swap3A = arith.index_cast %scan3A_148 : i32 to index
        %swap3A_482 = arith.constant 0 : index
        %swap3A_483 = tpu.vector_load %arg14[%swap3A, %swap3A_482] {strides = array<i32>} : memref<128x128xf32, #tpu.memory_space<vmem>>, vector<16xf32>,
        tpu.vector_store %arg14[%swap3A, %swap3A_482], %gather3A {strides = array<i32>} : memref<128x128xf32, #tpu.memory_space<vmem>>, vector<16xf32>,
        %add3A_484 = arith.constant 0 : i32
        %add3A_485 = vector.broadcast %add3A_484 : i32 to vector<16xi32>
        %add3A_486 = arith.addi %add3A_5, %add3A_485 : vector<16xi32>
        %gather3A_487 = tpu.vector_load_idx %arg10[%add3A_486, %broadcast_in_dim3A] : memref<128x128xf32, #tpu.memory_space<vmem>>[vector<16xi32>, vector<16xi32>], vector<16xf32>,
        %swap3A_488 = arith.index_cast %scan3A_148 : i32 to index
        %swap3A_489 = arith.constant 16 : index
        %swap3A_490 = tpu.vector_load %arg14[%swap3A_488, %swap3A_489] {strides = array<i32>} : memref<128x128xf32, #tpu.memory_space<vmem>>, vector<16xf32>,
        tpu.vector_store %arg14[%swap3A_488, %swap3A_489], %gather3A_487 {strides = array<i32>} : memref<128x128xf32, #tpu.memory_space<vmem>>, vector<16xf32>,
        %add3A_491 = arith.constant 0 : i32
        %add3A_492 = vector.broadcast %add3A_491 : i32 to vector<16xi32>
        %add3A_493 = arith.addi %iota3A, %add3A_492 : vector<16xi32>
        %gather3A_494 = tpu.vector_load_idx %arg12[%add3A_493, %broadcast_in_dim3A_478] : memref<128x128xf32, #tpu.memory_space<vmem>>[vector<16xi32>, vector<16xi32>], vector<16xf32>,
        %swap3A_495 = arith.index_cast %scan3A_148 : i32 to index
        %swap3A_496 = arith.constant 0 : index
        %swap3A_497 = tpu.vector_load %arg15[%swap3A_495, %swap3A_496] {strides = array<i32>} : memref<128x128xf32, #tpu.memory_space<vmem>>, vector<16xf32>,
        tpu.vector_store %arg15[%swap3A_495, %swap3A_496], %gather3A_494 {strides = array<i32>} : memref<128x128xf32, #tpu.memory_space<vmem>>, vector<16xf32>,
        %add3A_498 = arith.constant 0 : i32
        %add3A_499 = vector.broadcast %add3A_498 : i32 to vector<16xi32>
        %add3A_500 = arith.addi %add3A_5, %add3A_499 : vector<16xi32>
        %gather3A_501 = tpu.vector_load_idx %arg12[%add3A_500, %broadcast_in_dim3A_478] : memref<128x128xf32, #tpu.memory_space<vmem>>[vector<16xi32>, vector<16xi32>], vector<16xf32>,
        %swap3A_502 = arith.index_cast %scan3A_148 : i32 to index
        %swap3A_503 = arith.constant 16 : index
        %swap3A_504 = tpu.vector_load %arg15[%swap3A_502, %swap3A_503] {strides = array<i32>} : memref<128x128xf32, #tpu.memory_space<vmem>>, vector<16xf32>,
        tpu.vector_store %arg15[%swap3A_502, %swap3A_503], %gather3A_501 {strides = array<i32>} : memref<128x128xf32, #tpu.memory_space<vmem>>, vector<16xf32>,
        %slice3A_505 = vector.extract_strided_slice %get3A_441 {offsets = [1], sizes = [1], strides = [1]} : vector<16xi32> to vector<1xi32>
        %squeeze3A_506 = vector.extract %slice3A_505[0] : i32 from vector<1xi32>
        %slice3A_507 = vector.extract_strided_slice %get3A_469 {offsets = [1], sizes = [1], strides = [1]} : vector<16xi32> to vector<1xi32>
        %squeeze3A_508 = vector.extract %slice3A_507[0] : i32 from vector<1xi32>
        %and3A_509 = arith.constant 127 : i32
        %and3A_510 = arith.andi %squeeze3A_506, %and3A_509 : i32
        %broadcast_in_dim3A_511 = vector.broadcast %and3A_510 : i32 to vector<16xi32>
        %and3A_512 = arith.constant 127 : i32
        %and3A_513 = arith.andi %squeeze3A_508, %and3A_512 : i32
        %broadcast_in_dim3A_514 = vector.broadcast %and3A_513 : i32 to vector<16xi32>
        %add3A_515 = arith.constant 32 : i32
        %add3A_516 = vector.broadcast %add3A_515 : i32 to vector<16xi32>
        %add3A_517 = arith.addi %iota3A, %add3A_516 : vector<16xi32>
        %gather3A_518 = tpu.vector_load_idx %arg10[%add3A_517, %broadcast_in_dim3A_511] : memref<128x128xf32, #tpu.memory_space<vmem>>[vector<16xi32>, vector<16xi32>], vector<16xf32>,
        %swap3A_519 = arith.index_cast %scan3A_148 : i32 to index
        %swap3A_520 = arith.constant 32 : index
        %swap3A_521 = tpu.vector_load %arg14[%swap3A_519, %swap3A_520] {strides = array<i32>} : memref<128x128xf32, #tpu.memory_space<vmem>>, vector<16xf32>,
        tpu.vector_store %arg14[%swap3A_519, %swap3A_520], %gather3A_518 {strides = array<i32>} : memref<128x128xf32, #tpu.memory_space<vmem>>, vector<16xf32>,
        %add3A_522 = arith.constant 32 : i32
        %add3A_523 = vector.broadcast %add3A_522 : i32 to vector<16xi32>
        %add3A_524 = arith.addi %add3A_5, %add3A_523 : vector<16xi32>
        %gather3A_525 = tpu.vector_load_idx %arg10[%add3A_524, %broadcast_in_dim3A_511] : memref<128x128xf32, #tpu.memory_space<vmem>>[vector<16xi32>, vector<16xi32>], vector<16xf32>,
        %swap3A_526 = arith.index_cast %scan3A_148 : i32 to index
        %swap3A_527 = arith.constant 48 : index
        %swap3A_528 = tpu.vector_load %arg14[%swap3A_526, %swap3A_527] {strides = array<i32>} : memref<128x128xf32, #tpu.memory_space<vmem>>, vector<16xf32>,
        tpu.vector_store %arg14[%swap3A_526, %swap3A_527], %gather3A_525 {strides = array<i32>} : memref<128x128xf32, #tpu.memory_space<vmem>>, vector<16xf32>,
        %add3A_529 = arith.constant 32 : i32
        %add3A_530 = vector.broadcast %add3A_529 : i32 to vector<16xi32>
        %add3A_531 = arith.addi %iota3A, %add3A_530 : vector<16xi32>
        %gather3A_532 = tpu.vector_load_idx %arg12[%add3A_531, %broadcast_in_dim3A_514] : memref<128x128xf32, #tpu.memory_space<vmem>>[vector<16xi32>, vector<16xi32>], vector<16xf32>,
        %swap3A_533 = arith.index_cast %scan3A_148 : i32 to index
        %swap3A_534 = arith.constant 32 : index
        %swap3A_535 = tpu.vector_load %arg15[%swap3A_533, %swap3A_534] {strides = array<i32>} : memref<128x128xf32, #tpu.memory_space<vmem>>, vector<16xf32>,
        tpu.vector_store %arg15[%swap3A_533, %swap3A_534], %gather3A_532 {strides = array<i32>} : memref<128x128xf32, #tpu.memory_space<vmem>>, vector<16xf32>,
        %add3A_536 = arith.constant 32 : i32
        %add3A_537 = vector.broadcast %add3A_536 : i32 to vector<16xi32>
        %add3A_538 = arith.addi %add3A_5, %add3A_537 : vector<16xi32>
        %gather3A_539 = tpu.vector_load_idx %arg12[%add3A_538, %broadcast_in_dim3A_514] : memref<128x128xf32, #tpu.memory_space<vmem>>[vector<16xi32>, vector<16xi32>], vector<16xf32>,
        %swap3A_540 = arith.index_cast %scan3A_148 : i32 to index
        %swap3A_541 = arith.constant 48 : index
        %swap3A_542 = tpu.vector_load %arg15[%swap3A_540, %swap3A_541] {strides = array<i32>} : memref<128x128xf32, #tpu.memory_space<vmem>>, vector<16xf32>,
        tpu.vector_store %arg15[%swap3A_540, %swap3A_541], %gather3A_539 {strides = array<i32>} : memref<128x128xf32, #tpu.memory_space<vmem>>, vector<16xf32>,
        %slice3A_543 = vector.extract_strided_slice %get3A_441 {offsets = [2], sizes = [1], strides = [1]} : vector<16xi32> to vector<1xi32>
        %squeeze3A_544 = vector.extract %slice3A_543[0] : i32 from vector<1xi32>
        %slice3A_545 = vector.extract_strided_slice %get3A_469 {offsets = [2], sizes = [1], strides = [1]} : vector<16xi32> to vector<1xi32>
        %squeeze3A_546 = vector.extract %slice3A_545[0] : i32 from vector<1xi32>
        %and3A_547 = arith.constant 127 : i32
        %and3A_548 = arith.andi %squeeze3A_544, %and3A_547 : i32
        %broadcast_in_dim3A_549 = vector.broadcast %and3A_548 : i32 to vector<16xi32>
        %and3A_550 = arith.constant 127 : i32
        %and3A_551 = arith.andi %squeeze3A_546, %and3A_550 : i32
        %broadcast_in_dim3A_552 = vector.broadcast %and3A_551 : i32 to vector<16xi32>
        %add3A_553 = arith.constant 64 : i32
        %add3A_554 = vector.broadcast %add3A_553 : i32 to vector<16xi32>
        %add3A_555 = arith.addi %iota3A, %add3A_554 : vector<16xi32>
        %gather3A_556 = tpu.vector_load_idx %arg10[%add3A_555, %broadcast_in_dim3A_549] : memref<128x128xf32, #tpu.memory_space<vmem>>[vector<16xi32>, vector<16xi32>], vector<16xf32>,
        %swap3A_557 = arith.index_cast %scan3A_148 : i32 to index
        %swap3A_558 = arith.constant 64 : index
        %swap3A_559 = tpu.vector_load %arg14[%swap3A_557, %swap3A_558] {strides = array<i32>} : memref<128x128xf32, #tpu.memory_space<vmem>>, vector<16xf32>,
        tpu.vector_store %arg14[%swap3A_557, %swap3A_558], %gather3A_556 {strides = array<i32>} : memref<128x128xf32, #tpu.memory_space<vmem>>, vector<16xf32>,
        %add3A_560 = arith.constant 64 : i32
        %add3A_561 = vector.broadcast %add3A_560 : i32 to vector<16xi32>
        %add3A_562 = arith.addi %add3A_5, %add3A_561 : vector<16xi32>
        %gather3A_563 = tpu.vector_load_idx %arg10[%add3A_562, %broadcast_in_dim3A_549] : memref<128x128xf32, #tpu.memory_space<vmem>>[vector<16xi32>, vector<16xi32>], vector<16xf32>,
        %swap3A_564 = arith.index_cast %scan3A_148 : i32 to index
        %swap3A_565 = arith.constant 80 : index
        %swap3A_566 = tpu.vector_load %arg14[%swap3A_564, %swap3A_565] {strides = array<i32>} : memref<128x128xf32, #tpu.memory_space<vmem>>, vector<16xf32>,
        tpu.vector_store %arg14[%swap3A_564, %swap3A_565], %gather3A_563 {strides = array<i32>} : memref<128x128xf32, #tpu.memory_space<vmem>>, vector<16xf32>,
        %add3A_567 = arith.constant 64 : i32
        %add3A_568 = vector.broadcast %add3A_567 : i32 to vector<16xi32>
        %add3A_569 = arith.addi %iota3A, %add3A_568 : vector<16xi32>
        %gather3A_570 = tpu.vector_load_idx %arg12[%add3A_569, %broadcast_in_dim3A_552] : memref<128x128xf32, #tpu.memory_space<vmem>>[vector<16xi32>, vector<16xi32>], vector<16xf32>,
        %swap3A_571 = arith.index_cast %scan3A_148 : i32 to index
        %swap3A_572 = arith.constant 64 : index
        %swap3A_573 = tpu.vector_load %arg15[%swap3A_571, %swap3A_572] {strides = array<i32>} : memref<128x128xf32, #tpu.memory_space<vmem>>, vector<16xf32>,
        tpu.vector_store %arg15[%swap3A_571, %swap3A_572], %gather3A_570 {strides = array<i32>} : memref<128x128xf32, #tpu.memory_space<vmem>>, vector<16xf32>,
        %add3A_574 = arith.constant 64 : i32
        %add3A_575 = vector.broadcast %add3A_574 : i32 to vector<16xi32>
        %add3A_576 = arith.addi %add3A_5, %add3A_575 : vector<16xi32>
        %gather3A_577 = tpu.vector_load_idx %arg12[%add3A_576, %broadcast_in_dim3A_552] : memref<128x128xf32, #tpu.memory_space<vmem>>[vector<16xi32>, vector<16xi32>], vector<16xf32>,
        %swap3A_578 = arith.index_cast %scan3A_148 : i32 to index
        %swap3A_579 = arith.constant 80 : index
        %swap3A_580 = tpu.vector_load %arg15[%swap3A_578, %swap3A_579] {strides = array<i32>} : memref<128x128xf32, #tpu.memory_space<vmem>>, vector<16xf32>,
        tpu.vector_store %arg15[%swap3A_578, %swap3A_579], %gather3A_577 {strides = array<i32>} : memref<128x128xf32, #tpu.memory_space<vmem>>, vector<16xf32>,
        %slice3A_581 = vector.extract_strided_slice %get3A_441 {offsets = [3], sizes = [1], strides = [1]} : vector<16xi32> to vector<1xi32>
        %squeeze3A_582 = vector.extract %slice3A_581[0] : i32 from vector<1xi32>
        %slice3A_583 = vector.extract_strided_slice %get3A_469 {offsets = [3], sizes = [1], strides = [1]} : vector<16xi32> to vector<1xi32>
        %squeeze3A_584 = vector.extract %slice3A_583[0] : i32 from vector<1xi32>
        %and3A_585 = arith.constant 127 : i32
        %and3A_586 = arith.andi %squeeze3A_582, %and3A_585 : i32
        %broadcast_in_dim3A_587 = vector.broadcast %and3A_586 : i32 to vector<16xi32>
        %and3A_588 = arith.constant 127 : i32
        %and3A_589 = arith.andi %squeeze3A_584, %and3A_588 : i32
        %broadcast_in_dim3A_590 = vector.broadcast %and3A_589 : i32 to vector<16xi32>
        %add3A_591 = arith.constant 96 : i32
        %add3A_592 = vector.broadcast %add3A_591 : i32 to vector<16xi32>
        %add3A_593 = arith.addi %iota3A, %add3A_592 : vector<16xi32>
        %gather3A_594 = tpu.vector_load_idx %arg10[%add3A_593, %broadcast_in_dim3A_587] : memref<128x128xf32, #tpu.memory_space<vmem>>[vector<16xi32>, vector<16xi32>], vector<16xf32>,
        %swap3A_595 = arith.index_cast %scan3A_148 : i32 to index
        %swap3A_596 = arith.constant 96 : index
        %swap3A_597 = tpu.vector_load %arg14[%swap3A_595, %swap3A_596] {strides = array<i32>} : memref<128x128xf32, #tpu.memory_space<vmem>>, vector<16xf32>,
        tpu.vector_store %arg14[%swap3A_595, %swap3A_596], %gather3A_594 {strides = array<i32>} : memref<128x128xf32, #tpu.memory_space<vmem>>, vector<16xf32>,
        %add3A_598 = arith.constant 96 : i32
        %add3A_599 = vector.broadcast %add3A_598 : i32 to vector<16xi32>
        %add3A_600 = arith.addi %add3A_5, %add3A_599 : vector<16xi32>
        %gather3A_601 = tpu.vector_load_idx %arg10[%add3A_600, %broadcast_in_dim3A_587] : memref<128x128xf32, #tpu.memory_space<vmem>>[vector<16xi32>, vector<16xi32>], vector<16xf32>,
        %swap3A_602 = arith.index_cast %scan3A_148 : i32 to index
        %swap3A_603 = arith.constant 112 : index
        %swap3A_604 = tpu.vector_load %arg14[%swap3A_602, %swap3A_603] {strides = array<i32>} : memref<128x128xf32, #tpu.memory_space<vmem>>, vector<16xf32>,
        tpu.vector_store %arg14[%swap3A_602, %swap3A_603], %gather3A_601 {strides = array<i32>} : memref<128x128xf32, #tpu.memory_space<vmem>>, vector<16xf32>,
        %add3A_605 = arith.constant 96 : i32
        %add3A_606 = vector.broadcast %add3A_605 : i32 to vector<16xi32>
        %add3A_607 = arith.addi %iota3A, %add3A_606 : vector<16xi32>
        %gather3A_608 = tpu.vector_load_idx %arg12[%add3A_607, %broadcast_in_dim3A_590] : memref<128x128xf32, #tpu.memory_space<vmem>>[vector<16xi32>, vector<16xi32>], vector<16xf32>,
        %swap3A_609 = arith.index_cast %scan3A_148 : i32 to index
        %swap3A_610 = arith.constant 96 : index
        %swap3A_611 = tpu.vector_load %arg15[%swap3A_609, %swap3A_610] {strides = array<i32>} : memref<128x128xf32, #tpu.memory_space<vmem>>, vector<16xf32>,
        tpu.vector_store %arg15[%swap3A_609, %swap3A_610], %gather3A_608 {strides = array<i32>} : memref<128x128xf32, #tpu.memory_space<vmem>>, vector<16xf32>,
        %add3A_612 = arith.constant 96 : i32
        %add3A_613 = vector.broadcast %add3A_612 : i32 to vector<16xi32>
        %add3A_614 = arith.addi %add3A_5, %add3A_613 : vector<16xi32>
        %gather3A_615 = tpu.vector_load_idx %arg12[%add3A_614, %broadcast_in_dim3A_590] : memref<128x128xf32, #tpu.memory_space<vmem>>[vector<16xi32>, vector<16xi32>], vector<16xf32>,
        %swap3A_616 = arith.index_cast %scan3A_148 : i32 to index
        %swap3A_617 = arith.constant 112 : index
        %swap3A_618 = tpu.vector_load %arg15[%swap3A_616, %swap3A_617] {strides = array<i32>} : memref<128x128xf32, #tpu.memory_space<vmem>>, vector<16xf32>,
        tpu.vector_store %arg15[%swap3A_616, %swap3A_617], %gather3A_615 {strides = array<i32>} : memref<128x128xf32, #tpu.memory_space<vmem>>, vector<16xf32>,
      } else {
      }
      %jit3A_259 = arith.constant 4 : i32
      %eq3A_260 = arith.constant 0 : i32
      %eq3A_261 = arith.cmpi eq, %jit3A_259, %eq3A_260 : i32
      %jit3A_262 = arith.constant 1 : i32
      %select_n3A_263 = arith.select %eq3A_261, %jit3A_262, %jit3A_259 : i32
      %rem3A_264 = arith.remsi %scan3A_148, %select_n3A_263 : i32
      %ne3A_265 = arith.constant 0 : i32
      %ne3A_266 = arith.cmpi ne, %rem3A_264, %ne3A_265 : i32
      %lt3A_267 = arith.constant 0 : i32
      %lt3A_268 = arith.cmpi slt, %rem3A_264, %lt3A_267 : i32
      %lt3A_269 = arith.constant 0 : i32
      %lt3A_270 = arith.cmpi slt, %select_n3A_263, %lt3A_269 : i32
      %ne3A_271 = arith.xori %lt3A_268, %lt3A_270 : i1
      %and3A_272 = arith.andi %ne3A_271, %ne3A_266 : i1
      %add3A_273 = arith.addi %rem3A_264, %select_n3A_263 : i32
      %select_n3A_274 = arith.select %and3A_272, %add3A_273, %rem3A_264 : i32
      %eq3A_275 = arith.constant 1 : i32
      %eq3A_276 = arith.cmpi eq, %select_n3A_274, %eq3A_275 : i32
      %convert_element_type3A_277 = arith.extui %eq3A_276 : i1 to i32
      %cond3A_278 = arith.constant 0 : i32
      %cond3A_279 = arith.cmpi ne, %convert_element_type3A_277, %cond3A_278 : i32
      scf.if %cond3A_279 {
        %dma_wait3A = arith.constant 0 : i32
        %dma_wait3A_322 = arith.constant 0 : i32
        %dma_wait3A_323 = tpu.memref_slice %arg11[%dma_wait3A, %dma_wait3A_322] : memref<128x128xf32, #tpu.memory_space<vmem>> -> memref<32x128xf32, #tpu.memory_space<vmem>>
        %dma_wait3A_324 = arith.constant 0 : i32
        %dma_wait3A_325 = arith.constant 0 : i32
        %dma_wait3A_326 = tpu.memref_slice %arg2[%dma_wait3A_324, %dma_wait3A_325] : memref<32x1000000xf32, #tpu.memory_space<hbm>> -> memref<32x128xf32, #tpu.memory_space<hbm>>
        %dma_wait3A_327 = arith.constant 0 : i32
        %dma_wait3A_328 = arith.constant 0 : i32
        %dma_wait3A_329 = tpu.memref_slice %arg11[%dma_wait3A_327, %dma_wait3A_328] : memref<128x128xf32, #tpu.memory_space<vmem>> -> memref<32x128xf32, #tpu.memory_space<vmem>>
        %dma_wait3A_330 = arith.constant 0 : i32
        %dma_wait3A_331 = arith.constant 0 : i32
        %dma_wait3A_332 = tpu.memref_slice %arg2[%dma_wait3A_330, %dma_wait3A_331] : memref<32x1000000xf32, #tpu.memory_space<hbm>> -> memref<32x128xf32, #tpu.memory_space<hbm>>
        tpu.wait_dma2 semaphore(%arg17 : memref<!tpu.dma_semaphore, #tpu.memory_space<semaphore_mem>>) src(%dma_wait3A_332 : memref<32x128xf32, #tpu.memory_space<hbm>>) dst(%dma_wait3A_329 : memref<32x128xf32, #tpu.memory_space<vmem>>)
        %dma_wait3A_333 = arith.constant 0 : i32
        %dma_wait3A_334 = arith.constant 0 : i32
        %dma_wait3A_335 = tpu.memref_slice %arg11[%dma_wait3A_333, %dma_wait3A_334] : memref<128x128xf32, #tpu.memory_space<vmem>> -> memref<32x128xf32, #tpu.memory_space<vmem>>
        %dma_wait3A_336 = arith.constant 0 : i32
        %dma_wait3A_337 = arith.constant 0 : i32
        %dma_wait3A_338 = tpu.memref_slice %arg2[%dma_wait3A_336, %dma_wait3A_337] : memref<32x1000000xf32, #tpu.memory_space<hbm>> -> memref<32x128xf32, #tpu.memory_space<hbm>>
        %dma_wait3A_339 = arith.constant 0 : i32
        %dma_wait3A_340 = arith.constant 0 : i32
        %dma_wait3A_341 = tpu.memref_slice %arg11[%dma_wait3A_339, %dma_wait3A_340] : memref<128x128xf32, #tpu.memory_space<vmem>> -> memref<32x128xf32, #tpu.memory_space<vmem>>
        %dma_wait3A_342 = arith.constant 0 : i32
        %dma_wait3A_343 = arith.constant 0 : i32
        %dma_wait3A_344 = tpu.memref_slice %arg2[%dma_wait3A_342, %dma_wait3A_343] : memref<32x1000000xf32, #tpu.memory_space<hbm>> -> memref<32x128xf32, #tpu.memory_space<hbm>>
        tpu.wait_dma2 semaphore(%arg17 : memref<!tpu.dma_semaphore, #tpu.memory_space<semaphore_mem>>) src(%dma_wait3A_344 : memref<32x128xf32, #tpu.memory_space<hbm>>) dst(%dma_wait3A_341 : memref<32x128xf32, #tpu.memory_space<vmem>>)
        %dma_wait3A_345 = arith.constant 0 : i32
        %dma_wait3A_346 = arith.constant 0 : i32
        %dma_wait3A_347 = tpu.memref_slice %arg11[%dma_wait3A_345, %dma_wait3A_346] : memref<128x128xf32, #tpu.memory_space<vmem>> -> memref<32x128xf32, #tpu.memory_space<vmem>>
        %dma_wait3A_348 = arith.constant 0 : i32
        %dma_wait3A_349 = arith.constant 0 : i32
        %dma_wait3A_350 = tpu.memref_slice %arg2[%dma_wait3A_348, %dma_wait3A_349] : memref<32x1000000xf32, #tpu.memory_space<hbm>> -> memref<32x128xf32, #tpu.memory_space<hbm>>
        %dma_wait3A_351 = arith.constant 0 : i32
        %dma_wait3A_352 = arith.constant 0 : i32
        %dma_wait3A_353 = tpu.memref_slice %arg11[%dma_wait3A_351, %dma_wait3A_352] : memref<128x128xf32, #tpu.memory_space<vmem>> -> memref<32x128xf32, #tpu.memory_space<vmem>>
        %dma_wait3A_354 = arith.constant 0 : i32
        %dma_wait3A_355 = arith.constant 0 : i32
        %dma_wait3A_356 = tpu.memref_slice %arg2[%dma_wait3A_354, %dma_wait3A_355] : memref<32x1000000xf32, #tpu.memory_space<hbm>> -> memref<32x128xf32, #tpu.memory_space<hbm>>
        tpu.wait_dma2 semaphore(%arg17 : memref<!tpu.dma_semaphore, #tpu.memory_space<semaphore_mem>>) src(%dma_wait3A_356 : memref<32x128xf32, #tpu.memory_space<hbm>>) dst(%dma_wait3A_353 : memref<32x128xf32, #tpu.memory_space<vmem>>)
        %dma_wait3A_357 = arith.constant 0 : i32
        %dma_wait3A_358 = arith.constant 0 : i32
        %dma_wait3A_359 = tpu.memref_slice %arg11[%dma_wait3A_357, %dma_wait3A_358] : memref<128x128xf32, #tpu.memory_space<vmem>> -> memref<32x128xf32, #tpu.memory_space<vmem>>
        %dma_wait3A_360 = arith.constant 0 : i32
        %dma_wait3A_361 = arith.constant 0 : i32
        %dma_wait3A_362 = tpu.memref_slice %arg2[%dma_wait3A_360, %dma_wait3A_361] : memref<32x1000000xf32, #tpu.memory_space<hbm>> -> memref<32x128xf32, #tpu.memory_space<hbm>>
        %dma_wait3A_363 = arith.constant 0 : i32
        %dma_wait3A_364 = arith.constant 0 : i32
        %dma_wait3A_365 = tpu.memref_slice %arg11[%dma_wait3A_363, %dma_wait3A_364] : memref<128x128xf32, #tpu.memory_space<vmem>> -> memref<32x128xf32, #tpu.memory_space<vmem>>
        %dma_wait3A_366 = arith.constant 0 : i32
        %dma_wait3A_367 = arith.constant 0 : i32
        %dma_wait3A_368 = tpu.memref_slice %arg2[%dma_wait3A_366, %dma_wait3A_367] : memref<32x1000000xf32, #tpu.memory_space<hbm>> -> memref<32x128xf32, #tpu.memory_space<hbm>>
        tpu.wait_dma2 semaphore(%arg17 : memref<!tpu.dma_semaphore, #tpu.memory_space<semaphore_mem>>) src(%dma_wait3A_368 : memref<32x128xf32, #tpu.memory_space<hbm>>) dst(%dma_wait3A_365 : memref<32x128xf32, #tpu.memory_space<vmem>>)
        %dma_wait3A_369 = arith.constant 0 : i32
        %dma_wait3A_370 = arith.constant 0 : i32
        %dma_wait3A_371 = tpu.memref_slice %arg11[%dma_wait3A_369, %dma_wait3A_370] : memref<128x128xf32, #tpu.memory_space<vmem>> -> memref<32x128xf32, #tpu.memory_space<vmem>>
        %dma_wait3A_372 = arith.constant 0 : i32
        %dma_wait3A_373 = arith.constant 0 : i32
        %dma_wait3A_374 = tpu.memref_slice %arg2[%dma_wait3A_372, %dma_wait3A_373] : memref<32x1000000xf32, #tpu.memory_space<hbm>> -> memref<32x128xf32, #tpu.memory_space<hbm>>
        %dma_wait3A_375 = arith.constant 0 : i32
        %dma_wait3A_376 = arith.constant 0 : i32
        %dma_wait3A_377 = tpu.memref_slice %arg11[%dma_wait3A_375, %dma_wait3A_376] : memref<128x128xf32, #tpu.memory_space<vmem>> -> memref<32x128xf32, #tpu.memory_space<vmem>>
        %dma_wait3A_378 = arith.constant 0 : i32
        %dma_wait3A_379 = arith.constant 0 : i32
        %dma_wait3A_380 = tpu.memref_slice %arg2[%dma_wait3A_378, %dma_wait3A_379] : memref<32x1000000xf32, #tpu.memory_space<hbm>> -> memref<32x128xf32, #tpu.memory_space<hbm>>
        tpu.wait_dma2 semaphore(%arg17 : memref<!tpu.dma_semaphore, #tpu.memory_space<semaphore_mem>>) src(%dma_wait3A_380 : memref<32x128xf32, #tpu.memory_space<hbm>>) dst(%dma_wait3A_377 : memref<32x128xf32, #tpu.memory_space<vmem>>)
        %dma_wait3A_381 = arith.constant 0 : i32
        %dma_wait3A_382 = arith.constant 0 : i32
        %dma_wait3A_383 = tpu.memref_slice %arg11[%dma_wait3A_381, %dma_wait3A_382] : memref<128x128xf32, #tpu.memory_space<vmem>> -> memref<32x128xf32, #tpu.memory_space<vmem>>
        %dma_wait3A_384 = arith.constant 0 : i32
        %dma_wait3A_385 = arith.constant 0 : i32
        %dma_wait3A_386 = tpu.memref_slice %arg2[%dma_wait3A_384, %dma_wait3A_385] : memref<32x1000000xf32, #tpu.memory_space<hbm>> -> memref<32x128xf32, #tpu.memory_space<hbm>>
        %dma_wait3A_387 = arith.constant 0 : i32
        %dma_wait3A_388 = arith.constant 0 : i32
        %dma_wait3A_389 = tpu.memref_slice %arg11[%dma_wait3A_387, %dma_wait3A_388] : memref<128x128xf32, #tpu.memory_space<vmem>> -> memref<32x128xf32, #tpu.memory_space<vmem>>
        %dma_wait3A_390 = arith.constant 0 : i32
        %dma_wait3A_391 = arith.constant 0 : i32
        %dma_wait3A_392 = tpu.memref_slice %arg2[%dma_wait3A_390, %dma_wait3A_391] : memref<32x1000000xf32, #tpu.memory_space<hbm>> -> memref<32x128xf32, #tpu.memory_space<hbm>>
        tpu.wait_dma2 semaphore(%arg17 : memref<!tpu.dma_semaphore, #tpu.memory_space<semaphore_mem>>) src(%dma_wait3A_392 : memref<32x128xf32, #tpu.memory_space<hbm>>) dst(%dma_wait3A_389 : memref<32x128xf32, #tpu.memory_space<vmem>>)
        %dma_wait3A_393 = arith.constant 0 : i32
        %dma_wait3A_394 = arith.constant 0 : i32
        %dma_wait3A_395 = tpu.memref_slice %arg11[%dma_wait3A_393, %dma_wait3A_394] : memref<128x128xf32, #tpu.memory_space<vmem>> -> memref<32x128xf32, #tpu.memory_space<vmem>>
        %dma_wait3A_396 = arith.constant 0 : i32
        %dma_wait3A_397 = arith.constant 0 : i32
        %dma_wait3A_398 = tpu.memref_slice %arg2[%dma_wait3A_396, %dma_wait3A_397] : memref<32x1000000xf32, #tpu.memory_space<hbm>> -> memref<32x128xf32, #tpu.memory_space<hbm>>
        %dma_wait3A_399 = arith.constant 0 : i32
        %dma_wait3A_400 = arith.constant 0 : i32
        %dma_wait3A_401 = tpu.memref_slice %arg11[%dma_wait3A_399, %dma_wait3A_400] : memref<128x128xf32, #tpu.memory_space<vmem>> -> memref<32x128xf32, #tpu.memory_space<vmem>>
        %dma_wait3A_402 = arith.constant 0 : i32
        %dma_wait3A_403 = arith.constant 0 : i32
        %dma_wait3A_404 = tpu.memref_slice %arg2[%dma_wait3A_402, %dma_wait3A_403] : memref<32x1000000xf32, #tpu.memory_space<hbm>> -> memref<32x128xf32, #tpu.memory_space<hbm>>
        tpu.wait_dma2 semaphore(%arg17 : memref<!tpu.dma_semaphore, #tpu.memory_space<semaphore_mem>>) src(%dma_wait3A_404 : memref<32x128xf32, #tpu.memory_space<hbm>>) dst(%dma_wait3A_401 : memref<32x128xf32, #tpu.memory_space<vmem>>)
        %dma_wait3A_405 = arith.constant 0 : i32
        %dma_wait3A_406 = arith.constant 0 : i32
        %dma_wait3A_407 = tpu.memref_slice %arg11[%dma_wait3A_405, %dma_wait3A_406] : memref<128x128xf32, #tpu.memory_space<vmem>> -> memref<32x128xf32, #tpu.memory_space<vmem>>
        %dma_wait3A_408 = arith.constant 0 : i32
        %dma_wait3A_409 = arith.constant 0 : i32
        %dma_wait3A_410 = tpu.memref_slice %arg2[%dma_wait3A_408, %dma_wait3A_409] : memref<32x1000000xf32, #tpu.memory_space<hbm>> -> memref<32x128xf32, #tpu.memory_space<hbm>>
        %dma_wait3A_411 = arith.constant 0 : i32
        %dma_wait3A_412 = arith.constant 0 : i32
        %dma_wait3A_413 = tpu.memref_slice %arg11[%dma_wait3A_411, %dma_wait3A_412] : memref<128x128xf32, #tpu.memory_space<vmem>> -> memref<32x128xf32, #tpu.memory_space<vmem>>
        %dma_wait3A_414 = arith.constant 0 : i32
        %dma_wait3A_415 = arith.constant 0 : i32
        %dma_wait3A_416 = tpu.memref_slice %arg2[%dma_wait3A_414, %dma_wait3A_415] : memref<32x1000000xf32, #tpu.memory_space<hbm>> -> memref<32x128xf32, #tpu.memory_space<hbm>>
        tpu.wait_dma2 semaphore(%arg17 : memref<!tpu.dma_semaphore, #tpu.memory_space<semaphore_mem>>) src(%dma_wait3A_416 : memref<32x128xf32, #tpu.memory_space<hbm>>) dst(%dma_wait3A_413 : memref<32x128xf32, #tpu.memory_space<vmem>>)
        %jit3A_417 = arith.constant 4 : i32
        %div3A = arith.divsi %scan3A_148, %jit3A_417 : i32
        %sign3A = arith.constant 0 : i32
        %sign3A_418 = arith.cmpi sgt, %scan3A_148, %sign3A : i32
        %sign3A_419 = arith.extui %sign3A_418 : i1 to i32
        %sign3A_420 = arith.constant 0 : i32
        %sign3A_421 = arith.cmpi slt, %scan3A_148, %sign3A_420 : i32
        %sign3A_422 = arith.extui %sign3A_421 : i1 to i32
        %sign3A_423 = arith.subi %sign3A_419, %sign3A_422 : i32
        %sign3A_424 = arith.constant 0 : i32
        %sign3A_425 = arith.cmpi sgt, %jit3A_417, %sign3A_424 : i32
        %sign3A_426 = arith.extui %sign3A_425 : i1 to i32
        %sign3A_427 = arith.constant 0 : i32
        %sign3A_428 = arith.cmpi slt, %jit3A_417, %sign3A_427 : i32
        %sign3A_429 = arith.extui %sign3A_428 : i1 to i32
        %sign3A_430 = arith.subi %sign3A_426, %sign3A_429 : i32
        %ne3A_431 = arith.cmpi ne, %sign3A_423, %sign3A_430 : i32
        %rem3A_432 = arith.remsi %scan3A_148, %jit3A_417 : i32
        %ne3A_433 = arith.constant 0 : i32
        %ne3A_434 = arith.cmpi ne, %rem3A_432, %ne3A_433 : i32
        %and3A_435 = arith.andi %ne3A_431, %ne3A_434 : i1
        %sub3A = arith.constant 1 : i32
        %sub3A_436 = arith.subi %div3A, %sub3A : i32
        %select_n3A_437 = arith.select %and3A_435, %sub3A_436, %div3A : i32
        %mul3A_438 = arith.constant 16 : i32
        %mul3A_439 = arith.muli %select_n3A_437, %mul3A_438 : i32
        %get3A_440 = arith.index_cast %mul3A_439 : i32 to index
        %get3A_441 = tpu.vector_load %arg8[%get3A_440] {strides = array<i32>} : memref<512xi32, #tpu.memory_space<vmem>>, vector<16xi32>,
        %jit3A_442 = arith.constant 4 : i32
        %div3A_443 = arith.divsi %scan3A_148, %jit3A_442 : i32
        %sign3A_444 = arith.constant 0 : i32
        %sign3A_445 = arith.cmpi sgt, %scan3A_148, %sign3A_444 : i32
        %sign3A_446 = arith.extui %sign3A_445 : i1 to i32
        %sign3A_447 = arith.constant 0 : i32
        %sign3A_448 = arith.cmpi slt, %scan3A_148, %sign3A_447 : i32
        %sign3A_449 = arith.extui %sign3A_448 : i1 to i32
        %sign3A_450 = arith.subi %sign3A_446, %sign3A_449 : i32
        %sign3A_451 = arith.constant 0 : i32
        %sign3A_452 = arith.cmpi sgt, %jit3A_442, %sign3A_451 : i32
        %sign3A_453 = arith.extui %sign3A_452 : i1 to i32
        %sign3A_454 = arith.constant 0 : i32
        %sign3A_455 = arith.cmpi slt, %jit3A_442, %sign3A_454 : i32
        %sign3A_456 = arith.extui %sign3A_455 : i1 to i32
        %sign3A_457 = arith.subi %sign3A_453, %sign3A_456 : i32
        %ne3A_458 = arith.cmpi ne, %sign3A_450, %sign3A_457 : i32
        %rem3A_459 = arith.remsi %scan3A_148, %jit3A_442 : i32
        %ne3A_460 = arith.constant 0 : i32
        %ne3A_461 = arith.cmpi ne, %rem3A_459, %ne3A_460 : i32
        %and3A_462 = arith.andi %ne3A_458, %ne3A_461 : i1
        %sub3A_463 = arith.constant 1 : i32
        %sub3A_464 = arith.subi %div3A_443, %sub3A_463 : i32
        %select_n3A_465 = arith.select %and3A_462, %sub3A_464, %div3A_443 : i32
        %mul3A_466 = arith.constant 16 : i32
        %mul3A_467 = arith.muli %select_n3A_465, %mul3A_466 : i32
        %get3A_468 = arith.index_cast %mul3A_467 : i32 to index
        %get3A_469 = tpu.vector_load %arg9[%get3A_468] {strides = array<i32>} : memref<512xi32, #tpu.memory_space<vmem>>, vector<16xi32>,
        %slice3A_470 = vector.extract_strided_slice %get3A_441 {offsets = [4], sizes = [1], strides = [1]} : vector<16xi32> to vector<1xi32>
        %squeeze3A_471 = vector.extract %slice3A_470[0] : i32 from vector<1xi32>
        %slice3A_472 = vector.extract_strided_slice %get3A_469 {offsets = [4], sizes = [1], strides = [1]} : vector<16xi32> to vector<1xi32>
        %squeeze3A_473 = vector.extract %slice3A_472[0] : i32 from vector<1xi32>
        %and3A_474 = arith.constant 127 : i32
        %and3A_475 = arith.andi %squeeze3A_471, %and3A_474 : i32
        %broadcast_in_dim3A = vector.broadcast %and3A_475 : i32 to vector<16xi32>
        %and3A_476 = arith.constant 127 : i32
        %and3A_477 = arith.andi %squeeze3A_473, %and3A_476 : i32
        %broadcast_in_dim3A_478 = vector.broadcast %and3A_477 : i32 to vector<16xi32>
        %add3A_479 = arith.constant 0 : i32
        %add3A_480 = vector.broadcast %add3A_479 : i32 to vector<16xi32>
        %add3A_481 = arith.addi %iota3A, %add3A_480 : vector<16xi32>
        %gather3A = tpu.vector_load_idx %arg11[%add3A_481, %broadcast_in_dim3A] : memref<128x128xf32, #tpu.memory_space<vmem>>[vector<16xi32>, vector<16xi32>], vector<16xf32>,
        %swap3A = arith.index_cast %scan3A_148 : i32 to index
        %swap3A_482 = arith.constant 0 : index
        %swap3A_483 = tpu.vector_load %arg14[%swap3A, %swap3A_482] {strides = array<i32>} : memref<128x128xf32, #tpu.memory_space<vmem>>, vector<16xf32>,
        tpu.vector_store %arg14[%swap3A, %swap3A_482], %gather3A {strides = array<i32>} : memref<128x128xf32, #tpu.memory_space<vmem>>, vector<16xf32>,
        %add3A_484 = arith.constant 0 : i32
        %add3A_485 = vector.broadcast %add3A_484 : i32 to vector<16xi32>
        %add3A_486 = arith.addi %add3A_5, %add3A_485 : vector<16xi32>
        %gather3A_487 = tpu.vector_load_idx %arg11[%add3A_486, %broadcast_in_dim3A] : memref<128x128xf32, #tpu.memory_space<vmem>>[vector<16xi32>, vector<16xi32>], vector<16xf32>,
        %swap3A_488 = arith.index_cast %scan3A_148 : i32 to index
        %swap3A_489 = arith.constant 16 : index
        %swap3A_490 = tpu.vector_load %arg14[%swap3A_488, %swap3A_489] {strides = array<i32>} : memref<128x128xf32, #tpu.memory_space<vmem>>, vector<16xf32>,
        tpu.vector_store %arg14[%swap3A_488, %swap3A_489], %gather3A_487 {strides = array<i32>} : memref<128x128xf32, #tpu.memory_space<vmem>>, vector<16xf32>,
        %add3A_491 = arith.constant 0 : i32
        %add3A_492 = vector.broadcast %add3A_491 : i32 to vector<16xi32>
        %add3A_493 = arith.addi %iota3A, %add3A_492 : vector<16xi32>
        %gather3A_494 = tpu.vector_load_idx %arg13[%add3A_493, %broadcast_in_dim3A_478] : memref<128x128xf32, #tpu.memory_space<vmem>>[vector<16xi32>, vector<16xi32>], vector<16xf32>,
        %swap3A_495 = arith.index_cast %scan3A_148 : i32 to index
        %swap3A_496 = arith.constant 0 : index
        %swap3A_497 = tpu.vector_load %arg15[%swap3A_495, %swap3A_496] {strides = array<i32>} : memref<128x128xf32, #tpu.memory_space<vmem>>, vector<16xf32>,
        tpu.vector_store %arg15[%swap3A_495, %swap3A_496], %gather3A_494 {strides = array<i32>} : memref<128x128xf32, #tpu.memory_space<vmem>>, vector<16xf32>,
        %add3A_498 = arith.constant 0 : i32
        %add3A_499 = vector.broadcast %add3A_498 : i32 to vector<16xi32>
        %add3A_500 = arith.addi %add3A_5, %add3A_499 : vector<16xi32>
        %gather3A_501 = tpu.vector_load_idx %arg13[%add3A_500, %broadcast_in_dim3A_478] : memref<128x128xf32, #tpu.memory_space<vmem>>[vector<16xi32>, vector<16xi32>], vector<16xf32>,
        %swap3A_502 = arith.index_cast %scan3A_148 : i32 to index
        %swap3A_503 = arith.constant 16 : index
        %swap3A_504 = tpu.vector_load %arg15[%swap3A_502, %swap3A_503] {strides = array<i32>} : memref<128x128xf32, #tpu.memory_space<vmem>>, vector<16xf32>,
        tpu.vector_store %arg15[%swap3A_502, %swap3A_503], %gather3A_501 {strides = array<i32>} : memref<128x128xf32, #tpu.memory_space<vmem>>, vector<16xf32>,
        %slice3A_505 = vector.extract_strided_slice %get3A_441 {offsets = [5], sizes = [1], strides = [1]} : vector<16xi32> to vector<1xi32>
        %squeeze3A_506 = vector.extract %slice3A_505[0] : i32 from vector<1xi32>
        %slice3A_507 = vector.extract_strided_slice %get3A_469 {offsets = [5], sizes = [1], strides = [1]} : vector<16xi32> to vector<1xi32>
        %squeeze3A_508 = vector.extract %slice3A_507[0] : i32 from vector<1xi32>
        %and3A_509 = arith.constant 127 : i32
        %and3A_510 = arith.andi %squeeze3A_506, %and3A_509 : i32
        %broadcast_in_dim3A_511 = vector.broadcast %and3A_510 : i32 to vector<16xi32>
        %and3A_512 = arith.constant 127 : i32
        %and3A_513 = arith.andi %squeeze3A_508, %and3A_512 : i32
        %broadcast_in_dim3A_514 = vector.broadcast %and3A_513 : i32 to vector<16xi32>
        %add3A_515 = arith.constant 32 : i32
        %add3A_516 = vector.broadcast %add3A_515 : i32 to vector<16xi32>
        %add3A_517 = arith.addi %iota3A, %add3A_516 : vector<16xi32>
        %gather3A_518 = tpu.vector_load_idx %arg11[%add3A_517, %broadcast_in_dim3A_511] : memref<128x128xf32, #tpu.memory_space<vmem>>[vector<16xi32>, vector<16xi32>], vector<16xf32>,
        %swap3A_519 = arith.index_cast %scan3A_148 : i32 to index
        %swap3A_520 = arith.constant 32 : index
        %swap3A_521 = tpu.vector_load %arg14[%swap3A_519, %swap3A_520] {strides = array<i32>} : memref<128x128xf32, #tpu.memory_space<vmem>>, vector<16xf32>,
        tpu.vector_store %arg14[%swap3A_519, %swap3A_520], %gather3A_518 {strides = array<i32>} : memref<128x128xf32, #tpu.memory_space<vmem>>, vector<16xf32>,
        %add3A_522 = arith.constant 32 : i32
        %add3A_523 = vector.broadcast %add3A_522 : i32 to vector<16xi32>
        %add3A_524 = arith.addi %add3A_5, %add3A_523 : vector<16xi32>
        %gather3A_525 = tpu.vector_load_idx %arg11[%add3A_524, %broadcast_in_dim3A_511] : memref<128x128xf32, #tpu.memory_space<vmem>>[vector<16xi32>, vector<16xi32>], vector<16xf32>,
        %swap3A_526 = arith.index_cast %scan3A_148 : i32 to index
        %swap3A_527 = arith.constant 48 : index
        %swap3A_528 = tpu.vector_load %arg14[%swap3A_526, %swap3A_527] {strides = array<i32>} : memref<128x128xf32, #tpu.memory_space<vmem>>, vector<16xf32>,
        tpu.vector_store %arg14[%swap3A_526, %swap3A_527], %gather3A_525 {strides = array<i32>} : memref<128x128xf32, #tpu.memory_space<vmem>>, vector<16xf32>,
        %add3A_529 = arith.constant 32 : i32
        %add3A_530 = vector.broadcast %add3A_529 : i32 to vector<16xi32>
        %add3A_531 = arith.addi %iota3A, %add3A_530 : vector<16xi32>
        %gather3A_532 = tpu.vector_load_idx %arg13[%add3A_531, %broadcast_in_dim3A_514] : memref<128x128xf32, #tpu.memory_space<vmem>>[vector<16xi32>, vector<16xi32>], vector<16xf32>,
        %swap3A_533 = arith.index_cast %scan3A_148 : i32 to index
        %swap3A_534 = arith.constant 32 : index
        %swap3A_535 = tpu.vector_load %arg15[%swap3A_533, %swap3A_534] {strides = array<i32>} : memref<128x128xf32, #tpu.memory_space<vmem>>, vector<16xf32>,
        tpu.vector_store %arg15[%swap3A_533, %swap3A_534], %gather3A_532 {strides = array<i32>} : memref<128x128xf32, #tpu.memory_space<vmem>>, vector<16xf32>,
        %add3A_536 = arith.constant 32 : i32
        %add3A_537 = vector.broadcast %add3A_536 : i32 to vector<16xi32>
        %add3A_538 = arith.addi %add3A_5, %add3A_537 : vector<16xi32>
        %gather3A_539 = tpu.vector_load_idx %arg13[%add3A_538, %broadcast_in_dim3A_514] : memref<128x128xf32, #tpu.memory_space<vmem>>[vector<16xi32>, vector<16xi32>], vector<16xf32>,
        %swap3A_540 = arith.index_cast %scan3A_148 : i32 to index
        %swap3A_541 = arith.constant 48 : index
        %swap3A_542 = tpu.vector_load %arg15[%swap3A_540, %swap3A_541] {strides = array<i32>} : memref<128x128xf32, #tpu.memory_space<vmem>>, vector<16xf32>,
        tpu.vector_store %arg15[%swap3A_540, %swap3A_541], %gather3A_539 {strides = array<i32>} : memref<128x128xf32, #tpu.memory_space<vmem>>, vector<16xf32>,
        %slice3A_543 = vector.extract_strided_slice %get3A_441 {offsets = [6], sizes = [1], strides = [1]} : vector<16xi32> to vector<1xi32>
        %squeeze3A_544 = vector.extract %slice3A_543[0] : i32 from vector<1xi32>
        %slice3A_545 = vector.extract_strided_slice %get3A_469 {offsets = [6], sizes = [1], strides = [1]} : vector<16xi32> to vector<1xi32>
        %squeeze3A_546 = vector.extract %slice3A_545[0] : i32 from vector<1xi32>
        %and3A_547 = arith.constant 127 : i32
        %and3A_548 = arith.andi %squeeze3A_544, %and3A_547 : i32
        %broadcast_in_dim3A_549 = vector.broadcast %and3A_548 : i32 to vector<16xi32>
        %and3A_550 = arith.constant 127 : i32
        %and3A_551 = arith.andi %squeeze3A_546, %and3A_550 : i32
        %broadcast_in_dim3A_552 = vector.broadcast %and3A_551 : i32 to vector<16xi32>
        %add3A_553 = arith.constant 64 : i32
        %add3A_554 = vector.broadcast %add3A_553 : i32 to vector<16xi32>
        %add3A_555 = arith.addi %iota3A, %add3A_554 : vector<16xi32>
        %gather3A_556 = tpu.vector_load_idx %arg11[%add3A_555, %broadcast_in_dim3A_549] : memref<128x128xf32, #tpu.memory_space<vmem>>[vector<16xi32>, vector<16xi32>], vector<16xf32>,
        %swap3A_557 = arith.index_cast %scan3A_148 : i32 to index
        %swap3A_558 = arith.constant 64 : index
        %swap3A_559 = tpu.vector_load %arg14[%swap3A_557, %swap3A_558] {strides = array<i32>} : memref<128x128xf32, #tpu.memory_space<vmem>>, vector<16xf32>,
        tpu.vector_store %arg14[%swap3A_557, %swap3A_558], %gather3A_556 {strides = array<i32>} : memref<128x128xf32, #tpu.memory_space<vmem>>, vector<16xf32>,
        %add3A_560 = arith.constant 64 : i32
        %add3A_561 = vector.broadcast %add3A_560 : i32 to vector<16xi32>
        %add3A_562 = arith.addi %add3A_5, %add3A_561 : vector<16xi32>
        %gather3A_563 = tpu.vector_load_idx %arg11[%add3A_562, %broadcast_in_dim3A_549] : memref<128x128xf32, #tpu.memory_space<vmem>>[vector<16xi32>, vector<16xi32>], vector<16xf32>,
        %swap3A_564 = arith.index_cast %scan3A_148 : i32 to index
        %swap3A_565 = arith.constant 80 : index
        %swap3A_566 = tpu.vector_load %arg14[%swap3A_564, %swap3A_565] {strides = array<i32>} : memref<128x128xf32, #tpu.memory_space<vmem>>, vector<16xf32>,
        tpu.vector_store %arg14[%swap3A_564, %swap3A_565], %gather3A_563 {strides = array<i32>} : memref<128x128xf32, #tpu.memory_space<vmem>>, vector<16xf32>,
        %add3A_567 = arith.constant 64 : i32
        %add3A_568 = vector.broadcast %add3A_567 : i32 to vector<16xi32>
        %add3A_569 = arith.addi %iota3A, %add3A_568 : vector<16xi32>
        %gather3A_570 = tpu.vector_load_idx %arg13[%add3A_569, %broadcast_in_dim3A_552] : memref<128x128xf32, #tpu.memory_space<vmem>>[vector<16xi32>, vector<16xi32>], vector<16xf32>,
        %swap3A_571 = arith.index_cast %scan3A_148 : i32 to index
        %swap3A_572 = arith.constant 64 : index
        %swap3A_573 = tpu.vector_load %arg15[%swap3A_571, %swap3A_572] {strides = array<i32>} : memref<128x128xf32, #tpu.memory_space<vmem>>, vector<16xf32>,
        tpu.vector_store %arg15[%swap3A_571, %swap3A_572], %gather3A_570 {strides = array<i32>} : memref<128x128xf32, #tpu.memory_space<vmem>>, vector<16xf32>,
        %add3A_574 = arith.constant 64 : i32
        %add3A_575 = vector.broadcast %add3A_574 : i32 to vector<16xi32>
        %add3A_576 = arith.addi %add3A_5, %add3A_575 : vector<16xi32>
        %gather3A_577 = tpu.vector_load_idx %arg13[%add3A_576, %broadcast_in_dim3A_552] : memref<128x128xf32, #tpu.memory_space<vmem>>[vector<16xi32>, vector<16xi32>], vector<16xf32>,
        %swap3A_578 = arith.index_cast %scan3A_148 : i32 to index
        %swap3A_579 = arith.constant 80 : index
        %swap3A_580 = tpu.vector_load %arg15[%swap3A_578, %swap3A_579] {strides = array<i32>} : memref<128x128xf32, #tpu.memory_space<vmem>>, vector<16xf32>,
        tpu.vector_store %arg15[%swap3A_578, %swap3A_579], %gather3A_577 {strides = array<i32>} : memref<128x128xf32, #tpu.memory_space<vmem>>, vector<16xf32>,
        %slice3A_581 = vector.extract_strided_slice %get3A_441 {offsets = [7], sizes = [1], strides = [1]} : vector<16xi32> to vector<1xi32>
        %squeeze3A_582 = vector.extract %slice3A_581[0] : i32 from vector<1xi32>
        %slice3A_583 = vector.extract_strided_slice %get3A_469 {offsets = [7], sizes = [1], strides = [1]} : vector<16xi32> to vector<1xi32>
        %squeeze3A_584 = vector.extract %slice3A_583[0] : i32 from vector<1xi32>
        %and3A_585 = arith.constant 127 : i32
        %and3A_586 = arith.andi %squeeze3A_582, %and3A_585 : i32
        %broadcast_in_dim3A_587 = vector.broadcast %and3A_586 : i32 to vector<16xi32>
        %and3A_588 = arith.constant 127 : i32
        %and3A_589 = arith.andi %squeeze3A_584, %and3A_588 : i32
        %broadcast_in_dim3A_590 = vector.broadcast %and3A_589 : i32 to vector<16xi32>
        %add3A_591 = arith.constant 96 : i32
        %add3A_592 = vector.broadcast %add3A_591 : i32 to vector<16xi32>
        %add3A_593 = arith.addi %iota3A, %add3A_592 : vector<16xi32>
        %gather3A_594 = tpu.vector_load_idx %arg11[%add3A_593, %broadcast_in_dim3A_587] : memref<128x128xf32, #tpu.memory_space<vmem>>[vector<16xi32>, vector<16xi32>], vector<16xf32>,
        %swap3A_595 = arith.index_cast %scan3A_148 : i32 to index
        %swap3A_596 = arith.constant 96 : index
        %swap3A_597 = tpu.vector_load %arg14[%swap3A_595, %swap3A_596] {strides = array<i32>} : memref<128x128xf32, #tpu.memory_space<vmem>>, vector<16xf32>,
        tpu.vector_store %arg14[%swap3A_595, %swap3A_596], %gather3A_594 {strides = array<i32>} : memref<128x128xf32, #tpu.memory_space<vmem>>, vector<16xf32>,
        %add3A_598 = arith.constant 96 : i32
        %add3A_599 = vector.broadcast %add3A_598 : i32 to vector<16xi32>
        %add3A_600 = arith.addi %add3A_5, %add3A_599 : vector<16xi32>
        %gather3A_601 = tpu.vector_load_idx %arg11[%add3A_600, %broadcast_in_dim3A_587] : memref<128x128xf32, #tpu.memory_space<vmem>>[vector<16xi32>, vector<16xi32>], vector<16xf32>,
        %swap3A_602 = arith.index_cast %scan3A_148 : i32 to index
        %swap3A_603 = arith.constant 112 : index
        %swap3A_604 = tpu.vector_load %arg14[%swap3A_602, %swap3A_603] {strides = array<i32>} : memref<128x128xf32, #tpu.memory_space<vmem>>, vector<16xf32>,
        tpu.vector_store %arg14[%swap3A_602, %swap3A_603], %gather3A_601 {strides = array<i32>} : memref<128x128xf32, #tpu.memory_space<vmem>>, vector<16xf32>,
        %add3A_605 = arith.constant 96 : i32
        %add3A_606 = vector.broadcast %add3A_605 : i32 to vector<16xi32>
        %add3A_607 = arith.addi %iota3A, %add3A_606 : vector<16xi32>
        %gather3A_608 = tpu.vector_load_idx %arg13[%add3A_607, %broadcast_in_dim3A_590] : memref<128x128xf32, #tpu.memory_space<vmem>>[vector<16xi32>, vector<16xi32>], vector<16xf32>,
        %swap3A_609 = arith.index_cast %scan3A_148 : i32 to index
        %swap3A_610 = arith.constant 96 : index
        %swap3A_611 = tpu.vector_load %arg15[%swap3A_609, %swap3A_610] {strides = array<i32>} : memref<128x128xf32, #tpu.memory_space<vmem>>, vector<16xf32>,
        tpu.vector_store %arg15[%swap3A_609, %swap3A_610], %gather3A_608 {strides = array<i32>} : memref<128x128xf32, #tpu.memory_space<vmem>>, vector<16xf32>,
        %add3A_612 = arith.constant 96 : i32
        %add3A_613 = vector.broadcast %add3A_612 : i32 to vector<16xi32>
        %add3A_614 = arith.addi %add3A_5, %add3A_613 : vector<16xi32>
        %gather3A_615 = tpu.vector_load_idx %arg13[%add3A_614, %broadcast_in_dim3A_590] : memref<128x128xf32, #tpu.memory_space<vmem>>[vector<16xi32>, vector<16xi32>], vector<16xf32>,
        %swap3A_616 = arith.index_cast %scan3A_148 : i32 to index
        %swap3A_617 = arith.constant 112 : index
        %swap3A_618 = tpu.vector_load %arg15[%swap3A_616, %swap3A_617] {strides = array<i32>} : memref<128x128xf32, #tpu.memory_space<vmem>>, vector<16xf32>,
        tpu.vector_store %arg15[%swap3A_616, %swap3A_617], %gather3A_615 {strides = array<i32>} : memref<128x128xf32, #tpu.memory_space<vmem>>, vector<16xf32>,
      } else {
      }
      %jit3A_280 = arith.constant 4 : i32
      %eq3A_281 = arith.constant 0 : i32
      %eq3A_282 = arith.cmpi eq, %jit3A_280, %eq3A_281 : i32
      %jit3A_283 = arith.constant 1 : i32
      %select_n3A_284 = arith.select %eq3A_282, %jit3A_283, %jit3A_280 : i32
      %rem3A_285 = arith.remsi %scan3A_148, %select_n3A_284 : i32
      %ne3A_286 = arith.constant 0 : i32
      %ne3A_287 = arith.cmpi ne, %rem3A_285, %ne3A_286 : i32
      %lt3A_288 = arith.constant 0 : i32
      %lt3A_289 = arith.cmpi slt, %rem3A_285, %lt3A_288 : i32
      %lt3A_290 = arith.constant 0 : i32
      %lt3A_291 = arith.cmpi slt, %select_n3A_284, %lt3A_290 : i32
      %ne3A_292 = arith.xori %lt3A_289, %lt3A_291 : i1
      %and3A_293 = arith.andi %ne3A_292, %ne3A_287 : i1
      %add3A_294 = arith.addi %rem3A_285, %select_n3A_284 : i32
      %select_n3A_295 = arith.select %and3A_293, %add3A_294, %rem3A_285 : i32
      %eq3A_296 = arith.constant 2 : i32
      %eq3A_297 = arith.cmpi eq, %select_n3A_295, %eq3A_296 : i32
      %convert_element_type3A_298 = arith.extui %eq3A_297 : i1 to i32
      %cond3A_299 = arith.constant 0 : i32
      %cond3A_300 = arith.cmpi ne, %convert_element_type3A_298, %cond3A_299 : i32
      scf.if %cond3A_300 {
        %dma_wait3A = arith.constant 0 : i32
        %dma_wait3A_322 = arith.constant 0 : i32
        %dma_wait3A_323 = tpu.memref_slice %arg10[%dma_wait3A, %dma_wait3A_322] : memref<128x128xf32, #tpu.memory_space<vmem>> -> memref<32x128xf32, #tpu.memory_space<vmem>>
        %dma_wait3A_324 = arith.constant 0 : i32
        %dma_wait3A_325 = arith.constant 0 : i32
        %dma_wait3A_326 = tpu.memref_slice %arg2[%dma_wait3A_324, %dma_wait3A_325] : memref<32x1000000xf32, #tpu.memory_space<hbm>> -> memref<32x128xf32, #tpu.memory_space<hbm>>
        %dma_wait3A_327 = arith.constant 0 : i32
        %dma_wait3A_328 = arith.constant 0 : i32
        %dma_wait3A_329 = tpu.memref_slice %arg10[%dma_wait3A_327, %dma_wait3A_328] : memref<128x128xf32, #tpu.memory_space<vmem>> -> memref<32x128xf32, #tpu.memory_space<vmem>>
        %dma_wait3A_330 = arith.constant 0 : i32
        %dma_wait3A_331 = arith.constant 0 : i32
        %dma_wait3A_332 = tpu.memref_slice %arg2[%dma_wait3A_330, %dma_wait3A_331] : memref<32x1000000xf32, #tpu.memory_space<hbm>> -> memref<32x128xf32, #tpu.memory_space<hbm>>
        tpu.wait_dma2 semaphore(%arg16 : memref<!tpu.dma_semaphore, #tpu.memory_space<semaphore_mem>>) src(%dma_wait3A_332 : memref<32x128xf32, #tpu.memory_space<hbm>>) dst(%dma_wait3A_329 : memref<32x128xf32, #tpu.memory_space<vmem>>)
        %dma_wait3A_333 = arith.constant 0 : i32
        %dma_wait3A_334 = arith.constant 0 : i32
        %dma_wait3A_335 = tpu.memref_slice %arg10[%dma_wait3A_333, %dma_wait3A_334] : memref<128x128xf32, #tpu.memory_space<vmem>> -> memref<32x128xf32, #tpu.memory_space<vmem>>
        %dma_wait3A_336 = arith.constant 0 : i32
        %dma_wait3A_337 = arith.constant 0 : i32
        %dma_wait3A_338 = tpu.memref_slice %arg2[%dma_wait3A_336, %dma_wait3A_337] : memref<32x1000000xf32, #tpu.memory_space<hbm>> -> memref<32x128xf32, #tpu.memory_space<hbm>>
        %dma_wait3A_339 = arith.constant 0 : i32
        %dma_wait3A_340 = arith.constant 0 : i32
        %dma_wait3A_341 = tpu.memref_slice %arg10[%dma_wait3A_339, %dma_wait3A_340] : memref<128x128xf32, #tpu.memory_space<vmem>> -> memref<32x128xf32, #tpu.memory_space<vmem>>
        %dma_wait3A_342 = arith.constant 0 : i32
        %dma_wait3A_343 = arith.constant 0 : i32
        %dma_wait3A_344 = tpu.memref_slice %arg2[%dma_wait3A_342, %dma_wait3A_343] : memref<32x1000000xf32, #tpu.memory_space<hbm>> -> memref<32x128xf32, #tpu.memory_space<hbm>>
        tpu.wait_dma2 semaphore(%arg16 : memref<!tpu.dma_semaphore, #tpu.memory_space<semaphore_mem>>) src(%dma_wait3A_344 : memref<32x128xf32, #tpu.memory_space<hbm>>) dst(%dma_wait3A_341 : memref<32x128xf32, #tpu.memory_space<vmem>>)
        %dma_wait3A_345 = arith.constant 0 : i32
        %dma_wait3A_346 = arith.constant 0 : i32
        %dma_wait3A_347 = tpu.memref_slice %arg10[%dma_wait3A_345, %dma_wait3A_346] : memref<128x128xf32, #tpu.memory_space<vmem>> -> memref<32x128xf32, #tpu.memory_space<vmem>>
        %dma_wait3A_348 = arith.constant 0 : i32
        %dma_wait3A_349 = arith.constant 0 : i32
        %dma_wait3A_350 = tpu.memref_slice %arg2[%dma_wait3A_348, %dma_wait3A_349] : memref<32x1000000xf32, #tpu.memory_space<hbm>> -> memref<32x128xf32, #tpu.memory_space<hbm>>
        %dma_wait3A_351 = arith.constant 0 : i32
        %dma_wait3A_352 = arith.constant 0 : i32
        %dma_wait3A_353 = tpu.memref_slice %arg10[%dma_wait3A_351, %dma_wait3A_352] : memref<128x128xf32, #tpu.memory_space<vmem>> -> memref<32x128xf32, #tpu.memory_space<vmem>>
        %dma_wait3A_354 = arith.constant 0 : i32
        %dma_wait3A_355 = arith.constant 0 : i32
        %dma_wait3A_356 = tpu.memref_slice %arg2[%dma_wait3A_354, %dma_wait3A_355] : memref<32x1000000xf32, #tpu.memory_space<hbm>> -> memref<32x128xf32, #tpu.memory_space<hbm>>
        tpu.wait_dma2 semaphore(%arg16 : memref<!tpu.dma_semaphore, #tpu.memory_space<semaphore_mem>>) src(%dma_wait3A_356 : memref<32x128xf32, #tpu.memory_space<hbm>>) dst(%dma_wait3A_353 : memref<32x128xf32, #tpu.memory_space<vmem>>)
        %dma_wait3A_357 = arith.constant 0 : i32
        %dma_wait3A_358 = arith.constant 0 : i32
        %dma_wait3A_359 = tpu.memref_slice %arg10[%dma_wait3A_357, %dma_wait3A_358] : memref<128x128xf32, #tpu.memory_space<vmem>> -> memref<32x128xf32, #tpu.memory_space<vmem>>
        %dma_wait3A_360 = arith.constant 0 : i32
        %dma_wait3A_361 = arith.constant 0 : i32
        %dma_wait3A_362 = tpu.memref_slice %arg2[%dma_wait3A_360, %dma_wait3A_361] : memref<32x1000000xf32, #tpu.memory_space<hbm>> -> memref<32x128xf32, #tpu.memory_space<hbm>>
        %dma_wait3A_363 = arith.constant 0 : i32
        %dma_wait3A_364 = arith.constant 0 : i32
        %dma_wait3A_365 = tpu.memref_slice %arg10[%dma_wait3A_363, %dma_wait3A_364] : memref<128x128xf32, #tpu.memory_space<vmem>> -> memref<32x128xf32, #tpu.memory_space<vmem>>
        %dma_wait3A_366 = arith.constant 0 : i32
        %dma_wait3A_367 = arith.constant 0 : i32
        %dma_wait3A_368 = tpu.memref_slice %arg2[%dma_wait3A_366, %dma_wait3A_367] : memref<32x1000000xf32, #tpu.memory_space<hbm>> -> memref<32x128xf32, #tpu.memory_space<hbm>>
        tpu.wait_dma2 semaphore(%arg16 : memref<!tpu.dma_semaphore, #tpu.memory_space<semaphore_mem>>) src(%dma_wait3A_368 : memref<32x128xf32, #tpu.memory_space<hbm>>) dst(%dma_wait3A_365 : memref<32x128xf32, #tpu.memory_space<vmem>>)
        %dma_wait3A_369 = arith.constant 0 : i32
        %dma_wait3A_370 = arith.constant 0 : i32
        %dma_wait3A_371 = tpu.memref_slice %arg10[%dma_wait3A_369, %dma_wait3A_370] : memref<128x128xf32, #tpu.memory_space<vmem>> -> memref<32x128xf32, #tpu.memory_space<vmem>>
        %dma_wait3A_372 = arith.constant 0 : i32
        %dma_wait3A_373 = arith.constant 0 : i32
        %dma_wait3A_374 = tpu.memref_slice %arg2[%dma_wait3A_372, %dma_wait3A_373] : memref<32x1000000xf32, #tpu.memory_space<hbm>> -> memref<32x128xf32, #tpu.memory_space<hbm>>
        %dma_wait3A_375 = arith.constant 0 : i32
        %dma_wait3A_376 = arith.constant 0 : i32
        %dma_wait3A_377 = tpu.memref_slice %arg10[%dma_wait3A_375, %dma_wait3A_376] : memref<128x128xf32, #tpu.memory_space<vmem>> -> memref<32x128xf32, #tpu.memory_space<vmem>>
        %dma_wait3A_378 = arith.constant 0 : i32
        %dma_wait3A_379 = arith.constant 0 : i32
        %dma_wait3A_380 = tpu.memref_slice %arg2[%dma_wait3A_378, %dma_wait3A_379] : memref<32x1000000xf32, #tpu.memory_space<hbm>> -> memref<32x128xf32, #tpu.memory_space<hbm>>
        tpu.wait_dma2 semaphore(%arg16 : memref<!tpu.dma_semaphore, #tpu.memory_space<semaphore_mem>>) src(%dma_wait3A_380 : memref<32x128xf32, #tpu.memory_space<hbm>>) dst(%dma_wait3A_377 : memref<32x128xf32, #tpu.memory_space<vmem>>)
        %dma_wait3A_381 = arith.constant 0 : i32
        %dma_wait3A_382 = arith.constant 0 : i32
        %dma_wait3A_383 = tpu.memref_slice %arg10[%dma_wait3A_381, %dma_wait3A_382] : memref<128x128xf32, #tpu.memory_space<vmem>> -> memref<32x128xf32, #tpu.memory_space<vmem>>
        %dma_wait3A_384 = arith.constant 0 : i32
        %dma_wait3A_385 = arith.constant 0 : i32
        %dma_wait3A_386 = tpu.memref_slice %arg2[%dma_wait3A_384, %dma_wait3A_385] : memref<32x1000000xf32, #tpu.memory_space<hbm>> -> memref<32x128xf32, #tpu.memory_space<hbm>>
        %dma_wait3A_387 = arith.constant 0 : i32
        %dma_wait3A_388 = arith.constant 0 : i32
        %dma_wait3A_389 = tpu.memref_slice %arg10[%dma_wait3A_387, %dma_wait3A_388] : memref<128x128xf32, #tpu.memory_space<vmem>> -> memref<32x128xf32, #tpu.memory_space<vmem>>
        %dma_wait3A_390 = arith.constant 0 : i32
        %dma_wait3A_391 = arith.constant 0 : i32
        %dma_wait3A_392 = tpu.memref_slice %arg2[%dma_wait3A_390, %dma_wait3A_391] : memref<32x1000000xf32, #tpu.memory_space<hbm>> -> memref<32x128xf32, #tpu.memory_space<hbm>>
        tpu.wait_dma2 semaphore(%arg16 : memref<!tpu.dma_semaphore, #tpu.memory_space<semaphore_mem>>) src(%dma_wait3A_392 : memref<32x128xf32, #tpu.memory_space<hbm>>) dst(%dma_wait3A_389 : memref<32x128xf32, #tpu.memory_space<vmem>>)
        %dma_wait3A_393 = arith.constant 0 : i32
        %dma_wait3A_394 = arith.constant 0 : i32
        %dma_wait3A_395 = tpu.memref_slice %arg10[%dma_wait3A_393, %dma_wait3A_394] : memref<128x128xf32, #tpu.memory_space<vmem>> -> memref<32x128xf32, #tpu.memory_space<vmem>>
        %dma_wait3A_396 = arith.constant 0 : i32
        %dma_wait3A_397 = arith.constant 0 : i32
        %dma_wait3A_398 = tpu.memref_slice %arg2[%dma_wait3A_396, %dma_wait3A_397] : memref<32x1000000xf32, #tpu.memory_space<hbm>> -> memref<32x128xf32, #tpu.memory_space<hbm>>
        %dma_wait3A_399 = arith.constant 0 : i32
        %dma_wait3A_400 = arith.constant 0 : i32
        %dma_wait3A_401 = tpu.memref_slice %arg10[%dma_wait3A_399, %dma_wait3A_400] : memref<128x128xf32, #tpu.memory_space<vmem>> -> memref<32x128xf32, #tpu.memory_space<vmem>>
        %dma_wait3A_402 = arith.constant 0 : i32
        %dma_wait3A_403 = arith.constant 0 : i32
        %dma_wait3A_404 = tpu.memref_slice %arg2[%dma_wait3A_402, %dma_wait3A_403] : memref<32x1000000xf32, #tpu.memory_space<hbm>> -> memref<32x128xf32, #tpu.memory_space<hbm>>
        tpu.wait_dma2 semaphore(%arg16 : memref<!tpu.dma_semaphore, #tpu.memory_space<semaphore_mem>>) src(%dma_wait3A_404 : memref<32x128xf32, #tpu.memory_space<hbm>>) dst(%dma_wait3A_401 : memref<32x128xf32, #tpu.memory_space<vmem>>)
        %dma_wait3A_405 = arith.constant 0 : i32
        %dma_wait3A_406 = arith.constant 0 : i32
        %dma_wait3A_407 = tpu.memref_slice %arg10[%dma_wait3A_405, %dma_wait3A_406] : memref<128x128xf32, #tpu.memory_space<vmem>> -> memref<32x128xf32, #tpu.memory_space<vmem>>
        %dma_wait3A_408 = arith.constant 0 : i32
        %dma_wait3A_409 = arith.constant 0 : i32
        %dma_wait3A_410 = tpu.memref_slice %arg2[%dma_wait3A_408, %dma_wait3A_409] : memref<32x1000000xf32, #tpu.memory_space<hbm>> -> memref<32x128xf32, #tpu.memory_space<hbm>>
        %dma_wait3A_411 = arith.constant 0 : i32
        %dma_wait3A_412 = arith.constant 0 : i32
        %dma_wait3A_413 = tpu.memref_slice %arg10[%dma_wait3A_411, %dma_wait3A_412] : memref<128x128xf32, #tpu.memory_space<vmem>> -> memref<32x128xf32, #tpu.memory_space<vmem>>
        %dma_wait3A_414 = arith.constant 0 : i32
        %dma_wait3A_415 = arith.constant 0 : i32
        %dma_wait3A_416 = tpu.memref_slice %arg2[%dma_wait3A_414, %dma_wait3A_415] : memref<32x1000000xf32, #tpu.memory_space<hbm>> -> memref<32x128xf32, #tpu.memory_space<hbm>>
        tpu.wait_dma2 semaphore(%arg16 : memref<!tpu.dma_semaphore, #tpu.memory_space<semaphore_mem>>) src(%dma_wait3A_416 : memref<32x128xf32, #tpu.memory_space<hbm>>) dst(%dma_wait3A_413 : memref<32x128xf32, #tpu.memory_space<vmem>>)
        %jit3A_417 = arith.constant 4 : i32
        %div3A = arith.divsi %scan3A_148, %jit3A_417 : i32
        %sign3A = arith.constant 0 : i32
        %sign3A_418 = arith.cmpi sgt, %scan3A_148, %sign3A : i32
        %sign3A_419 = arith.extui %sign3A_418 : i1 to i32
        %sign3A_420 = arith.constant 0 : i32
        %sign3A_421 = arith.cmpi slt, %scan3A_148, %sign3A_420 : i32
        %sign3A_422 = arith.extui %sign3A_421 : i1 to i32
        %sign3A_423 = arith.subi %sign3A_419, %sign3A_422 : i32
        %sign3A_424 = arith.constant 0 : i32
        %sign3A_425 = arith.cmpi sgt, %jit3A_417, %sign3A_424 : i32
        %sign3A_426 = arith.extui %sign3A_425 : i1 to i32
        %sign3A_427 = arith.constant 0 : i32
        %sign3A_428 = arith.cmpi slt, %jit3A_417, %sign3A_427 : i32
        %sign3A_429 = arith.extui %sign3A_428 : i1 to i32
        %sign3A_430 = arith.subi %sign3A_426, %sign3A_429 : i32
        %ne3A_431 = arith.cmpi ne, %sign3A_423, %sign3A_430 : i32
        %rem3A_432 = arith.remsi %scan3A_148, %jit3A_417 : i32
        %ne3A_433 = arith.constant 0 : i32
        %ne3A_434 = arith.cmpi ne, %rem3A_432, %ne3A_433 : i32
        %and3A_435 = arith.andi %ne3A_431, %ne3A_434 : i1
        %sub3A = arith.constant 1 : i32
        %sub3A_436 = arith.subi %div3A, %sub3A : i32
        %select_n3A_437 = arith.select %and3A_435, %sub3A_436, %div3A : i32
        %mul3A_438 = arith.constant 16 : i32
        %mul3A_439 = arith.muli %select_n3A_437, %mul3A_438 : i32
        %get3A_440 = arith.index_cast %mul3A_439 : i32 to index
        %get3A_441 = tpu.vector_load %arg8[%get3A_440] {strides = array<i32>} : memref<512xi32, #tpu.memory_space<vmem>>, vector<16xi32>,
        %jit3A_442 = arith.constant 4 : i32
        %div3A_443 = arith.divsi %scan3A_148, %jit3A_442 : i32
        %sign3A_444 = arith.constant 0 : i32
        %sign3A_445 = arith.cmpi sgt, %scan3A_148, %sign3A_444 : i32
        %sign3A_446 = arith.extui %sign3A_445 : i1 to i32
        %sign3A_447 = arith.constant 0 : i32
        %sign3A_448 = arith.cmpi slt, %scan3A_148, %sign3A_447 : i32
        %sign3A_449 = arith.extui %sign3A_448 : i1 to i32
        %sign3A_450 = arith.subi %sign3A_446, %sign3A_449 : i32
        %sign3A_451 = arith.constant 0 : i32
        %sign3A_452 = arith.cmpi sgt, %jit3A_442, %sign3A_451 : i32
        %sign3A_453 = arith.extui %sign3A_452 : i1 to i32
        %sign3A_454 = arith.constant 0 : i32
        %sign3A_455 = arith.cmpi slt, %jit3A_442, %sign3A_454 : i32
        %sign3A_456 = arith.extui %sign3A_455 : i1 to i32
        %sign3A_457 = arith.subi %sign3A_453, %sign3A_456 : i32
        %ne3A_458 = arith.cmpi ne, %sign3A_450, %sign3A_457 : i32
        %rem3A_459 = arith.remsi %scan3A_148, %jit3A_442 : i32
        %ne3A_460 = arith.constant 0 : i32
        %ne3A_461 = arith.cmpi ne, %rem3A_459, %ne3A_460 : i32
        %and3A_462 = arith.andi %ne3A_458, %ne3A_461 : i1
        %sub3A_463 = arith.constant 1 : i32
        %sub3A_464 = arith.subi %div3A_443, %sub3A_463 : i32
        %select_n3A_465 = arith.select %and3A_462, %sub3A_464, %div3A_443 : i32
        %mul3A_466 = arith.constant 16 : i32
        %mul3A_467 = arith.muli %select_n3A_465, %mul3A_466 : i32
        %get3A_468 = arith.index_cast %mul3A_467 : i32 to index
        %get3A_469 = tpu.vector_load %arg9[%get3A_468] {strides = array<i32>} : memref<512xi32, #tpu.memory_space<vmem>>, vector<16xi32>,
        %slice3A_470 = vector.extract_strided_slice %get3A_441 {offsets = [8], sizes = [1], strides = [1]} : vector<16xi32> to vector<1xi32>
        %squeeze3A_471 = vector.extract %slice3A_470[0] : i32 from vector<1xi32>
        %slice3A_472 = vector.extract_strided_slice %get3A_469 {offsets = [8], sizes = [1], strides = [1]} : vector<16xi32> to vector<1xi32>
        %squeeze3A_473 = vector.extract %slice3A_472[0] : i32 from vector<1xi32>
        %and3A_474 = arith.constant 127 : i32
        %and3A_475 = arith.andi %squeeze3A_471, %and3A_474 : i32
        %broadcast_in_dim3A = vector.broadcast %and3A_475 : i32 to vector<16xi32>
        %and3A_476 = arith.constant 127 : i32
        %and3A_477 = arith.andi %squeeze3A_473, %and3A_476 : i32
        %broadcast_in_dim3A_478 = vector.broadcast %and3A_477 : i32 to vector<16xi32>
        %add3A_479 = arith.constant 0 : i32
        %add3A_480 = vector.broadcast %add3A_479 : i32 to vector<16xi32>
        %add3A_481 = arith.addi %iota3A, %add3A_480 : vector<16xi32>
        %gather3A = tpu.vector_load_idx %arg10[%add3A_481, %broadcast_in_dim3A] : memref<128x128xf32, #tpu.memory_space<vmem>>[vector<16xi32>, vector<16xi32>], vector<16xf32>,
        %swap3A = arith.index_cast %scan3A_148 : i32 to index
        %swap3A_482 = arith.constant 0 : index
        %swap3A_483 = tpu.vector_load %arg14[%swap3A, %swap3A_482] {strides = array<i32>} : memref<128x128xf32, #tpu.memory_space<vmem>>, vector<16xf32>,
        tpu.vector_store %arg14[%swap3A, %swap3A_482], %gather3A {strides = array<i32>} : memref<128x128xf32, #tpu.memory_space<vmem>>, vector<16xf32>,
        %add3A_484 = arith.constant 0 : i32
        %add3A_485 = vector.broadcast %add3A_484 : i32 to vector<16xi32>
        %add3A_486 = arith.addi %add3A_5, %add3A_485 : vector<16xi32>
        %gather3A_487 = tpu.vector_load_idx %arg10[%add3A_486, %broadcast_in_dim3A] : memref<128x128xf32, #tpu.memory_space<vmem>>[vector<16xi32>, vector<16xi32>], vector<16xf32>,
        %swap3A_488 = arith.index_cast %scan3A_148 : i32 to index
        %swap3A_489 = arith.constant 16 : index
        %swap3A_490 = tpu.vector_load %arg14[%swap3A_488, %swap3A_489] {strides = array<i32>} : memref<128x128xf32, #tpu.memory_space<vmem>>, vector<16xf32>,
        tpu.vector_store %arg14[%swap3A_488, %swap3A_489], %gather3A_487 {strides = array<i32>} : memref<128x128xf32, #tpu.memory_space<vmem>>, vector<16xf32>,
        %add3A_491 = arith.constant 0 : i32
        %add3A_492 = vector.broadcast %add3A_491 : i32 to vector<16xi32>
        %add3A_493 = arith.addi %iota3A, %add3A_492 : vector<16xi32>
        %gather3A_494 = tpu.vector_load_idx %arg12[%add3A_493, %broadcast_in_dim3A_478] : memref<128x128xf32, #tpu.memory_space<vmem>>[vector<16xi32>, vector<16xi32>], vector<16xf32>,
        %swap3A_495 = arith.index_cast %scan3A_148 : i32 to index
        %swap3A_496 = arith.constant 0 : index
        %swap3A_497 = tpu.vector_load %arg15[%swap3A_495, %swap3A_496] {strides = array<i32>} : memref<128x128xf32, #tpu.memory_space<vmem>>, vector<16xf32>,
        tpu.vector_store %arg15[%swap3A_495, %swap3A_496], %gather3A_494 {strides = array<i32>} : memref<128x128xf32, #tpu.memory_space<vmem>>, vector<16xf32>,
        %add3A_498 = arith.constant 0 : i32
        %add3A_499 = vector.broadcast %add3A_498 : i32 to vector<16xi32>
        %add3A_500 = arith.addi %add3A_5, %add3A_499 : vector<16xi32>
        %gather3A_501 = tpu.vector_load_idx %arg12[%add3A_500, %broadcast_in_dim3A_478] : memref<128x128xf32, #tpu.memory_space<vmem>>[vector<16xi32>, vector<16xi32>], vector<16xf32>,
        %swap3A_502 = arith.index_cast %scan3A_148 : i32 to index
        %swap3A_503 = arith.constant 16 : index
        %swap3A_504 = tpu.vector_load %arg15[%swap3A_502, %swap3A_503] {strides = array<i32>} : memref<128x128xf32, #tpu.memory_space<vmem>>, vector<16xf32>,
        tpu.vector_store %arg15[%swap3A_502, %swap3A_503], %gather3A_501 {strides = array<i32>} : memref<128x128xf32, #tpu.memory_space<vmem>>, vector<16xf32>,
        %slice3A_505 = vector.extract_strided_slice %get3A_441 {offsets = [9], sizes = [1], strides = [1]} : vector<16xi32> to vector<1xi32>
        %squeeze3A_506 = vector.extract %slice3A_505[0] : i32 from vector<1xi32>
        %slice3A_507 = vector.extract_strided_slice %get3A_469 {offsets = [9], sizes = [1], strides = [1]} : vector<16xi32> to vector<1xi32>
        %squeeze3A_508 = vector.extract %slice3A_507[0] : i32 from vector<1xi32>
        %and3A_509 = arith.constant 127 : i32
        %and3A_510 = arith.andi %squeeze3A_506, %and3A_509 : i32
        %broadcast_in_dim3A_511 = vector.broadcast %and3A_510 : i32 to vector<16xi32>
        %and3A_512 = arith.constant 127 : i32
        %and3A_513 = arith.andi %squeeze3A_508, %and3A_512 : i32
        %broadcast_in_dim3A_514 = vector.broadcast %and3A_513 : i32 to vector<16xi32>
        %add3A_515 = arith.constant 32 : i32
        %add3A_516 = vector.broadcast %add3A_515 : i32 to vector<16xi32>
        %add3A_517 = arith.addi %iota3A, %add3A_516 : vector<16xi32>
        %gather3A_518 = tpu.vector_load_idx %arg10[%add3A_517, %broadcast_in_dim3A_511] : memref<128x128xf32, #tpu.memory_space<vmem>>[vector<16xi32>, vector<16xi32>], vector<16xf32>,
        %swap3A_519 = arith.index_cast %scan3A_148 : i32 to index
        %swap3A_520 = arith.constant 32 : index
        %swap3A_521 = tpu.vector_load %arg14[%swap3A_519, %swap3A_520] {strides = array<i32>} : memref<128x128xf32, #tpu.memory_space<vmem>>, vector<16xf32>,
        tpu.vector_store %arg14[%swap3A_519, %swap3A_520], %gather3A_518 {strides = array<i32>} : memref<128x128xf32, #tpu.memory_space<vmem>>, vector<16xf32>,
        %add3A_522 = arith.constant 32 : i32
        %add3A_523 = vector.broadcast %add3A_522 : i32 to vector<16xi32>
        %add3A_524 = arith.addi %add3A_5, %add3A_523 : vector<16xi32>
        %gather3A_525 = tpu.vector_load_idx %arg10[%add3A_524, %broadcast_in_dim3A_511] : memref<128x128xf32, #tpu.memory_space<vmem>>[vector<16xi32>, vector<16xi32>], vector<16xf32>,
        %swap3A_526 = arith.index_cast %scan3A_148 : i32 to index
        %swap3A_527 = arith.constant 48 : index
        %swap3A_528 = tpu.vector_load %arg14[%swap3A_526, %swap3A_527] {strides = array<i32>} : memref<128x128xf32, #tpu.memory_space<vmem>>, vector<16xf32>,
        tpu.vector_store %arg14[%swap3A_526, %swap3A_527], %gather3A_525 {strides = array<i32>} : memref<128x128xf32, #tpu.memory_space<vmem>>, vector<16xf32>,
        %add3A_529 = arith.constant 32 : i32
        %add3A_530 = vector.broadcast %add3A_529 : i32 to vector<16xi32>
        %add3A_531 = arith.addi %iota3A, %add3A_530 : vector<16xi32>
        %gather3A_532 = tpu.vector_load_idx %arg12[%add3A_531, %broadcast_in_dim3A_514] : memref<128x128xf32, #tpu.memory_space<vmem>>[vector<16xi32>, vector<16xi32>], vector<16xf32>,
        %swap3A_533 = arith.index_cast %scan3A_148 : i32 to index
        %swap3A_534 = arith.constant 32 : index
        %swap3A_535 = tpu.vector_load %arg15[%swap3A_533, %swap3A_534] {strides = array<i32>} : memref<128x128xf32, #tpu.memory_space<vmem>>, vector<16xf32>,
        tpu.vector_store %arg15[%swap3A_533, %swap3A_534], %gather3A_532 {strides = array<i32>} : memref<128x128xf32, #tpu.memory_space<vmem>>, vector<16xf32>,
        %add3A_536 = arith.constant 32 : i32
        %add3A_537 = vector.broadcast %add3A_536 : i32 to vector<16xi32>
        %add3A_538 = arith.addi %add3A_5, %add3A_537 : vector<16xi32>
        %gather3A_539 = tpu.vector_load_idx %arg12[%add3A_538, %broadcast_in_dim3A_514] : memref<128x128xf32, #tpu.memory_space<vmem>>[vector<16xi32>, vector<16xi32>], vector<16xf32>,
        %swap3A_540 = arith.index_cast %scan3A_148 : i32 to index
        %swap3A_541 = arith.constant 48 : index
        %swap3A_542 = tpu.vector_load %arg15[%swap3A_540, %swap3A_541] {strides = array<i32>} : memref<128x128xf32, #tpu.memory_space<vmem>>, vector<16xf32>,
        tpu.vector_store %arg15[%swap3A_540, %swap3A_541], %gather3A_539 {strides = array<i32>} : memref<128x128xf32, #tpu.memory_space<vmem>>, vector<16xf32>,
        %slice3A_543 = vector.extract_strided_slice %get3A_441 {offsets = [10], sizes = [1], strides = [1]} : vector<16xi32> to vector<1xi32>
        %squeeze3A_544 = vector.extract %slice3A_543[0] : i32 from vector<1xi32>
        %slice3A_545 = vector.extract_strided_slice %get3A_469 {offsets = [10], sizes = [1], strides = [1]} : vector<16xi32> to vector<1xi32>
        %squeeze3A_546 = vector.extract %slice3A_545[0] : i32 from vector<1xi32>
        %and3A_547 = arith.constant 127 : i32
        %and3A_548 = arith.andi %squeeze3A_544, %and3A_547 : i32
        %broadcast_in_dim3A_549 = vector.broadcast %and3A_548 : i32 to vector<16xi32>
        %and3A_550 = arith.constant 127 : i32
        %and3A_551 = arith.andi %squeeze3A_546, %and3A_550 : i32
        %broadcast_in_dim3A_552 = vector.broadcast %and3A_551 : i32 to vector<16xi32>
        %add3A_553 = arith.constant 64 : i32
        %add3A_554 = vector.broadcast %add3A_553 : i32 to vector<16xi32>
        %add3A_555 = arith.addi %iota3A, %add3A_554 : vector<16xi32>
        %gather3A_556 = tpu.vector_load_idx %arg10[%add3A_555, %broadcast_in_dim3A_549] : memref<128x128xf32, #tpu.memory_space<vmem>>[vector<16xi32>, vector<16xi32>], vector<16xf32>,
        %swap3A_557 = arith.index_cast %scan3A_148 : i32 to index
        %swap3A_558 = arith.constant 64 : index
        %swap3A_559 = tpu.vector_load %arg14[%swap3A_557, %swap3A_558] {strides = array<i32>} : memref<128x128xf32, #tpu.memory_space<vmem>>, vector<16xf32>,
        tpu.vector_store %arg14[%swap3A_557, %swap3A_558], %gather3A_556 {strides = array<i32>} : memref<128x128xf32, #tpu.memory_space<vmem>>, vector<16xf32>,
        %add3A_560 = arith.constant 64 : i32
        %add3A_561 = vector.broadcast %add3A_560 : i32 to vector<16xi32>
        %add3A_562 = arith.addi %add3A_5, %add3A_561 : vector<16xi32>
        %gather3A_563 = tpu.vector_load_idx %arg10[%add3A_562, %broadcast_in_dim3A_549] : memref<128x128xf32, #tpu.memory_space<vmem>>[vector<16xi32>, vector<16xi32>], vector<16xf32>,
        %swap3A_564 = arith.index_cast %scan3A_148 : i32 to index
        %swap3A_565 = arith.constant 80 : index
        %swap3A_566 = tpu.vector_load %arg14[%swap3A_564, %swap3A_565] {strides = array<i32>} : memref<128x128xf32, #tpu.memory_space<vmem>>, vector<16xf32>,
        tpu.vector_store %arg14[%swap3A_564, %swap3A_565], %gather3A_563 {strides = array<i32>} : memref<128x128xf32, #tpu.memory_space<vmem>>, vector<16xf32>,
        %add3A_567 = arith.constant 64 : i32
        %add3A_568 = vector.broadcast %add3A_567 : i32 to vector<16xi32>
        %add3A_569 = arith.addi %iota3A, %add3A_568 : vector<16xi32>
        %gather3A_570 = tpu.vector_load_idx %arg12[%add3A_569, %broadcast_in_dim3A_552] : memref<128x128xf32, #tpu.memory_space<vmem>>[vector<16xi32>, vector<16xi32>], vector<16xf32>,
        %swap3A_571 = arith.index_cast %scan3A_148 : i32 to index
        %swap3A_572 = arith.constant 64 : index
        %swap3A_573 = tpu.vector_load %arg15[%swap3A_571, %swap3A_572] {strides = array<i32>} : memref<128x128xf32, #tpu.memory_space<vmem>>, vector<16xf32>,
        tpu.vector_store %arg15[%swap3A_571, %swap3A_572], %gather3A_570 {strides = array<i32>} : memref<128x128xf32, #tpu.memory_space<vmem>>, vector<16xf32>,
        %add3A_574 = arith.constant 64 : i32
        %add3A_575 = vector.broadcast %add3A_574 : i32 to vector<16xi32>
        %add3A_576 = arith.addi %add3A_5, %add3A_575 : vector<16xi32>
        %gather3A_577 = tpu.vector_load_idx %arg12[%add3A_576, %broadcast_in_dim3A_552] : memref<128x128xf32, #tpu.memory_space<vmem>>[vector<16xi32>, vector<16xi32>], vector<16xf32>,
        %swap3A_578 = arith.index_cast %scan3A_148 : i32 to index
        %swap3A_579 = arith.constant 80 : index
        %swap3A_580 = tpu.vector_load %arg15[%swap3A_578, %swap3A_579] {strides = array<i32>} : memref<128x128xf32, #tpu.memory_space<vmem>>, vector<16xf32>,
        tpu.vector_store %arg15[%swap3A_578, %swap3A_579], %gather3A_577 {strides = array<i32>} : memref<128x128xf32, #tpu.memory_space<vmem>>, vector<16xf32>,
        %slice3A_581 = vector.extract_strided_slice %get3A_441 {offsets = [11], sizes = [1], strides = [1]} : vector<16xi32> to vector<1xi32>
        %squeeze3A_582 = vector.extract %slice3A_581[0] : i32 from vector<1xi32>
        %slice3A_583 = vector.extract_strided_slice %get3A_469 {offsets = [11], sizes = [1], strides = [1]} : vector<16xi32> to vector<1xi32>
        %squeeze3A_584 = vector.extract %slice3A_583[0] : i32 from vector<1xi32>
        %and3A_585 = arith.constant 127 : i32
        %and3A_586 = arith.andi %squeeze3A_582, %and3A_585 : i32
        %broadcast_in_dim3A_587 = vector.broadcast %and3A_586 : i32 to vector<16xi32>
        %and3A_588 = arith.constant 127 : i32
        %and3A_589 = arith.andi %squeeze3A_584, %and3A_588 : i32
        %broadcast_in_dim3A_590 = vector.broadcast %and3A_589 : i32 to vector<16xi32>
        %add3A_591 = arith.constant 96 : i32
        %add3A_592 = vector.broadcast %add3A_591 : i32 to vector<16xi32>
        %add3A_593 = arith.addi %iota3A, %add3A_592 : vector<16xi32>
        %gather3A_594 = tpu.vector_load_idx %arg10[%add3A_593, %broadcast_in_dim3A_587] : memref<128x128xf32, #tpu.memory_space<vmem>>[vector<16xi32>, vector<16xi32>], vector<16xf32>,
        %swap3A_595 = arith.index_cast %scan3A_148 : i32 to index
        %swap3A_596 = arith.constant 96 : index
        %swap3A_597 = tpu.vector_load %arg14[%swap3A_595, %swap3A_596] {strides = array<i32>} : memref<128x128xf32, #tpu.memory_space<vmem>>, vector<16xf32>,
        tpu.vector_store %arg14[%swap3A_595, %swap3A_596], %gather3A_594 {strides = array<i32>} : memref<128x128xf32, #tpu.memory_space<vmem>>, vector<16xf32>,
        %add3A_598 = arith.constant 96 : i32
        %add3A_599 = vector.broadcast %add3A_598 : i32 to vector<16xi32>
        %add3A_600 = arith.addi %add3A_5, %add3A_599 : vector<16xi32>
        %gather3A_601 = tpu.vector_load_idx %arg10[%add3A_600, %broadcast_in_dim3A_587] : memref<128x128xf32, #tpu.memory_space<vmem>>[vector<16xi32>, vector<16xi32>], vector<16xf32>,
        %swap3A_602 = arith.index_cast %scan3A_148 : i32 to index
        %swap3A_603 = arith.constant 112 : index
        %swap3A_604 = tpu.vector_load %arg14[%swap3A_602, %swap3A_603] {strides = array<i32>} : memref<128x128xf32, #tpu.memory_space<vmem>>, vector<16xf32>,
        tpu.vector_store %arg14[%swap3A_602, %swap3A_603], %gather3A_601 {strides = array<i32>} : memref<128x128xf32, #tpu.memory_space<vmem>>, vector<16xf32>,
        %add3A_605 = arith.constant 96 : i32
        %add3A_606 = vector.broadcast %add3A_605 : i32 to vector<16xi32>
        %add3A_607 = arith.addi %iota3A, %add3A_606 : vector<16xi32>
        %gather3A_608 = tpu.vector_load_idx %arg12[%add3A_607, %broadcast_in_dim3A_590] : memref<128x128xf32, #tpu.memory_space<vmem>>[vector<16xi32>, vector<16xi32>], vector<16xf32>,
        %swap3A_609 = arith.index_cast %scan3A_148 : i32 to index
        %swap3A_610 = arith.constant 96 : index
        %swap3A_611 = tpu.vector_load %arg15[%swap3A_609, %swap3A_610] {strides = array<i32>} : memref<128x128xf32, #tpu.memory_space<vmem>>, vector<16xf32>,
        tpu.vector_store %arg15[%swap3A_609, %swap3A_610], %gather3A_608 {strides = array<i32>} : memref<128x128xf32, #tpu.memory_space<vmem>>, vector<16xf32>,
        %add3A_612 = arith.constant 96 : i32
        %add3A_613 = vector.broadcast %add3A_612 : i32 to vector<16xi32>
        %add3A_614 = arith.addi %add3A_5, %add3A_613 : vector<16xi32>
        %gather3A_615 = tpu.vector_load_idx %arg12[%add3A_614, %broadcast_in_dim3A_590] : memref<128x128xf32, #tpu.memory_space<vmem>>[vector<16xi32>, vector<16xi32>], vector<16xf32>,
        %swap3A_616 = arith.index_cast %scan3A_148 : i32 to index
        %swap3A_617 = arith.constant 112 : index
        %swap3A_618 = tpu.vector_load %arg15[%swap3A_616, %swap3A_617] {strides = array<i32>} : memref<128x128xf32, #tpu.memory_space<vmem>>, vector<16xf32>,
        tpu.vector_store %arg15[%swap3A_616, %swap3A_617], %gather3A_615 {strides = array<i32>} : memref<128x128xf32, #tpu.memory_space<vmem>>, vector<16xf32>,
      } else {
      }
      %jit3A_301 = arith.constant 4 : i32
      %eq3A_302 = arith.constant 0 : i32
      %eq3A_303 = arith.cmpi eq, %jit3A_301, %eq3A_302 : i32
      %jit3A_304 = arith.constant 1 : i32
      %select_n3A_305 = arith.select %eq3A_303, %jit3A_304, %jit3A_301 : i32
      %rem3A_306 = arith.remsi %scan3A_148, %select_n3A_305 : i32
      %ne3A_307 = arith.constant 0 : i32
      %ne3A_308 = arith.cmpi ne, %rem3A_306, %ne3A_307 : i32
      %lt3A_309 = arith.constant 0 : i32
      %lt3A_310 = arith.cmpi slt, %rem3A_306, %lt3A_309 : i32
      %lt3A_311 = arith.constant 0 : i32
      %lt3A_312 = arith.cmpi slt, %select_n3A_305, %lt3A_311 : i32
      %ne3A_313 = arith.xori %lt3A_310, %lt3A_312 : i1
      %and3A_314 = arith.andi %ne3A_313, %ne3A_308 : i1
      %add3A_315 = arith.addi %rem3A_306, %select_n3A_305 : i32
      %select_n3A_316 = arith.select %and3A_314, %add3A_315, %rem3A_306 : i32
      %eq3A_317 = arith.constant 3 : i32
      %eq3A_318 = arith.cmpi eq, %select_n3A_316, %eq3A_317 : i32
      %convert_element_type3A_319 = arith.extui %eq3A_318 : i1 to i32
      %cond3A_320 = arith.constant 0 : i32
      %cond3A_321 = arith.cmpi ne, %convert_element_type3A_319, %cond3A_320 : i32
      scf.if %cond3A_321 {
        %dma_wait3A = arith.constant 0 : i32
        %dma_wait3A_322 = arith.constant 0 : i32
        %dma_wait3A_323 = tpu.memref_slice %arg11[%dma_wait3A, %dma_wait3A_322] : memref<128x128xf32, #tpu.memory_space<vmem>> -> memref<32x128xf32, #tpu.memory_space<vmem>>
        %dma_wait3A_324 = arith.constant 0 : i32
        %dma_wait3A_325 = arith.constant 0 : i32
        %dma_wait3A_326 = tpu.memref_slice %arg2[%dma_wait3A_324, %dma_wait3A_325] : memref<32x1000000xf32, #tpu.memory_space<hbm>> -> memref<32x128xf32, #tpu.memory_space<hbm>>
        %dma_wait3A_327 = arith.constant 0 : i32
        %dma_wait3A_328 = arith.constant 0 : i32
        %dma_wait3A_329 = tpu.memref_slice %arg11[%dma_wait3A_327, %dma_wait3A_328] : memref<128x128xf32, #tpu.memory_space<vmem>> -> memref<32x128xf32, #tpu.memory_space<vmem>>
        %dma_wait3A_330 = arith.constant 0 : i32
        %dma_wait3A_331 = arith.constant 0 : i32
        %dma_wait3A_332 = tpu.memref_slice %arg2[%dma_wait3A_330, %dma_wait3A_331] : memref<32x1000000xf32, #tpu.memory_space<hbm>> -> memref<32x128xf32, #tpu.memory_space<hbm>>
        tpu.wait_dma2 semaphore(%arg17 : memref<!tpu.dma_semaphore, #tpu.memory_space<semaphore_mem>>) src(%dma_wait3A_332 : memref<32x128xf32, #tpu.memory_space<hbm>>) dst(%dma_wait3A_329 : memref<32x128xf32, #tpu.memory_space<vmem>>)
        %dma_wait3A_333 = arith.constant 0 : i32
        %dma_wait3A_334 = arith.constant 0 : i32
        %dma_wait3A_335 = tpu.memref_slice %arg11[%dma_wait3A_333, %dma_wait3A_334] : memref<128x128xf32, #tpu.memory_space<vmem>> -> memref<32x128xf32, #tpu.memory_space<vmem>>
        %dma_wait3A_336 = arith.constant 0 : i32
        %dma_wait3A_337 = arith.constant 0 : i32
        %dma_wait3A_338 = tpu.memref_slice %arg2[%dma_wait3A_336, %dma_wait3A_337] : memref<32x1000000xf32, #tpu.memory_space<hbm>> -> memref<32x128xf32, #tpu.memory_space<hbm>>
        %dma_wait3A_339 = arith.constant 0 : i32
        %dma_wait3A_340 = arith.constant 0 : i32
        %dma_wait3A_341 = tpu.memref_slice %arg11[%dma_wait3A_339, %dma_wait3A_340] : memref<128x128xf32, #tpu.memory_space<vmem>> -> memref<32x128xf32, #tpu.memory_space<vmem>>
        %dma_wait3A_342 = arith.constant 0 : i32
        %dma_wait3A_343 = arith.constant 0 : i32
        %dma_wait3A_344 = tpu.memref_slice %arg2[%dma_wait3A_342, %dma_wait3A_343] : memref<32x1000000xf32, #tpu.memory_space<hbm>> -> memref<32x128xf32, #tpu.memory_space<hbm>>
        tpu.wait_dma2 semaphore(%arg17 : memref<!tpu.dma_semaphore, #tpu.memory_space<semaphore_mem>>) src(%dma_wait3A_344 : memref<32x128xf32, #tpu.memory_space<hbm>>) dst(%dma_wait3A_341 : memref<32x128xf32, #tpu.memory_space<vmem>>)
        %dma_wait3A_345 = arith.constant 0 : i32
        %dma_wait3A_346 = arith.constant 0 : i32
        %dma_wait3A_347 = tpu.memref_slice %arg11[%dma_wait3A_345, %dma_wait3A_346] : memref<128x128xf32, #tpu.memory_space<vmem>> -> memref<32x128xf32, #tpu.memory_space<vmem>>
        %dma_wait3A_348 = arith.constant 0 : i32
        %dma_wait3A_349 = arith.constant 0 : i32
        %dma_wait3A_350 = tpu.memref_slice %arg2[%dma_wait3A_348, %dma_wait3A_349] : memref<32x1000000xf32, #tpu.memory_space<hbm>> -> memref<32x128xf32, #tpu.memory_space<hbm>>
        %dma_wait3A_351 = arith.constant 0 : i32
        %dma_wait3A_352 = arith.constant 0 : i32
        %dma_wait3A_353 = tpu.memref_slice %arg11[%dma_wait3A_351, %dma_wait3A_352] : memref<128x128xf32, #tpu.memory_space<vmem>> -> memref<32x128xf32, #tpu.memory_space<vmem>>
        %dma_wait3A_354 = arith.constant 0 : i32
        %dma_wait3A_355 = arith.constant 0 : i32
        %dma_wait3A_356 = tpu.memref_slice %arg2[%dma_wait3A_354, %dma_wait3A_355] : memref<32x1000000xf32, #tpu.memory_space<hbm>> -> memref<32x128xf32, #tpu.memory_space<hbm>>
        tpu.wait_dma2 semaphore(%arg17 : memref<!tpu.dma_semaphore, #tpu.memory_space<semaphore_mem>>) src(%dma_wait3A_356 : memref<32x128xf32, #tpu.memory_space<hbm>>) dst(%dma_wait3A_353 : memref<32x128xf32, #tpu.memory_space<vmem>>)
        %dma_wait3A_357 = arith.constant 0 : i32
        %dma_wait3A_358 = arith.constant 0 : i32
        %dma_wait3A_359 = tpu.memref_slice %arg11[%dma_wait3A_357, %dma_wait3A_358] : memref<128x128xf32, #tpu.memory_space<vmem>> -> memref<32x128xf32, #tpu.memory_space<vmem>>
        %dma_wait3A_360 = arith.constant 0 : i32
        %dma_wait3A_361 = arith.constant 0 : i32
        %dma_wait3A_362 = tpu.memref_slice %arg2[%dma_wait3A_360, %dma_wait3A_361] : memref<32x1000000xf32, #tpu.memory_space<hbm>> -> memref<32x128xf32, #tpu.memory_space<hbm>>
        %dma_wait3A_363 = arith.constant 0 : i32
        %dma_wait3A_364 = arith.constant 0 : i32
        %dma_wait3A_365 = tpu.memref_slice %arg11[%dma_wait3A_363, %dma_wait3A_364] : memref<128x128xf32, #tpu.memory_space<vmem>> -> memref<32x128xf32, #tpu.memory_space<vmem>>
        %dma_wait3A_366 = arith.constant 0 : i32
        %dma_wait3A_367 = arith.constant 0 : i32
        %dma_wait3A_368 = tpu.memref_slice %arg2[%dma_wait3A_366, %dma_wait3A_367] : memref<32x1000000xf32, #tpu.memory_space<hbm>> -> memref<32x128xf32, #tpu.memory_space<hbm>>
        tpu.wait_dma2 semaphore(%arg17 : memref<!tpu.dma_semaphore, #tpu.memory_space<semaphore_mem>>) src(%dma_wait3A_368 : memref<32x128xf32, #tpu.memory_space<hbm>>) dst(%dma_wait3A_365 : memref<32x128xf32, #tpu.memory_space<vmem>>)
        %dma_wait3A_369 = arith.constant 0 : i32
        %dma_wait3A_370 = arith.constant 0 : i32
        %dma_wait3A_371 = tpu.memref_slice %arg11[%dma_wait3A_369, %dma_wait3A_370] : memref<128x128xf32, #tpu.memory_space<vmem>> -> memref<32x128xf32, #tpu.memory_space<vmem>>
        %dma_wait3A_372 = arith.constant 0 : i32
        %dma_wait3A_373 = arith.constant 0 : i32
        %dma_wait3A_374 = tpu.memref_slice %arg2[%dma_wait3A_372, %dma_wait3A_373] : memref<32x1000000xf32, #tpu.memory_space<hbm>> -> memref<32x128xf32, #tpu.memory_space<hbm>>
        %dma_wait3A_375 = arith.constant 0 : i32
        %dma_wait3A_376 = arith.constant 0 : i32
        %dma_wait3A_377 = tpu.memref_slice %arg11[%dma_wait3A_375, %dma_wait3A_376] : memref<128x128xf32, #tpu.memory_space<vmem>> -> memref<32x128xf32, #tpu.memory_space<vmem>>
        %dma_wait3A_378 = arith.constant 0 : i32
        %dma_wait3A_379 = arith.constant 0 : i32
        %dma_wait3A_380 = tpu.memref_slice %arg2[%dma_wait3A_378, %dma_wait3A_379] : memref<32x1000000xf32, #tpu.memory_space<hbm>> -> memref<32x128xf32, #tpu.memory_space<hbm>>
        tpu.wait_dma2 semaphore(%arg17 : memref<!tpu.dma_semaphore, #tpu.memory_space<semaphore_mem>>) src(%dma_wait3A_380 : memref<32x128xf32, #tpu.memory_space<hbm>>) dst(%dma_wait3A_377 : memref<32x128xf32, #tpu.memory_space<vmem>>)
        %dma_wait3A_381 = arith.constant 0 : i32
        %dma_wait3A_382 = arith.constant 0 : i32
        %dma_wait3A_383 = tpu.memref_slice %arg11[%dma_wait3A_381, %dma_wait3A_382] : memref<128x128xf32, #tpu.memory_space<vmem>> -> memref<32x128xf32, #tpu.memory_space<vmem>>
        %dma_wait3A_384 = arith.constant 0 : i32
        %dma_wait3A_385 = arith.constant 0 : i32
        %dma_wait3A_386 = tpu.memref_slice %arg2[%dma_wait3A_384, %dma_wait3A_385] : memref<32x1000000xf32, #tpu.memory_space<hbm>> -> memref<32x128xf32, #tpu.memory_space<hbm>>
        %dma_wait3A_387 = arith.constant 0 : i32
        %dma_wait3A_388 = arith.constant 0 : i32
        %dma_wait3A_389 = tpu.memref_slice %arg11[%dma_wait3A_387, %dma_wait3A_388] : memref<128x128xf32, #tpu.memory_space<vmem>> -> memref<32x128xf32, #tpu.memory_space<vmem>>
        %dma_wait3A_390 = arith.constant 0 : i32
        %dma_wait3A_391 = arith.constant 0 : i32
        %dma_wait3A_392 = tpu.memref_slice %arg2[%dma_wait3A_390, %dma_wait3A_391] : memref<32x1000000xf32, #tpu.memory_space<hbm>> -> memref<32x128xf32, #tpu.memory_space<hbm>>
        tpu.wait_dma2 semaphore(%arg17 : memref<!tpu.dma_semaphore, #tpu.memory_space<semaphore_mem>>) src(%dma_wait3A_392 : memref<32x128xf32, #tpu.memory_space<hbm>>) dst(%dma_wait3A_389 : memref<32x128xf32, #tpu.memory_space<vmem>>)
        %dma_wait3A_393 = arith.constant 0 : i32
        %dma_wait3A_394 = arith.constant 0 : i32
        %dma_wait3A_395 = tpu.memref_slice %arg11[%dma_wait3A_393, %dma_wait3A_394] : memref<128x128xf32, #tpu.memory_space<vmem>> -> memref<32x128xf32, #tpu.memory_space<vmem>>
        %dma_wait3A_396 = arith.constant 0 : i32
        %dma_wait3A_397 = arith.constant 0 : i32
        %dma_wait3A_398 = tpu.memref_slice %arg2[%dma_wait3A_396, %dma_wait3A_397] : memref<32x1000000xf32, #tpu.memory_space<hbm>> -> memref<32x128xf32, #tpu.memory_space<hbm>>
        %dma_wait3A_399 = arith.constant 0 : i32
        %dma_wait3A_400 = arith.constant 0 : i32
        %dma_wait3A_401 = tpu.memref_slice %arg11[%dma_wait3A_399, %dma_wait3A_400] : memref<128x128xf32, #tpu.memory_space<vmem>> -> memref<32x128xf32, #tpu.memory_space<vmem>>
        %dma_wait3A_402 = arith.constant 0 : i32
        %dma_wait3A_403 = arith.constant 0 : i32
        %dma_wait3A_404 = tpu.memref_slice %arg2[%dma_wait3A_402, %dma_wait3A_403] : memref<32x1000000xf32, #tpu.memory_space<hbm>> -> memref<32x128xf32, #tpu.memory_space<hbm>>
        tpu.wait_dma2 semaphore(%arg17 : memref<!tpu.dma_semaphore, #tpu.memory_space<semaphore_mem>>) src(%dma_wait3A_404 : memref<32x128xf32, #tpu.memory_space<hbm>>) dst(%dma_wait3A_401 : memref<32x128xf32, #tpu.memory_space<vmem>>)
        %dma_wait3A_405 = arith.constant 0 : i32
        %dma_wait3A_406 = arith.constant 0 : i32
        %dma_wait3A_407 = tpu.memref_slice %arg11[%dma_wait3A_405, %dma_wait3A_406] : memref<128x128xf32, #tpu.memory_space<vmem>> -> memref<32x128xf32, #tpu.memory_space<vmem>>
        %dma_wait3A_408 = arith.constant 0 : i32
        %dma_wait3A_409 = arith.constant 0 : i32
        %dma_wait3A_410 = tpu.memref_slice %arg2[%dma_wait3A_408, %dma_wait3A_409] : memref<32x1000000xf32, #tpu.memory_space<hbm>> -> memref<32x128xf32, #tpu.memory_space<hbm>>
        %dma_wait3A_411 = arith.constant 0 : i32
        %dma_wait3A_412 = arith.constant 0 : i32
        %dma_wait3A_413 = tpu.memref_slice %arg11[%dma_wait3A_411, %dma_wait3A_412] : memref<128x128xf32, #tpu.memory_space<vmem>> -> memref<32x128xf32, #tpu.memory_space<vmem>>
        %dma_wait3A_414 = arith.constant 0 : i32
        %dma_wait3A_415 = arith.constant 0 : i32
        %dma_wait3A_416 = tpu.memref_slice %arg2[%dma_wait3A_414, %dma_wait3A_415] : memref<32x1000000xf32, #tpu.memory_space<hbm>> -> memref<32x128xf32, #tpu.memory_space<hbm>>
        tpu.wait_dma2 semaphore(%arg17 : memref<!tpu.dma_semaphore, #tpu.memory_space<semaphore_mem>>) src(%dma_wait3A_416 : memref<32x128xf32, #tpu.memory_space<hbm>>) dst(%dma_wait3A_413 : memref<32x128xf32, #tpu.memory_space<vmem>>)
        %jit3A_417 = arith.constant 4 : i32
        %div3A = arith.divsi %scan3A_148, %jit3A_417 : i32
        %sign3A = arith.constant 0 : i32
        %sign3A_418 = arith.cmpi sgt, %scan3A_148, %sign3A : i32
        %sign3A_419 = arith.extui %sign3A_418 : i1 to i32
        %sign3A_420 = arith.constant 0 : i32
        %sign3A_421 = arith.cmpi slt, %scan3A_148, %sign3A_420 : i32
        %sign3A_422 = arith.extui %sign3A_421 : i1 to i32
        %sign3A_423 = arith.subi %sign3A_419, %sign3A_422 : i32
        %sign3A_424 = arith.constant 0 : i32
        %sign3A_425 = arith.cmpi sgt, %jit3A_417, %sign3A_424 : i32
        %sign3A_426 = arith.extui %sign3A_425 : i1 to i32
        %sign3A_427 = arith.constant 0 : i32
        %sign3A_428 = arith.cmpi slt, %jit3A_417, %sign3A_427 : i32
        %sign3A_429 = arith.extui %sign3A_428 : i1 to i32
        %sign3A_430 = arith.subi %sign3A_426, %sign3A_429 : i32
        %ne3A_431 = arith.cmpi ne, %sign3A_423, %sign3A_430 : i32
        %rem3A_432 = arith.remsi %scan3A_148, %jit3A_417 : i32
        %ne3A_433 = arith.constant 0 : i32
        %ne3A_434 = arith.cmpi ne, %rem3A_432, %ne3A_433 : i32
        %and3A_435 = arith.andi %ne3A_431, %ne3A_434 : i1
        %sub3A = arith.constant 1 : i32
        %sub3A_436 = arith.subi %div3A, %sub3A : i32
        %select_n3A_437 = arith.select %and3A_435, %sub3A_436, %div3A : i32
        %mul3A_438 = arith.constant 16 : i32
        %mul3A_439 = arith.muli %select_n3A_437, %mul3A_438 : i32
        %get3A_440 = arith.index_cast %mul3A_439 : i32 to index
        %get3A_441 = tpu.vector_load %arg8[%get3A_440] {strides = array<i32>} : memref<512xi32, #tpu.memory_space<vmem>>, vector<16xi32>,
        %jit3A_442 = arith.constant 4 : i32
        %div3A_443 = arith.divsi %scan3A_148, %jit3A_442 : i32
        %sign3A_444 = arith.constant 0 : i32
        %sign3A_445 = arith.cmpi sgt, %scan3A_148, %sign3A_444 : i32
        %sign3A_446 = arith.extui %sign3A_445 : i1 to i32
        %sign3A_447 = arith.constant 0 : i32
        %sign3A_448 = arith.cmpi slt, %scan3A_148, %sign3A_447 : i32
        %sign3A_449 = arith.extui %sign3A_448 : i1 to i32
        %sign3A_450 = arith.subi %sign3A_446, %sign3A_449 : i32
        %sign3A_451 = arith.constant 0 : i32
        %sign3A_452 = arith.cmpi sgt, %jit3A_442, %sign3A_451 : i32
        %sign3A_453 = arith.extui %sign3A_452 : i1 to i32
        %sign3A_454 = arith.constant 0 : i32
        %sign3A_455 = arith.cmpi slt, %jit3A_442, %sign3A_454 : i32
        %sign3A_456 = arith.extui %sign3A_455 : i1 to i32
        %sign3A_457 = arith.subi %sign3A_453, %sign3A_456 : i32
        %ne3A_458 = arith.cmpi ne, %sign3A_450, %sign3A_457 : i32
        %rem3A_459 = arith.remsi %scan3A_148, %jit3A_442 : i32
        %ne3A_460 = arith.constant 0 : i32
        %ne3A_461 = arith.cmpi ne, %rem3A_459, %ne3A_460 : i32
        %and3A_462 = arith.andi %ne3A_458, %ne3A_461 : i1
        %sub3A_463 = arith.constant 1 : i32
        %sub3A_464 = arith.subi %div3A_443, %sub3A_463 : i32
        %select_n3A_465 = arith.select %and3A_462, %sub3A_464, %div3A_443 : i32
        %mul3A_466 = arith.constant 16 : i32
        %mul3A_467 = arith.muli %select_n3A_465, %mul3A_466 : i32
        %get3A_468 = arith.index_cast %mul3A_467 : i32 to index
        %get3A_469 = tpu.vector_load %arg9[%get3A_468] {strides = array<i32>} : memref<512xi32, #tpu.memory_space<vmem>>, vector<16xi32>,
        %slice3A_470 = vector.extract_strided_slice %get3A_441 {offsets = [12], sizes = [1], strides = [1]} : vector<16xi32> to vector<1xi32>
        %squeeze3A_471 = vector.extract %slice3A_470[0] : i32 from vector<1xi32>
        %slice3A_472 = vector.extract_strided_slice %get3A_469 {offsets = [12], sizes = [1], strides = [1]} : vector<16xi32> to vector<1xi32>
        %squeeze3A_473 = vector.extract %slice3A_472[0] : i32 from vector<1xi32>
        %and3A_474 = arith.constant 127 : i32
        %and3A_475 = arith.andi %squeeze3A_471, %and3A_474 : i32
        %broadcast_in_dim3A = vector.broadcast %and3A_475 : i32 to vector<16xi32>
        %and3A_476 = arith.constant 127 : i32
        %and3A_477 = arith.andi %squeeze3A_473, %and3A_476 : i32
        %broadcast_in_dim3A_478 = vector.broadcast %and3A_477 : i32 to vector<16xi32>
        %add3A_479 = arith.constant 0 : i32
        %add3A_480 = vector.broadcast %add3A_479 : i32 to vector<16xi32>
        %add3A_481 = arith.addi %iota3A, %add3A_480 : vector<16xi32>
        %gather3A = tpu.vector_load_idx %arg11[%add3A_481, %broadcast_in_dim3A] : memref<128x128xf32, #tpu.memory_space<vmem>>[vector<16xi32>, vector<16xi32>], vector<16xf32>,
        %swap3A = arith.index_cast %scan3A_148 : i32 to index
        %swap3A_482 = arith.constant 0 : index
        %swap3A_483 = tpu.vector_load %arg14[%swap3A, %swap3A_482] {strides = array<i32>} : memref<128x128xf32, #tpu.memory_space<vmem>>, vector<16xf32>,
        tpu.vector_store %arg14[%swap3A, %swap3A_482], %gather3A {strides = array<i32>} : memref<128x128xf32, #tpu.memory_space<vmem>>, vector<16xf32>,
        %add3A_484 = arith.constant 0 : i32
        %add3A_485 = vector.broadcast %add3A_484 : i32 to vector<16xi32>
        %add3A_486 = arith.addi %add3A_5, %add3A_485 : vector<16xi32>
        %gather3A_487 = tpu.vector_load_idx %arg11[%add3A_486, %broadcast_in_dim3A] : memref<128x128xf32, #tpu.memory_space<vmem>>[vector<16xi32>, vector<16xi32>], vector<16xf32>,
        %swap3A_488 = arith.index_cast %scan3A_148 : i32 to index
        %swap3A_489 = arith.constant 16 : index
        %swap3A_490 = tpu.vector_load %arg14[%swap3A_488, %swap3A_489] {strides = array<i32>} : memref<128x128xf32, #tpu.memory_space<vmem>>, vector<16xf32>,
        tpu.vector_store %arg14[%swap3A_488, %swap3A_489], %gather3A_487 {strides = array<i32>} : memref<128x128xf32, #tpu.memory_space<vmem>>, vector<16xf32>,
        %add3A_491 = arith.constant 0 : i32
        %add3A_492 = vector.broadcast %add3A_491 : i32 to vector<16xi32>
        %add3A_493 = arith.addi %iota3A, %add3A_492 : vector<16xi32>
        %gather3A_494 = tpu.vector_load_idx %arg13[%add3A_493, %broadcast_in_dim3A_478] : memref<128x128xf32, #tpu.memory_space<vmem>>[vector<16xi32>, vector<16xi32>], vector<16xf32>,
        %swap3A_495 = arith.index_cast %scan3A_148 : i32 to index
        %swap3A_496 = arith.constant 0 : index
        %swap3A_497 = tpu.vector_load %arg15[%swap3A_495, %swap3A_496] {strides = array<i32>} : memref<128x128xf32, #tpu.memory_space<vmem>>, vector<16xf32>,
        tpu.vector_store %arg15[%swap3A_495, %swap3A_496], %gather3A_494 {strides = array<i32>} : memref<128x128xf32, #tpu.memory_space<vmem>>, vector<16xf32>,
        %add3A_498 = arith.constant 0 : i32
        %add3A_499 = vector.broadcast %add3A_498 : i32 to vector<16xi32>
        %add3A_500 = arith.addi %add3A_5, %add3A_499 : vector<16xi32>
        %gather3A_501 = tpu.vector_load_idx %arg13[%add3A_500, %broadcast_in_dim3A_478] : memref<128x128xf32, #tpu.memory_space<vmem>>[vector<16xi32>, vector<16xi32>], vector<16xf32>,
        %swap3A_502 = arith.index_cast %scan3A_148 : i32 to index
        %swap3A_503 = arith.constant 16 : index
        %swap3A_504 = tpu.vector_load %arg15[%swap3A_502, %swap3A_503] {strides = array<i32>} : memref<128x128xf32, #tpu.memory_space<vmem>>, vector<16xf32>,
        tpu.vector_store %arg15[%swap3A_502, %swap3A_503], %gather3A_501 {strides = array<i32>} : memref<128x128xf32, #tpu.memory_space<vmem>>, vector<16xf32>,
        %slice3A_505 = vector.extract_strided_slice %get3A_441 {offsets = [13], sizes = [1], strides = [1]} : vector<16xi32> to vector<1xi32>
        %squeeze3A_506 = vector.extract %slice3A_505[0] : i32 from vector<1xi32>
        %slice3A_507 = vector.extract_strided_slice %get3A_469 {offsets = [13], sizes = [1], strides = [1]} : vector<16xi32> to vector<1xi32>
        %squeeze3A_508 = vector.extract %slice3A_507[0] : i32 from vector<1xi32>
        %and3A_509 = arith.constant 127 : i32
        %and3A_510 = arith.andi %squeeze3A_506, %and3A_509 : i32
        %broadcast_in_dim3A_511 = vector.broadcast %and3A_510 : i32 to vector<16xi32>
        %and3A_512 = arith.constant 127 : i32
        %and3A_513 = arith.andi %squeeze3A_508, %and3A_512 : i32
        %broadcast_in_dim3A_514 = vector.broadcast %and3A_513 : i32 to vector<16xi32>
        %add3A_515 = arith.constant 32 : i32
        %add3A_516 = vector.broadcast %add3A_515 : i32 to vector<16xi32>
        %add3A_517 = arith.addi %iota3A, %add3A_516 : vector<16xi32>
        %gather3A_518 = tpu.vector_load_idx %arg11[%add3A_517, %broadcast_in_dim3A_511] : memref<128x128xf32, #tpu.memory_space<vmem>>[vector<16xi32>, vector<16xi32>], vector<16xf32>,
        %swap3A_519 = arith.index_cast %scan3A_148 : i32 to index
        %swap3A_520 = arith.constant 32 : index
        %swap3A_521 = tpu.vector_load %arg14[%swap3A_519, %swap3A_520] {strides = array<i32>} : memref<128x128xf32, #tpu.memory_space<vmem>>, vector<16xf32>,
        tpu.vector_store %arg14[%swap3A_519, %swap3A_520], %gather3A_518 {strides = array<i32>} : memref<128x128xf32, #tpu.memory_space<vmem>>, vector<16xf32>,
        %add3A_522 = arith.constant 32 : i32
        %add3A_523 = vector.broadcast %add3A_522 : i32 to vector<16xi32>
        %add3A_524 = arith.addi %add3A_5, %add3A_523 : vector<16xi32>
        %gather3A_525 = tpu.vector_load_idx %arg11[%add3A_524, %broadcast_in_dim3A_511] : memref<128x128xf32, #tpu.memory_space<vmem>>[vector<16xi32>, vector<16xi32>], vector<16xf32>,
        %swap3A_526 = arith.index_cast %scan3A_148 : i32 to index
        %swap3A_527 = arith.constant 48 : index
        %swap3A_528 = tpu.vector_load %arg14[%swap3A_526, %swap3A_527] {strides = array<i32>} : memref<128x128xf32, #tpu.memory_space<vmem>>, vector<16xf32>,
        tpu.vector_store %arg14[%swap3A_526, %swap3A_527], %gather3A_525 {strides = array<i32>} : memref<128x128xf32, #tpu.memory_space<vmem>>, vector<16xf32>,
        %add3A_529 = arith.constant 32 : i32
        %add3A_530 = vector.broadcast %add3A_529 : i32 to vector<16xi32>
        %add3A_531 = arith.addi %iota3A, %add3A_530 : vector<16xi32>
        %gather3A_532 = tpu.vector_load_idx %arg13[%add3A_531, %broadcast_in_dim3A_514] : memref<128x128xf32, #tpu.memory_space<vmem>>[vector<16xi32>, vector<16xi32>], vector<16xf32>,
        %swap3A_533 = arith.index_cast %scan3A_148 : i32 to index
        %swap3A_534 = arith.constant 32 : index
        %swap3A_535 = tpu.vector_load %arg15[%swap3A_533, %swap3A_534] {strides = array<i32>} : memref<128x128xf32, #tpu.memory_space<vmem>>, vector<16xf32>,
        tpu.vector_store %arg15[%swap3A_533, %swap3A_534], %gather3A_532 {strides = array<i32>} : memref<128x128xf32, #tpu.memory_space<vmem>>, vector<16xf32>,
        %add3A_536 = arith.constant 32 : i32
        %add3A_537 = vector.broadcast %add3A_536 : i32 to vector<16xi32>
        %add3A_538 = arith.addi %add3A_5, %add3A_537 : vector<16xi32>
        %gather3A_539 = tpu.vector_load_idx %arg13[%add3A_538, %broadcast_in_dim3A_514] : memref<128x128xf32, #tpu.memory_space<vmem>>[vector<16xi32>, vector<16xi32>], vector<16xf32>,
        %swap3A_540 = arith.index_cast %scan3A_148 : i32 to index
        %swap3A_541 = arith.constant 48 : index
        %swap3A_542 = tpu.vector_load %arg15[%swap3A_540, %swap3A_541] {strides = array<i32>} : memref<128x128xf32, #tpu.memory_space<vmem>>, vector<16xf32>,
        tpu.vector_store %arg15[%swap3A_540, %swap3A_541], %gather3A_539 {strides = array<i32>} : memref<128x128xf32, #tpu.memory_space<vmem>>, vector<16xf32>,
        %slice3A_543 = vector.extract_strided_slice %get3A_441 {offsets = [14], sizes = [1], strides = [1]} : vector<16xi32> to vector<1xi32>
        %squeeze3A_544 = vector.extract %slice3A_543[0] : i32 from vector<1xi32>
        %slice3A_545 = vector.extract_strided_slice %get3A_469 {offsets = [14], sizes = [1], strides = [1]} : vector<16xi32> to vector<1xi32>
        %squeeze3A_546 = vector.extract %slice3A_545[0] : i32 from vector<1xi32>
        %and3A_547 = arith.constant 127 : i32
        %and3A_548 = arith.andi %squeeze3A_544, %and3A_547 : i32
        %broadcast_in_dim3A_549 = vector.broadcast %and3A_548 : i32 to vector<16xi32>
        %and3A_550 = arith.constant 127 : i32
        %and3A_551 = arith.andi %squeeze3A_546, %and3A_550 : i32
        %broadcast_in_dim3A_552 = vector.broadcast %and3A_551 : i32 to vector<16xi32>
        %add3A_553 = arith.constant 64 : i32
        %add3A_554 = vector.broadcast %add3A_553 : i32 to vector<16xi32>
        %add3A_555 = arith.addi %iota3A, %add3A_554 : vector<16xi32>
        %gather3A_556 = tpu.vector_load_idx %arg11[%add3A_555, %broadcast_in_dim3A_549] : memref<128x128xf32, #tpu.memory_space<vmem>>[vector<16xi32>, vector<16xi32>], vector<16xf32>,
        %swap3A_557 = arith.index_cast %scan3A_148 : i32 to index
        %swap3A_558 = arith.constant 64 : index
        %swap3A_559 = tpu.vector_load %arg14[%swap3A_557, %swap3A_558] {strides = array<i32>} : memref<128x128xf32, #tpu.memory_space<vmem>>, vector<16xf32>,
        tpu.vector_store %arg14[%swap3A_557, %swap3A_558], %gather3A_556 {strides = array<i32>} : memref<128x128xf32, #tpu.memory_space<vmem>>, vector<16xf32>,
        %add3A_560 = arith.constant 64 : i32
        %add3A_561 = vector.broadcast %add3A_560 : i32 to vector<16xi32>
        %add3A_562 = arith.addi %add3A_5, %add3A_561 : vector<16xi32>
        %gather3A_563 = tpu.vector_load_idx %arg11[%add3A_562, %broadcast_in_dim3A_549] : memref<128x128xf32, #tpu.memory_space<vmem>>[vector<16xi32>, vector<16xi32>], vector<16xf32>,
        %swap3A_564 = arith.index_cast %scan3A_148 : i32 to index
        %swap3A_565 = arith.constant 80 : index
        %swap3A_566 = tpu.vector_load %arg14[%swap3A_564, %swap3A_565] {strides = array<i32>} : memref<128x128xf32, #tpu.memory_space<vmem>>, vector<16xf32>,
        tpu.vector_store %arg14[%swap3A_564, %swap3A_565], %gather3A_563 {strides = array<i32>} : memref<128x128xf32, #tpu.memory_space<vmem>>, vector<16xf32>,
        %add3A_567 = arith.constant 64 : i32
        %add3A_568 = vector.broadcast %add3A_567 : i32 to vector<16xi32>
        %add3A_569 = arith.addi %iota3A, %add3A_568 : vector<16xi32>
        %gather3A_570 = tpu.vector_load_idx %arg13[%add3A_569, %broadcast_in_dim3A_552] : memref<128x128xf32, #tpu.memory_space<vmem>>[vector<16xi32>, vector<16xi32>], vector<16xf32>,
        %swap3A_571 = arith.index_cast %scan3A_148 : i32 to index
        %swap3A_572 = arith.constant 64 : index
        %swap3A_573 = tpu.vector_load %arg15[%swap3A_571, %swap3A_572] {strides = array<i32>} : memref<128x128xf32, #tpu.memory_space<vmem>>, vector<16xf32>,
        tpu.vector_store %arg15[%swap3A_571, %swap3A_572], %gather3A_570 {strides = array<i32>} : memref<128x128xf32, #tpu.memory_space<vmem>>, vector<16xf32>,
        %add3A_574 = arith.constant 64 : i32
        %add3A_575 = vector.broadcast %add3A_574 : i32 to vector<16xi32>
        %add3A_576 = arith.addi %add3A_5, %add3A_575 : vector<16xi32>
        %gather3A_577 = tpu.vector_load_idx %arg13[%add3A_576, %broadcast_in_dim3A_552] : memref<128x128xf32, #tpu.memory_space<vmem>>[vector<16xi32>, vector<16xi32>], vector<16xf32>,
        %swap3A_578 = arith.index_cast %scan3A_148 : i32 to index
        %swap3A_579 = arith.constant 80 : index
        %swap3A_580 = tpu.vector_load %arg15[%swap3A_578, %swap3A_579] {strides = array<i32>} : memref<128x128xf32, #tpu.memory_space<vmem>>, vector<16xf32>,
        tpu.vector_store %arg15[%swap3A_578, %swap3A_579], %gather3A_577 {strides = array<i32>} : memref<128x128xf32, #tpu.memory_space<vmem>>, vector<16xf32>,
        %slice3A_581 = vector.extract_strided_slice %get3A_441 {offsets = [15], sizes = [1], strides = [1]} : vector<16xi32> to vector<1xi32>
        %squeeze3A_582 = vector.extract %slice3A_581[0] : i32 from vector<1xi32>
        %slice3A_583 = vector.extract_strided_slice %get3A_469 {offsets = [15], sizes = [1], strides = [1]} : vector<16xi32> to vector<1xi32>
        %squeeze3A_584 = vector.extract %slice3A_583[0] : i32 from vector<1xi32>
        %and3A_585 = arith.constant 127 : i32
        %and3A_586 = arith.andi %squeeze3A_582, %and3A_585 : i32
        %broadcast_in_dim3A_587 = vector.broadcast %and3A_586 : i32 to vector<16xi32>
        %and3A_588 = arith.constant 127 : i32
        %and3A_589 = arith.andi %squeeze3A_584, %and3A_588 : i32
        %broadcast_in_dim3A_590 = vector.broadcast %and3A_589 : i32 to vector<16xi32>
        %add3A_591 = arith.constant 96 : i32
        %add3A_592 = vector.broadcast %add3A_591 : i32 to vector<16xi32>
        %add3A_593 = arith.addi %iota3A, %add3A_592 : vector<16xi32>
        %gather3A_594 = tpu.vector_load_idx %arg11[%add3A_593, %broadcast_in_dim3A_587] : memref<128x128xf32, #tpu.memory_space<vmem>>[vector<16xi32>, vector<16xi32>], vector<16xf32>,
        %swap3A_595 = arith.index_cast %scan3A_148 : i32 to index
        %swap3A_596 = arith.constant 96 : index
        %swap3A_597 = tpu.vector_load %arg14[%swap3A_595, %swap3A_596] {strides = array<i32>} : memref<128x128xf32, #tpu.memory_space<vmem>>, vector<16xf32>,
        tpu.vector_store %arg14[%swap3A_595, %swap3A_596], %gather3A_594 {strides = array<i32>} : memref<128x128xf32, #tpu.memory_space<vmem>>, vector<16xf32>,
        %add3A_598 = arith.constant 96 : i32
        %add3A_599 = vector.broadcast %add3A_598 : i32 to vector<16xi32>
        %add3A_600 = arith.addi %add3A_5, %add3A_599 : vector<16xi32>
        %gather3A_601 = tpu.vector_load_idx %arg11[%add3A_600, %broadcast_in_dim3A_587] : memref<128x128xf32, #tpu.memory_space<vmem>>[vector<16xi32>, vector<16xi32>], vector<16xf32>,
        %swap3A_602 = arith.index_cast %scan3A_148 : i32 to index
        %swap3A_603 = arith.constant 112 : index
        %swap3A_604 = tpu.vector_load %arg14[%swap3A_602, %swap3A_603] {strides = array<i32>} : memref<128x128xf32, #tpu.memory_space<vmem>>, vector<16xf32>,
        tpu.vector_store %arg14[%swap3A_602, %swap3A_603], %gather3A_601 {strides = array<i32>} : memref<128x128xf32, #tpu.memory_space<vmem>>, vector<16xf32>,
        %add3A_605 = arith.constant 96 : i32
        %add3A_606 = vector.broadcast %add3A_605 : i32 to vector<16xi32>
        %add3A_607 = arith.addi %iota3A, %add3A_606 : vector<16xi32>
        %gather3A_608 = tpu.vector_load_idx %arg13[%add3A_607, %broadcast_in_dim3A_590] : memref<128x128xf32, #tpu.memory_space<vmem>>[vector<16xi32>, vector<16xi32>], vector<16xf32>,
        %swap3A_609 = arith.index_cast %scan3A_148 : i32 to index
        %swap3A_610 = arith.constant 96 : index
        %swap3A_611 = tpu.vector_load %arg15[%swap3A_609, %swap3A_610] {strides = array<i32>} : memref<128x128xf32, #tpu.memory_space<vmem>>, vector<16xf32>,
        tpu.vector_store %arg15[%swap3A_609, %swap3A_610], %gather3A_608 {strides = array<i32>} : memref<128x128xf32, #tpu.memory_space<vmem>>, vector<16xf32>,
        %add3A_612 = arith.constant 96 : i32
        %add3A_613 = vector.broadcast %add3A_612 : i32 to vector<16xi32>
        %add3A_614 = arith.addi %add3A_5, %add3A_613 : vector<16xi32>
        %gather3A_615 = tpu.vector_load_idx %arg13[%add3A_614, %broadcast_in_dim3A_590] : memref<128x128xf32, #tpu.memory_space<vmem>>[vector<16xi32>, vector<16xi32>], vector<16xf32>,
        %swap3A_616 = arith.index_cast %scan3A_148 : i32 to index
        %swap3A_617 = arith.constant 112 : index
        %swap3A_618 = tpu.vector_load %arg15[%swap3A_616, %swap3A_617] {strides = array<i32>} : memref<128x128xf32, #tpu.memory_space<vmem>>, vector<16xf32>,
        tpu.vector_store %arg15[%swap3A_616, %swap3A_617], %gather3A_615 {strides = array<i32>} : memref<128x128xf32, #tpu.memory_space<vmem>>, vector<16xf32>,
      } else {
      }
    }
    %scan3A_143 = arith.constant 128 : i32
    %mul3A_144 = arith.constant 128 : i32
    %mul3A_145 = arith.muli %add3A, %mul3A_144 : i32
    "tpu.region"() ({
      %run_scoped3A = tpu.sem_alloc : memref<!tpu.dma_semaphore, #tpu.memory_space<semaphore_mem>>
      %dma_start3A_148 = arith.constant 0 : i32
      %dma_start3A_149 = tpu.memref_slice %arg6[%mul3A_145, %dma_start3A_148] : memref<4096x128xf32, #tpu.memory_space<hbm>> -> memref<128x128xf32, #tpu.memory_space<hbm>>
      %dma_start3A_150 = arith.constant 0 : i32
      %dma_start3A_151 = tpu.memref_slice %arg6[%mul3A_145, %dma_start3A_150] : memref<4096x128xf32, #tpu.memory_space<hbm>> -> memref<128x128xf32, #tpu.memory_space<hbm>>
      tpu.enqueue_dma source(%arg14 : memref<128x128xf32, #tpu.memory_space<vmem>>) target(%dma_start3A_151 : memref<128x128xf32, #tpu.memory_space<hbm>>) target_semaphore(%run_scoped3A : memref<!tpu.dma_semaphore, #tpu.memory_space<semaphore_mem>>)
      %dma_wait3A = arith.constant 0 : i32
      %dma_wait3A_152 = tpu.memref_slice %arg6[%mul3A_145, %dma_wait3A] : memref<4096x128xf32, #tpu.memory_space<hbm>> -> memref<128x128xf32, #tpu.memory_space<hbm>>
      %dma_wait3A_153 = arith.constant 0 : i32
      %dma_wait3A_154 = tpu.memref_slice %arg6[%mul3A_145, %dma_wait3A_153] : memref<4096x128xf32, #tpu.memory_space<hbm>> -> memref<128x128xf32, #tpu.memory_space<hbm>>
      tpu.wait_dma2 semaphore(%run_scoped3A : memref<!tpu.dma_semaphore, #tpu.memory_space<semaphore_mem>>) src(%arg14 : memref<128x128xf32, #tpu.memory_space<vmem>>) dst(%dma_wait3A_154 : memref<128x128xf32, #tpu.memory_space<hbm>>)
      tpu.yield
    }) : () -> ()
    %mul3A_146 = arith.constant 128 : i32
    %mul3A_147 = arith.muli %add3A, %mul3A_146 : i32
    "tpu.region"() ({
      %run_scoped3A = tpu.sem_alloc : memref<!tpu.dma_semaphore, #tpu.memory_space<semaphore_mem>>
      %dma_start3A_148 = arith.constant 0 : i32
      %dma_start3A_149 = tpu.memref_slice %arg7[%mul3A_147, %dma_start3A_148] : memref<4096x128xf32, #tpu.memory_space<hbm>> -> memref<128x128xf32, #tpu.memory_space<hbm>>
      %dma_start3A_150 = arith.constant 0 : i32
      %dma_start3A_151 = tpu.memref_slice %arg7[%mul3A_147, %dma_start3A_150] : memref<4096x128xf32, #tpu.memory_space<hbm>> -> memref<128x128xf32, #tpu.memory_space<hbm>>
      tpu.enqueue_dma source(%arg15 : memref<128x128xf32, #tpu.memory_space<vmem>>) target(%dma_start3A_151 : memref<128x128xf32, #tpu.memory_space<hbm>>) target_semaphore(%run_scoped3A : memref<!tpu.dma_semaphore, #tpu.memory_space<semaphore_mem>>)
      %dma_wait3A = arith.constant 0 : i32
      %dma_wait3A_152 = tpu.memref_slice %arg7[%mul3A_147, %dma_wait3A] : memref<4096x128xf32, #tpu.memory_space<hbm>> -> memref<128x128xf32, #tpu.memory_space<hbm>>
      %dma_wait3A_153 = arith.constant 0 : i32
      %dma_wait3A_154 = tpu.memref_slice %arg7[%mul3A_147, %dma_wait3A_153] : memref<4096x128xf32, #tpu.memory_space<hbm>> -> memref<128x128xf32, #tpu.memory_space<hbm>>
      tpu.wait_dma2 semaphore(%run_scoped3A : memref<!tpu.dma_semaphore, #tpu.memory_space<semaphore_mem>>) src(%arg15 : memref<128x128xf32, #tpu.memory_space<vmem>>) dst(%dma_wait3A_154 : memref<128x128xf32, #tpu.memory_space<hbm>>)
      tpu.yield
    }) : () -> ()
    return
  }
}

module attributes {stable_mosaic.version = 14 : i64} {
  func.func @_mlp_body(%arg0: i32, %arg1: memref<4096x128xf32, #tpu.memory_space<vmem>>, %arg2: memref<4096x128xf32, #tpu.memory_space<vmem>>, %arg3: memref<4096x16xf32, #tpu.memory_space<vmem>>, %arg4: memref<128x256xf32, #tpu.memory_space<vmem>>, %arg5: memref<128x256xf32, #tpu.memory_space<vmem>>, %arg6: memref<16x256xf32, #tpu.memory_space<vmem>>, %arg7: memref<1x256xf32, #tpu.memory_space<vmem>>, %arg8: memref<256x64xf32, #tpu.memory_space<vmem>>, %arg9: memref<1x64xf32, #tpu.memory_space<vmem>>, %arg10: memref<64x16xf32, #tpu.memory_space<vmem>>, %arg11: memref<1x16xf32, #tpu.memory_space<vmem>>, %arg12: memref<16x4xf32, #tpu.memory_space<vmem>>, %arg13: memref<1x4xf32, #tpu.memory_space<vmem>>, %arg14: memref<4096x4xf32, #tpu.memory_space<vmem>>) attributes {dimension_semantics = [#tpu.dimension_semantics<arbitrary>], iteration_bounds = array<i64: 1>, scalar_prefetch = 0 : i64, scratch_operands = 0 : i64, tpu.core_type = #tpu.core_type<tc>, window_params = [{transform_indices = @transform_0, window_bounds = array<i64: 4096, 128>}, {transform_indices = @transform_1, window_bounds = array<i64: 4096, 128>}, {transform_indices = @transform_2, window_bounds = array<i64: 4096, 16>}, {pipeline_mode = #tpu.pipeline_mode<synchronous>, transform_indices = @transform_3, window_bounds = array<i64: 128, 256>}, {pipeline_mode = #tpu.pipeline_mode<synchronous>, transform_indices = @transform_4, window_bounds = array<i64: 128, 256>}, {pipeline_mode = #tpu.pipeline_mode<synchronous>, transform_indices = @transform_5, window_bounds = array<i64: 16, 256>}, {pipeline_mode = #tpu.pipeline_mode<synchronous>, transform_indices = @transform_6, window_bounds = array<i64: 1, 256>}, {pipeline_mode = #tpu.pipeline_mode<synchronous>, transform_indices = @transform_7, window_bounds = array<i64: 256, 64>}, {pipeline_mode = #tpu.pipeline_mode<synchronous>, transform_indices = @transform_8, window_bounds = array<i64: 1, 64>}, {pipeline_mode = #tpu.pipeline_mode<synchronous>, transform_indices = @transform_9, window_bounds = array<i64: 64, 16>}, {pipeline_mode = #tpu.pipeline_mode<synchronous>, transform_indices = @transform_10, window_bounds = array<i64: 1, 16>}, {pipeline_mode = #tpu.pipeline_mode<synchronous>, transform_indices = @transform_11, window_bounds = array<i64: 16, 4>}, {pipeline_mode = #tpu.pipeline_mode<synchronous>, transform_indices = @transform_12, window_bounds = array<i64: 1, 4>}, {transform_indices = @transform_13, window_bounds = array<i64: 4096, 4>}]} {
    %get3A = arith.constant 0 : index
    %get3A_0 = arith.constant 0 : index
    %get3A_1 = vector.load %arg1[%get3A, %get3A_0] : memref<4096x128xf32, #tpu.memory_space<vmem>>, vector<4096x128xf32>
    %get3A_2 = arith.constant 0 : index
    %get3A_3 = arith.constant 0 : index
    %get3A_4 = vector.load %arg4[%get3A_2, %get3A_3] : memref<128x256xf32, #tpu.memory_space<vmem>>, vector<128x256xf32>
    %dot_general3A = arith.constant dense<0.000000e+00> : vector<4096x256xf32>
    %dot_general3A_5 = tpu.matmul %get3A_1, %get3A_4, %dot_general3A {dimension_numbers = #tpu.dot_dimension_numbers<[1], [0], [0], [1], [0, 0, 1, 1], [], []>, transpose_lhs_hint = false} : vector<4096x128xf32>, vector<128x256xf32>, vector<4096x256xf32> -> vector<4096x256xf32>
    %get3A_6 = arith.constant 0 : index
    %get3A_7 = arith.constant 0 : index
    %get3A_8 = vector.load %arg2[%get3A_6, %get3A_7] : memref<4096x128xf32, #tpu.memory_space<vmem>>, vector<4096x128xf32>
    %get3A_9 = arith.constant 0 : index
    %get3A_10 = arith.constant 0 : index
    %get3A_11 = vector.load %arg5[%get3A_9, %get3A_10] : memref<128x256xf32, #tpu.memory_space<vmem>>, vector<128x256xf32>
    %dot_general3A_12 = arith.constant dense<0.000000e+00> : vector<4096x256xf32>
    %dot_general3A_13 = tpu.matmul %get3A_8, %get3A_11, %dot_general3A_12 {dimension_numbers = #tpu.dot_dimension_numbers<[1], [0], [0], [1], [0, 0, 1, 1], [], []>, transpose_lhs_hint = false} : vector<4096x128xf32>, vector<128x256xf32>, vector<4096x256xf32> -> vector<4096x256xf32>
    %get3A_14 = arith.constant 0 : index
    %get3A_15 = arith.constant 0 : index
    %get3A_16 = vector.load %arg3[%get3A_14, %get3A_15] : memref<4096x16xf32, #tpu.memory_space<vmem>>, vector<4096x16xf32>
    %get3A_17 = arith.constant 0 : index
    %get3A_18 = arith.constant 0 : index
    %get3A_19 = vector.load %arg6[%get3A_17, %get3A_18] : memref<16x256xf32, #tpu.memory_space<vmem>>, vector<16x256xf32>
    %dot_general3A_20 = arith.constant dense<0.000000e+00> : vector<4096x256xf32>
    %dot_general3A_21 = tpu.matmul %get3A_16, %get3A_19, %dot_general3A_20 {dimension_numbers = #tpu.dot_dimension_numbers<[1], [0], [0], [1], [0, 0, 1, 1], [], []>, transpose_lhs_hint = false} : vector<4096x16xf32>, vector<16x256xf32>, vector<4096x256xf32> -> vector<4096x256xf32>
    %add3A = arith.addf %dot_general3A_5, %dot_general3A_13 : vector<4096x256xf32>
    %add3A_22 = arith.addf %add3A, %dot_general3A_21 : vector<4096x256xf32>
    %get3A_23 = arith.constant 0 : index
    %get3A_24 = arith.constant 0 : index
    %get3A_25 = vector.load %arg7[%get3A_23, %get3A_24] : memref<1x256xf32, #tpu.memory_space<vmem>>, vector<1x256xf32>
    %add3A_26 = vector.broadcast %get3A_25 : vector<1x256xf32> to vector<4096x256xf32>
    %add3A_27 = arith.addf %add3A_22, %add3A_26 : vector<4096x256xf32>
    %max3A = arith.constant 0.000000e+00 : f32
    %max3A_28 = vector.broadcast %max3A : f32 to vector<4096x256xf32>
    %max3A_29 = arith.maximumf %add3A_27, %max3A_28 : vector<4096x256xf32>
    %get3A_30 = arith.constant 0 : index
    %get3A_31 = arith.constant 0 : index
    %get3A_32 = vector.load %arg8[%get3A_30, %get3A_31] : memref<256x64xf32, #tpu.memory_space<vmem>>, vector<256x64xf32>
    %dot_general3A_33 = arith.constant dense<0.000000e+00> : vector<4096x64xf32>
    %dot_general3A_34 = tpu.matmul %max3A_29, %get3A_32, %dot_general3A_33 {dimension_numbers = #tpu.dot_dimension_numbers<[1], [0], [0], [1], [0, 0, 1, 1], [], []>, transpose_lhs_hint = false} : vector<4096x256xf32>, vector<256x64xf32>, vector<4096x64xf32> -> vector<4096x64xf32>
    %get3A_35 = arith.constant 0 : index
    %get3A_36 = arith.constant 0 : index
    %get3A_37 = vector.load %arg9[%get3A_35, %get3A_36] : memref<1x64xf32, #tpu.memory_space<vmem>>, vector<1x64xf32>
    %add3A_38 = vector.broadcast %get3A_37 : vector<1x64xf32> to vector<4096x64xf32>
    %add3A_39 = arith.addf %dot_general3A_34, %add3A_38 : vector<4096x64xf32>
    %max3A_40 = arith.constant 0.000000e+00 : f32
    %max3A_41 = vector.broadcast %max3A_40 : f32 to vector<4096x64xf32>
    %max3A_42 = arith.maximumf %add3A_39, %max3A_41 : vector<4096x64xf32>
    %get3A_43 = arith.constant 0 : index
    %get3A_44 = arith.constant 0 : index
    %get3A_45 = vector.load %arg10[%get3A_43, %get3A_44] : memref<64x16xf32, #tpu.memory_space<vmem>>, vector<64x16xf32>
    %dot_general3A_46 = arith.constant dense<0.000000e+00> : vector<4096x16xf32>
    %dot_general3A_47 = tpu.matmul %max3A_42, %get3A_45, %dot_general3A_46 {dimension_numbers = #tpu.dot_dimension_numbers<[1], [0], [0], [1], [0, 0, 1, 1], [], []>, transpose_lhs_hint = false} : vector<4096x64xf32>, vector<64x16xf32>, vector<4096x16xf32> -> vector<4096x16xf32>
    %get3A_48 = arith.constant 0 : index
    %get3A_49 = arith.constant 0 : index
    %get3A_50 = vector.load %arg11[%get3A_48, %get3A_49] : memref<1x16xf32, #tpu.memory_space<vmem>>, vector<1x16xf32>
    %add3A_51 = vector.broadcast %get3A_50 : vector<1x16xf32> to vector<4096x16xf32>
    %add3A_52 = arith.addf %dot_general3A_47, %add3A_51 : vector<4096x16xf32>
    %max3A_53 = arith.constant 0.000000e+00 : f32
    %max3A_54 = vector.broadcast %max3A_53 : f32 to vector<4096x16xf32>
    %max3A_55 = arith.maximumf %add3A_52, %max3A_54 : vector<4096x16xf32>
    %get3A_56 = arith.constant 0 : index
    %get3A_57 = arith.constant 0 : index
    %get3A_58 = vector.load %arg12[%get3A_56, %get3A_57] : memref<16x4xf32, #tpu.memory_space<vmem>>, vector<16x4xf32>
    %dot_general3A_59 = arith.constant dense<0.000000e+00> : vector<4096x4xf32>
    %dot_general3A_60 = tpu.matmul %max3A_55, %get3A_58, %dot_general3A_59 {dimension_numbers = #tpu.dot_dimension_numbers<[1], [0], [0], [1], [0, 0, 1, 1], [], []>, transpose_lhs_hint = false} : vector<4096x16xf32>, vector<16x4xf32>, vector<4096x4xf32> -> vector<4096x4xf32>
    %get3A_61 = arith.constant 0 : index
    %get3A_62 = arith.constant 0 : index
    %get3A_63 = vector.load %arg13[%get3A_61, %get3A_62] : memref<1x4xf32, #tpu.memory_space<vmem>>, vector<1x4xf32>
    %add3A_64 = vector.broadcast %get3A_63 : vector<1x4xf32> to vector<4096x4xf32>
    %add3A_65 = arith.addf %dot_general3A_60, %add3A_64 : vector<4096x4xf32>
    %neg3A = arith.constant 0.000000e+00 : f32
    %neg3A_66 = vector.broadcast %neg3A : f32 to vector<4096x4xf32>
    %neg3A_67 = arith.subf %neg3A_66, %add3A_65 : vector<4096x4xf32>
    %exp3A = math.exp %neg3A_67 : vector<4096x4xf32>
    %add3A_68 = arith.constant 1.000000e+00 : f32
    %add3A_69 = vector.broadcast %add3A_68 : f32 to vector<4096x4xf32>
    %add3A_70 = arith.addf %add3A_69, %exp3A : vector<4096x4xf32>
    %div3A = arith.constant 1.000000e+00 : f32
    %div3A_71 = vector.broadcast %div3A : f32 to vector<4096x4xf32>
    %div3A_72 = arith.divf %div3A_71, %add3A_70 : vector<4096x4xf32>
    %swap3A = arith.constant 0 : index
    %swap3A_73 = arith.constant 0 : index
    %swap3A_74 = vector.load %arg14[%swap3A, %swap3A_73] : memref<4096x4xf32, #tpu.memory_space<vmem>>, vector<4096x4xf32>
    tpu.vector_store %arg14[%swap3A, %swap3A_73], %div3A_72 {strides = array<i32>} : memref<4096x4xf32, #tpu.memory_space<vmem>>, vector<4096x4xf32>,
    return
  }
  func.func @transform_0(%arg0: i32) -> (i32, i32) {
    %c0_i32 = arith.constant 0 : i32
    %c0_i32_0 = arith.constant 0 : i32
    return %arg0, %c0_i32 : i32, i32
  }
  func.func @transform_1(%arg0: i32) -> (i32, i32) {
    %c0_i32 = arith.constant 0 : i32
    %c0_i32_0 = arith.constant 0 : i32
    return %arg0, %c0_i32 : i32, i32
  }
  func.func @transform_2(%arg0: i32) -> (i32, i32) {
    %c0_i32 = arith.constant 0 : i32
    %c0_i32_0 = arith.constant 0 : i32
    return %arg0, %c0_i32 : i32, i32
  }
  func.func @transform_3(%arg0: i32) -> (i32, i32) {
    %c0_i32 = arith.constant 0 : i32
    %c0_i32_0 = arith.constant 0 : i32
    %c0_i32_1 = arith.constant 0 : i32
    return %c0_i32, %c0_i32_0 : i32, i32
  }
  func.func @transform_4(%arg0: i32) -> (i32, i32) {
    %c0_i32 = arith.constant 0 : i32
    %c0_i32_0 = arith.constant 0 : i32
    %c0_i32_1 = arith.constant 0 : i32
    return %c0_i32, %c0_i32_0 : i32, i32
  }
  func.func @transform_5(%arg0: i32) -> (i32, i32) {
    %c0_i32 = arith.constant 0 : i32
    %c0_i32_0 = arith.constant 0 : i32
    %c0_i32_1 = arith.constant 0 : i32
    return %c0_i32, %c0_i32_0 : i32, i32
  }
  func.func @transform_6(%arg0: i32) -> (i32, i32) {
    %c0_i32 = arith.constant 0 : i32
    %c0_i32_0 = arith.constant 0 : i32
    %c0_i32_1 = arith.constant 0 : i32
    return %c0_i32, %c0_i32_0 : i32, i32
  }
  func.func @transform_7(%arg0: i32) -> (i32, i32) {
    %c0_i32 = arith.constant 0 : i32
    %c0_i32_0 = arith.constant 0 : i32
    %c0_i32_1 = arith.constant 0 : i32
    return %c0_i32, %c0_i32_0 : i32, i32
  }
  func.func @transform_8(%arg0: i32) -> (i32, i32) {
    %c0_i32 = arith.constant 0 : i32
    %c0_i32_0 = arith.constant 0 : i32
    %c0_i32_1 = arith.constant 0 : i32
    return %c0_i32, %c0_i32_0 : i32, i32
  }
  func.func @transform_9(%arg0: i32) -> (i32, i32) {
    %c0_i32 = arith.constant 0 : i32
    %c0_i32_0 = arith.constant 0 : i32
    %c0_i32_1 = arith.constant 0 : i32
    return %c0_i32, %c0_i32_0 : i32, i32
  }
  func.func @transform_10(%arg0: i32) -> (i32, i32) {
    %c0_i32 = arith.constant 0 : i32
    %c0_i32_0 = arith.constant 0 : i32
    %c0_i32_1 = arith.constant 0 : i32
    return %c0_i32, %c0_i32_0 : i32, i32
  }
  func.func @transform_11(%arg0: i32) -> (i32, i32) {
    %c0_i32 = arith.constant 0 : i32
    %c0_i32_0 = arith.constant 0 : i32
    %c0_i32_1 = arith.constant 0 : i32
    return %c0_i32, %c0_i32_0 : i32, i32
  }
  func.func @transform_12(%arg0: i32) -> (i32, i32) {
    %c0_i32 = arith.constant 0 : i32
    %c0_i32_0 = arith.constant 0 : i32
    %c0_i32_1 = arith.constant 0 : i32
    return %c0_i32, %c0_i32_0 : i32, i32
  }
  func.func @transform_13(%arg0: i32) -> (i32, i32) {
    %c0_i32 = arith.constant 0 : i32
    %c0_i32_0 = arith.constant 0 : i32
    return %arg0, %c0_i32 : i32, i32
  }
}

</mosaic_0001>

<sc_bundles>
// kernel: kernel.4.cloned.1.call-start
scs
__scs_entry_jumppad:
0x0: {  	(pc) =	sbr.rel $0x88, $3  }
0x1: {  	(tag) =	ssettag $0x0;
	lr =	simm.s32 $0x1  }
0x2: {  	[smem:$0x3F93] =	sst lr;
	_ =	strace $0xD0000000  }
0x3: {  	_ = 	snop  }
0x4: {  	_ = 	snop  }
0x5: {  	_ = 	snop  }
0x6: {  	_ = 	snop  }
0x7: {  	_ = 	snop  }
__scs_overlays_trampoline_lowered:
0x8: {  	[smem:$0x3FA2] =	sst s0  }
0x9: {  	[smem:$0x3FA3] =	sst s1  }
0xa: {  	[smem:$0x3FA4] =	sst s2  }
0xb: {  	[smem:$0x3FA5] =	sst s3  }
0xc: {  	[smem:$0x3FA6] =	sst s4  }
0xd: {  	[smem:$0x3FA7] =	sst s5  }
0xe: {  	[smem:$0x3FA8] =	sst s6  }
0xf: {  	[smem:$0x3FA9] =	sst s7  }
0x10: {  	[smem:$0x3FAA] =	sst s8  }
0x11: {  	[smem:$0x3FAB] =	sst s9;
	s0 =	simm.s32 @!p0 $0x0  }
0x12: {  	s1 =	sld [smem:$0x3F91];
	s0 =	simm.s32 @p0 $0x1  }
0x13: {  	[smem:$0x3FAC] =	sst s0;
	s0 =	simm.s32 @!p1 $0x0  }
0x14: {  	s2 =	sld [smem:$0x3F90];
	s0 =	simm.s32 @p1 $0x1  }
0x15: {  	[smem:$0x3FAD] =	sst s0;
	s0 =	simm.s32 @!p2 $0x0  }
0x16: {  	s3 =	sld [smem:$0x3FDB];
	s0 =	simm.s32 @p2 $0x1  }
0x17: {  	s4 =	simm.s32 $0x1BF5;
	[smem:$0x3FAF] =	sst s0  }
0x18: {  	s0 =	sld [smem:$0x3F92];
	_ =	swait.ge [sflag:s4], $0x0  }
0x19: {  	s7 =	sld [smem:$0x3F93]  }
0x1a: {  	s8 =	sadd.s32 $0xFFFFE003, lr  }
0x1b: {  	s9 =	sadd.s32 $0xFFFFFEF7, lr;
	s5 =	simm.s32 $0xFFFFFFFF;
	p2 =	slt.u32 s8, $0xFFFFF086  }
0x1c: {  	p1 =	slt.u32 s9, $0xF7A;
	s5 =	simm.s32 @!p2 $0x0  }
0x1d: {  	s5 =	simm.s32 @p1 $0x1;
	p0 =	seq.s32 s7, s2  }
0x1e: {  	s7 =	smul.u32 @!p0 $0xF7A, s2;
	p2 =	seq.s32 @!p0 s5, $0x0  }
0x1f: {  	s9 =	smul.u32 $0xF7A, s1;
	s8 =	simm.s32 @!p0 $0x1BF5;
	p2 =	por !p2, p0  }
0x20: {  	[sflag:s8] =	ssyncset.s32 @!p0 $0xFFFFF086;
	s6 =	sadd.s32 @!p0 s3, s7;
	s7 =	simm.s32 @!p0 $0x108  }
0x21: {  	s3 =	sadd.s32 s3, s9;
	s6 =	sadd.s32 @!p0 $0x88, s6;
	s7 =	simm.s32 @p2 $0x1082  }
0x22: {  	[simem:s7], [sflag:s8] =	dma.local @!p0 [hbm:s6], $0xF7A  }
0x23: {  	s9 =	sor.u32 $0xD0000000, s2;
	s6 =	simm.s32 $0x108;
	_ =	swait.ge @!p0 [sflag:s8], $0x0  }
0x24: {  	s3 =	sadd.s32 $0x88, s3;
	s6 =	simm.s32 @!p1 $0x1082;
	[sflag:s4] =	ssyncset.s32 $0xFFFFF086  }
0x25: {  	[simem:s6], [sflag:s4] =	dma.local [hbm:s3], $0xF7A  }
0x26: {  	[smem:$0x3F93] =	sst s1;
	(tag) =	ssettag s2;
	_ =	strace s9  }
0x27: {  	s1 =	sld [smem:$0x3FA3]  }
0x28: {  	s2 =	sld [smem:$0x3FA4]  }
0x29: {  	s4 =	sld [smem:$0x3FA6]  }
0x2a: {  	p0 =	seq.s32 s5, $0x0;
	s5 =	sld [smem:$0x3FA7]  }
0x2b: {  	s6 =	sld [smem:$0x3FA8]  }
0x2c: {  	s7 =	sld [smem:$0x3FA9]  }
0x2d: {  	s3 =	simm.s32 $0x108;
	s8 =	sld [smem:$0x3FAA]  }
0x2e: {  	s3 =	simm.s32 @!p0 $0x1082;
	s9 =	sld [smem:$0x3FAB]  }
0x2f: {  	lr =	sadd.s32 s0, s3;
	s0 =	sld [smem:$0x3FA2]  }
0x30: {  	s3 =	sld [smem:$0x3FA5]  }
0x31: {  	[smem:$0x3FAE] =	sst s10  }
0x32: {  	s10 =	sld [smem:$0x3FAC];
	_ =	sdelay $0x3  }
0x33: {  	p0 =	seq.s32 s10, $0x1;
	s10 =	sld [smem:$0x3FAE];
	_ =	sdelay $0x3  }
0x34: {  	[smem:$0x3FAE] =	sst s10  }
0x35: {  	s10 =	sld [smem:$0x3FAD];
	_ =	sdelay $0x3  }
0x36: {  	p1 =	seq.s32 s10, $0x1;
	s10 =	sld [smem:$0x3FAE];
	_ =	sdelay $0x3  }
0x37: {  	[smem:$0x3FAE] =	sst s10  }
0x38: {  	s10 =	sld [smem:$0x3FAF]  }
0x39: {  	_ = 	snop;
	(pc) =	sbr.ind lr, $3  }
0x3a: {  	_ = 	snop  }
0x3b: {  	_ = 	snop  }
0x3c: {  	p2 =	seq.s32 s10, $0x1;
	s10 =	sld [smem:$0x3FAE]  }
0x3d: {  	_ =	shalt  }
0x3e: {  	_ =	shalt  }
0x3f: {  	_ =	shalt  }
0x40: {  	_ =	shalt  }
0x41: {  	_ =	shalt  }
0x42: {  	_ =	shalt  }
0x43: {  	_ =	shalt  }
0x44: {  	_ =	shalt  }
0x45: {  	_ =	shalt  }
0x46: {  	_ =	shalt  }
0x47: {  	_ =	shalt  }
0x48: {  	_ =	shalt  }
0x49: {  	_ =	shalt  }
0x4a: {  	_ =	shalt  }
0x4b: {  	_ =	shalt  }
0x4c: {  	_ =	shalt  }
0x4d: {  	_ =	shalt  }
0x4e: {  	_ =	shalt  }
0x4f: {  	_ =	shalt  }
0x50: {  	_ =	shalt  }
0x51: {  	_ =	shalt  }
0x52: {  	_ =	shalt  }
0x53: {  	_ =	shalt  }
0x54: {  	_ =	shalt  }
0x55: {  	_ =	shalt  }
0x56: {  	_ =	shalt  }
0x57: {  	_ =	shalt  }
0x58: {  	_ =	shalt  }
0x59: {  	_ =	shalt  }
0x5a: {  	_ =	shalt  }
0x5b: {  	_ =	shalt  }
0x5c: {  	_ =	shalt  }
0x5d: {  	_ =	shalt  }
0x5e: {  	_ =	shalt  }
0x5f: {  	_ =	shalt  }
0x60: {  	_ =	shalt  }
0x61: {  	_ =	shalt  }
0x62: {  	_ =	shalt  }
0x63: {  	_ =	shalt  }
0x64: {  	_ =	shalt  }
0x65: {  	_ =	shalt  }
0x66: {  	_ =	shalt  }
0x67: {  	_ =	shalt  }
0x68: {  	_ =	shalt  }
0x69: {  	_ =	shalt  }
0x6a: {  	_ =	shalt  }
0x6b: {  	_ =	shalt  }
0x6c: {  	_ =	shalt  }
0x6d: {  	_ =	shalt  }
0x6e: {  	_ =	shalt  }
0x6f: {  	_ =	shalt  }
0x70: {  	_ =	shalt  }
0x71: {  	_ =	shalt  }
0x72: {  	_ =	shalt  }
0x73: {  	_ =	shalt  }
0x74: {  	_ =	shalt  }
0x75: {  	_ =	shalt  }
0x76: {  	_ =	shalt  }
0x77: {  	_ =	shalt  }
0x78: {  	_ =	shalt  }
0x79: {  	_ =	shalt  }
0x7a: {  	_ =	shalt  }
0x7b: {  	_ =	shalt  }
0x7c: {  	_ =	shalt  }
0x7d: {  	_ =	shalt  }
0x7e: {  	_ =	shalt  }
0x7f: {  	_ =	shalt  }
0x80: {  	_ =	shalt  }
0x81: {  	_ =	shalt  }
0x82: {  	_ =	shalt  }
0x83: {  	_ =	shalt  }
0x84: {  	_ =	shalt  }
0x85: {  	_ =	shalt  }
0x86: {  	_ =	shalt  }
0x87: {  	_ =	shalt  }
.Lfunc_end0:
.L_simem_size_0:
called_computation_lowered:
.L_overlay_start_0:
0x88: {  	s2 =	sld [smem:$0x3FD9]  }
0x89: {  	s3 =	sld [smem:$0x3FFE];
	_ =	sdelay $0x1  }
0x8a: {  	s1 =	srdreg.scid  }
0x8b: {  	s0 =	sand.u32 $0x1, s1  }
0x8c: {  	s17 =	sshll.u32 s0, $0xA;
	s2 =	sadd.s32 s3, s2  }
0x8d: {  	s2 =	sadd.s32 s2, s17  }
0x8e: {  	[smem:$0x3FBA] =	sst s2  }
0x8f: {  	_ = 	snop  }
0x90: {  	s2 =	sld [smem:$0x3FC9]  }
0x91: {  	s18 =	sld [smem:$0x3FC8]  }
0x92: {  	s4 =	sld [smem:$0x3FC5]  }
0x93: {  	s5 =	sld [smem:$0x3FC4];
	(tm) =	ssettm $0x1  }
0x94: {  	s6 =	sld [smem:$0x3FFB];
	_ =	sdelay $0x3  }
0x95: {  	_ =	strace s6  }
0x96: {  	s6 =	sld [smem:$0x3FFC];
	_ =	sdelay $0x3  }
0x97: {  	_ =	strace s6  }
0x98: {  	s6 =	sld [smem:$0x3FFD];
	_ =	sdelay $0x3  }
0x99: {  	_ =	strace s6  }
0x9a: {  	_ =	strace $0x8FFFFFFF  }
0x9b: {  	s19 =	sld [smem:$0x3FDB];
	_ =	sdelay $0x1  }
0x9c: {  	s7 =	simm.s32 $_scs_section_size  }
0x9d: {  	s8 =	simm.s32 $_size__tile_overlayer_lowered;
	s9 =	simm.s32 $_tile_overlayer_lowered  }
0x9e: {  	s22 =	simm.s32 $0x1BFF;
	s21 =	sshll.u32 s9, $0x1;
	s6 =	sadd.s32 s7, s19  }
0x9f: {  	s10 =	simm.s32 $0x0;
	s20 =	sshll.u32 s8, $0x1;
	s8 =	sadd.s32 s21, s6  }
0xa0: {  	[timem:s10], [sflag:s22] =	dma.local [hbm:s8], s20  }
0xa1: {  	_ =	swait.ge [sflag:s22], s20  }
0xa2: {  	s7 =	ssub.s32 $0x0, s20;
	[sflag:s22] =	ssyncset.done $0x0  }
0xa3: {  	[sflag:s22] =	ssyncadd.s32 s7;
	_ =	sdelay $0x1  }
0xa4: {  	s23 =	simm.s32 $0x1B8B  }
0xa5: {  	_ =	swait.ge [sflag:s23], $0x1  }
0xa6: {  	[sflag:s23] =	ssyncset.done $0x0  }
0xa7: {  	s25 =	simm.s32 $0x1B8E;
	s24 =	sld [smem:$0x3FFE];
	[sflag:s23] =	ssyncadd.s32 $0xFFFFFFFF  }
0xa8: {  	s26 =	simm.s32 $execute0_lowered;
	[smem:$0x3FD2] =	sst s25  }
0xa9: {  	s8 =	sshll.u32 s26, $0x1;
	_ =	strace $0x80000046;
	[dreg:$0x1] =	wrdreg $0xFFFFFFFF  }
0xaa: {  	s28 =	simm.s32 $_size_execute0_lowered;
	s6 =	sadd.s32 s6, s8;
	[dreg:$0x0] =	wrdreg $0x0  }
0xab: {  	s8 =	sshll.u32 s28, $0x1;
	[dreg:$0x2] =	wrdreg s6  }
0xac: {  	[dreg:$0x3] =	wrdreg s8  }
0xad: {  	[dreg:$0x4] =	wrdreg $0xC0  }
0xae: {  	_ =	task [dreg:s10], $0x5FFFF  }
0xaf: {  	[dreg:$0x1] =	wrdreg $0xFFFFFFFF  }
0xb0: {  	[dreg:$0x0] =	wrdreg $0x60  }
0xb1: {  	[dreg:$0x2] =	wrdreg s4  }
0xb2: {  	[dreg:$0x3] =	wrdreg s5  }
0xb3: {  	[dreg:$0x4] =	wrdreg s2  }
0xb4: {  	[dreg:$0x5] =	wrdreg s18  }
0xb5: {  	[dreg:$0x6] =	wrdreg s24  }
0xb6: {  	[dreg:$0x7] =	wrdreg $0x9  }
0xb7: {  	_ =	task.clear_ibuf [dreg:s10], $0x8FFFF;
	_ =	strace $0x90000046  }
0xb8: {  	s29 =	simm.s32 $0x9;
	_ =	strace $0x80000048  }
0xb9: {  	_ =	swait.ge [sflag:s29], $0x1  }
0xba: {  	[sflag:s29] =	ssyncadd.s32 $0xFFFFFFFF  }
0xbb: {  	_ =	strace $0x90000048  }
0xbc: {  	_ =	sfence  }
0xbd: {  	s30 =	sld [smem:$0x0];
	_ =	sdelay $0x2  }
0xbe: {  	s31 =	sshll.u32 s1, $0xD;
	s1 =	sshrl.u32 s1, $0x2  }
0xbf: {  	s3 =	sand.u32 $0x4000, s31;
	s1 =	sadd.s32 s1, s30  }
0xc0: {  	s0 =	sor.u32 s3, s0;
	s1 =	sshll.u32 s1, $0x11  }
0xc1: {  	s0 =	sor.u32 s1, s0  }
0xc2: {  	s0 =	sadd.s32 $0x8F2B, s0  }
0xc3: {  	[sflag:s0] =	ssyncadd.remote.s32 $0x1  }
0xc4: {  	_ =	sfence.sel $0xFFFF  }
0xc5: {  	[dreg:$0x0] =	wrdreg $0xFFFFFFFF;
	(pc) =	sbr.abs _section_cstart, $3  }
0xc6: {  	[dreg:$0x1] =	wrdreg $0xFFFFFFFF  }
0xc7: {  	_ =	task.clear_ibuf [dreg:s10], $0x2FFFF;
	_ =	strace $0x9FFFFFFF  }
0xc8: {  	(tm) =	ssettm $0x7FFFFFFF  }
0xc9: {  	_ =	shalt  }
tec
execute0_lowered:
.L_overlay_start_1:
0x0: {  	(tag) =	ssettag $0x1  }
0x1: {  	s1 =	rddreg [dreg:$0x0]  }
0x2: {  	s2 =	rddreg [dreg:$0x1]  }
0x3: {  	s0 =	rddreg [dreg:$0x2]  }
0x4: {  	s3 =	rddreg [dreg:$0x3]  }
0x5: {  	s5 =	rddreg [dreg:$0x4]  }
0x6: {  	s6 =	srdreg.scid;
	s7 =	stileid.u32;
	s4 =	simm.s32 $0x0  }
0x7: {  	s10 =	simm.s32 $0x3;
	s12 =	simm.s32 $0x7A1400;
	s13 =	simm.s32 $0x400  }
0x8: {  	s14 =	simm.s32 $0xC3800;
	s15 =	simm.s32 $0x8400;
	s16 =	simm.s32 $0x1400  }
0x9: {  	s17 =	simm.s32 $0x9400;
	s18 =	simm.s32 $0x2400;
	s19 =	simm.s32 $0xA400  }
0xa: {  	s20 =	simm.s32 $0x3400;
	s21 =	simm.s32 $0xB400;
	s24 =	simm.s32 $0x0  }
0xb: {  	v0 =	vlaneseq.u32;
	s6 =	sand.u32 $0x1, s6;
	s7 =	sshll.u32 s7, $0x1;
	[smem:$0x7FF] =	sst s4  }
.Ltmp0:
0xc: {  	v0 =	vmul.u32 $0x80, v0;
	s7 =	sor.u32 s6, s7;
	_ =	strace $0x80000047;
	(pc) =	sbr.rel .LBB2_1-.Ltmp0, $4  }
0xd: {  	s6 =	ssub.s32 $0x2, s6;
	s8 =	sshll.u32 s7, $0xB;
	s7 =	sshll.u32 s7, $0x6  }
0xe: {  	s31 =	sshrl.u32 s6, $0x1;
	v1 =	vor.u32 $0x800, v0;
	s8 =	sadd.s32 s8, s5;
	s0 =	sadd.s32 s0, s7  }
0xf: {  	v2 =	vor.u32 $0x1000, v0;
	v3 =	vor.u32 $0x1800, v0;
	v4 =	vor.u32 $0x2000, v0;
	s9 =	ssub.s32 s6, s31;
	s6 =	sadd.s32 s3, s7;
	[dreg:$0x6] =	wrdreg s0  }
0x10: {  	v5 =	vor.u32 $0x2800, v0;
	v6 =	vor.u32 $0x3000, v0;
	v7 =	vor.u32 $0x3800, v0;
	s7 =	sadd.s32 $0x2000, s8;
	s8 =	sadd.s32 $0x12000, s8;
	s9 =	smax.u32 s9, $0x1  }
.LBB2_8:
0x11: {  	s0 =	simm.s32 $0x10400  }
0x12: {  	[hbm4b:s7+s4] =	stream.linear.scatter [tilespmem:s0], [sflag:$0x3], $0x4000, $0x38;
	[tilespmem:$0x18400] =	vst v63  }
0x13: {  	s24 =	sadd.s32 $0x1, s24;
	_ =	swait.ge [sflag:s10], $0x4000  }
0x14: {  	p0 =	sne.s32 s24, s9;
	[sflag:s10] =	ssyncset.done $0x0  }
.Ltmp1:
0x15: {  	s31 =	simm.s32 $0x14400;
	[sflag:s10] =	ssyncadd.s32 $0xFFFFC000;
	(pc) =	sbr.rel @!p0 .LBB2_9-.Ltmp1, $4  }
0x16: {  	[hbm4b:s8+s4] =	stream.linear.scatter [tilespmem:s31], [sflag:$0x3], $0x4000, $0x38;
	[tilespmem:$0x18400] =	vst v63  }
0x17: {  	_ =	swait.ge [sflag:s10], $0x4000  }
0x18: {  	[sflag:s10] =	ssyncset.done $0x0  }
0x19: {  	[sflag:s10] =	ssyncadd.s32 $0xFFFFC000  }
.LBB2_1:
0x1a: {  	s0 =	rddreg [dreg:$0x6]  }
0x1b: {  	[tilespmem:s4], [sflag:$0x3] =	stream.linear.gather [hbm4b:s0+s4], $0x200, $0x38;
	[tilespmem:$0x18400] =	vst v63  }
0x1c: {  	_ =	swait.ge [sflag:s10], $0x200  }
0x1d: {  	[sflag:s10] =	ssyncset.done $0x0  }
0x1e: {  	s23 =	simm.s32 $0x200;
	[sflag:s10] =	ssyncadd.s32 $0xFFFFFE00  }
0x1f: {  	[tilespmem:s23], [sflag:$0x3] =	stream.linear.gather [hbm4b:s6+s4], $0x200, $0x38;
	[tilespmem:$0x18400] =	vst v63  }
0x20: {  	_ =	swait.ge [sflag:s10], $0x200  }
0x21: {  	[sflag:s10] =	ssyncset.done $0x0  }
0x22: {  	[sflag:s10] =	ssyncadd.s32 $0xFFFFFE00  }
0x23: {  	v8 =	vld [tilespmem:$0x0]  }
0x24: {  	v9 =	vld [tilespmem:$0x200];
	_ =	sdelay $0x3  }
0x25: {  	(v2sf) =	vpush v8, $0x0  }
0x26: {  	(v2sf) =	vpush v9, $0x0;
	_ =	sdelay $0x4  }
0x27: {  	(v2sf) =	vpush v8, $0x1;
	_ =	sdelay $0x1  }
0x28: {  	(v2sf) =	vpush v9, $0x1  }
0x29: {  	(v2sf) =	vpush v8, $0x2;
	_ =	sdelay $0x5  }
0x2a: {  	s25 =	spop (v2sf);
	(v2sf) =	vpush v9, $0x2  }
0x2b: {  	s26 =	spop (v2sf);
	(v2sf) =	vpush v8, $0x3  }
0x2c: {  	s0 =	sand.u32 $0xFFFFF80, s25  }
0x2d: {  	s0 =	sadd.s32 s1, s0  }
0x2e: {  	[tilespmem:s13], [sflag:$0x1] =	stream.strided.gather [hbm4b:s0+s13], $0x1000, s12, s13, $0x38;
	[tilespmem:$0x18400] =	vst v63  }
0x2f: {  	s0 =	sand.u32 $0xFFFFF80, s26  }
0x30: {  	s31 =	spop (v2sf);
	(v2sf) =	vpush v9, $0x3;
	s0 =	sadd.s32 s2, s0  }
0x31: {  	[tilespmem:s15], [sflag:$0x1] =	stream.strided.gather [hbm4b:s0+s13], $0x1000, s14, s13, $0x38;
	[tilespmem:$0x18400] =	vst v63  }
0x32: {  	s3 =	spop (v2sf);
	s0 =	sand.u32 $0xFFFFF80, s31  }
0x33: {  	s3 =	sand.u32 $0xFFFFF80, s3;
	s5 =	spop (v2sf);
	s0 =	sadd.s32 s1, s0  }
0x34: {  	[tilespmem:s16], [sflag:$0x1] =	stream.strided.gather [hbm4b:s0+s13], $0x1000, s12, s13, $0x38;
	[tilespmem:$0x18400] =	vst v63  }
0x35: {  	s11 =	sand.u32 $0xFFFFF80, s5;
	s0 =	sadd.s32 s2, s3  }
0x36: {  	[tilespmem:s17], [sflag:$0x1] =	stream.strided.gather [hbm4b:s0+s13], $0x1000, s14, s13, $0x38;
	[tilespmem:$0x18400] =	vst v63  }
0x37: {  	s0 =	sadd.s32 s1, s11  }
0x38: {  	[tilespmem:s18], [sflag:$0x1] =	stream.strided.gather [hbm4b:s0+s13], $0x1000, s12, s13, $0x38;
	[tilespmem:$0x18400] =	vst v63  }
0x39: {  	s22 =	spop (v2sf)  }
0x3a: {  	s23 =	sand.u32 $0xFFFFF80, s22;
	s25 =	spop (v2sf)  }
0x3b: {  	s0 =	sadd.s32 s2, s23;
	s26 =	sand.u32 $0xFFFFF80, s25  }
0x3c: {  	[tilespmem:s19], [sflag:$0x1] =	stream.strided.gather [hbm4b:s0+s13], $0x1000, s14, s13, $0x38;
	[tilespmem:$0x18400] =	vst v63  }
0x3d: {  	s0 =	sadd.s32 s1, s26  }
0x3e: {  	[tilespmem:s20], [sflag:$0x1] =	stream.strided.gather [hbm4b:s0+s13], $0x1000, s12, s13, $0x38;
	[tilespmem:$0x18400] =	vst v63  }
.Ltmp2:
0x3f: {  	s31 =	spop (v2sf);
	(pc) =	sbr.rel .LBB2_2-.Ltmp2, $4  }
0x40: {  	s28 =	simm.s32 $0x10440;
	s0 =	sand.u32 $0xFFFFF80, s31  }
0x41: {  	s29 =	simm.s32 $0x14440;
	s30 =	simm.s32 $0x0;
	s0 =	sadd.s32 s2, s0  }
0x42: {  	[tilespmem:s21], [sflag:$0x1] =	stream.strided.gather [hbm4b:s0+s13], $0x1000, s14, s13, $0x38;
	[tilespmem:$0x18400] =	vst v63  }
0x43: {  	s25 =	simm.s32 $0x4;
	s26 =	simm.s32 $0x204;
	s0 =	simm.s32 $0x0  }
.LBB2_3:
0x44: {  	v8 =	vld [tilespmem:s25+$0x0];
	_ =	sdelay $0x1  }
0x45: {  	v9 =	vld [tilespmem:s26+$0x0];
	_ =	sdelay $0x2  }
0x46: {  	(v2sf) =	vpush v8, $0x0;
	_ =	sdelay $0x1  }
0x47: {  	(v2sf) =	vpush v9, $0x0;
	_ =	sdelay $0x1  }
0x48: {  	(v2sf) =	vpush v8, $0x1;
	_ =	sdelay $0x2  }
0x49: {  	(v2sf) =	vpush v9, $0x1;
	_ =	sdelay $0x7  }
0x4a: {  	s3 =	spop (v2sf);
	(v2sf) =	vpush v8, $0x2;
	_ =	sdelay $0x1  }
0x4b: {  	s11 =	spop (v2sf);
	(v2sf) =	vpush v9, $0x2  }
0x4c: {  	s3 =	sand.u32 $0xFFFFF80, s3  }
0x4d: {  	s3 =	sadd.s32 s1, s3;
	s22 =	spop (v2sf)  }
0x4e: {  	(v2sf) =	vpush v8, $0x3;
	[tilespmem:s13], [sflag:$0x1] =	stream.strided.gather [hbm4b:s3+s13], $0x1000, s12, s13, $0x38;
	[tilespmem:$0x18400] =	vst v63  }
0x4f: {  	s3 =	sand.u32 $0xFFFFF80, s11  }
0x50: {  	s23 =	spop (v2sf);
	s3 =	sadd.s32 s2, s3  }
0x51: {  	(v2sf) =	vpush v9, $0x3;
	[tilespmem:s15], [sflag:$0x1] =	stream.strided.gather [hbm4b:s3+s13], $0x1000, s14, s13, $0x38;
	[tilespmem:$0x18400] =	vst v63  }
0x52: {  	s3 =	sand.u32 $0xFFFFF80, s22  }
0x53: {  	s3 =	sadd.s32 s1, s3  }
0x54: {  	[tilespmem:s16], [sflag:$0x1] =	stream.strided.gather [hbm4b:s3+s13], $0x1000, s12, s13, $0x38;
	[tilespmem:$0x18400] =	vst v63  }
0x55: {  	s3 =	sand.u32 $0xFFFFF80, s23  }
0x56: {  	s3 =	sadd.s32 s2, s3  }
0x57: {  	[tilespmem:s17], [sflag:$0x1] =	stream.strided.gather [hbm4b:s3+s13], $0x1000, s14, s13, $0x38;
	[tilespmem:$0x18400] =	vst v63  }
0x58: {  	s5 =	spop (v2sf)  }
0x59: {  	s3 =	sand.u32 $0xFFFFF80, s5  }
0x5a: {  	s11 =	spop (v2sf);
	s3 =	sadd.s32 s1, s3  }
0x5b: {  	[tilespmem:s18], [sflag:$0x1] =	stream.strided.gather [hbm4b:s3+s13], $0x1000, s12, s13, $0x38;
	[tilespmem:$0x18400] =	vst v63  }
0x5c: {  	s3 =	sand.u32 $0xFFFFF80, s11  }
0x5d: {  	s22 =	spop (v2sf);
	s3 =	sadd.s32 s2, s3  }
0x5e: {  	[tilespmem:s19], [sflag:$0x1] =	stream.strided.gather [hbm4b:s3+s13], $0x1000, s14, s13, $0x38;
	[tilespmem:$0x18400] =	vst v63  }
0x5f: {  	s3 =	sand.u32 $0xFFFFF80, s22  }
0x60: {  	s23 =	spop (v2sf);
	s3 =	sadd.s32 s1, s3  }
0x61: {  	[tilespmem:s20], [sflag:$0x1] =	stream.strided.gather [hbm4b:s3+s13], $0x1000, s12, s13, $0x38;
	[tilespmem:$0x18400] =	vst v63  }
0x62: {  	s3 =	sand.u32 $0xFFFFF80, s23  }
0x63: {  	s3 =	sadd.s32 s2, s3  }
0x64: {  	[tilespmem:s21], [sflag:$0x1] =	stream.strided.gather [hbm4b:s3+s13], $0x1000, s14, s13, $0x38;
	[tilespmem:$0x18400] =	vst v63  }
.LBB2_7:
0x65: {  	s3 =	sand.u32 $0x3, s31  }
0x66: {  	p0 =	sgt.s32 s3, $0x1  }
0x67: {  	p1 =	seq.s32 @p0 s3, $0x2  }
0x68: {  	p2 =	seq.s32 @!p0 s3, $0x0;
	p1 =	por !p1, !p0  }
0x69: {  	s5 =	simm.s32 $0x1;
	p2 =	por !p2, p0;
	s3 =	simm.s32 @!p1 $0x1  }
0x6a: {  	s5 =	simm.s32 @p2 $0x2;
	s3 =	simm.s32 @p1 $0x2  }
0x6b: {  	s5 =	smov.u32 @p0 s3  }
0x6c: {  	_ =	swait.ge [sflag:s5], $0x1000  }
0x6d: {  	[sflag:s5] =	ssyncset.done $0x0  }
0x6e: {  	[sflag:s5] =	ssyncadd.s32 $0xFFFFF000  }
0x6f: {  	_ =	swait.ge [sflag:s5], $0x1000  }
0x70: {  	[sflag:s5] =	ssyncset.done $0x0  }
0x71: {  	[sflag:s5] =	ssyncadd.s32 $0xFFFFF000  }
0x72: {  	_ =	swait.ge [sflag:s5], $0x1000  }
0x73: {  	[sflag:s5] =	ssyncset.done $0x0  }
0x74: {  	[sflag:s5] =	ssyncadd.s32 $0xFFFFF000  }
0x75: {  	_ =	swait.ge [sflag:s5], $0x1000  }
0x76: {  	[sflag:s5] =	ssyncset.done $0x0  }
0x77: {  	[sflag:s5] =	ssyncadd.s32 $0xFFFFF000  }
0x78: {  	_ =	swait.ge [sflag:s5], $0x1000  }
0x79: {  	[sflag:s5] =	ssyncset.done $0x0  }
0x7a: {  	[sflag:s5] =	ssyncadd.s32 $0xFFFFF000  }
0x7b: {  	_ =	swait.ge [sflag:s5], $0x1000  }
0x7c: {  	[sflag:s5] =	ssyncset.done $0x0  }
0x7d: {  	[sflag:s5] =	ssyncadd.s32 $0xFFFFF000  }
0x7e: {  	_ =	swait.ge [sflag:s5], $0x1000  }
0x7f: {  	[sflag:s5] =	ssyncset.done $0x0  }
0x80: {  	[sflag:s5] =	ssyncadd.s32 $0xFFFFF000  }
0x81: {  	_ =	swait.ge [sflag:s5], $0x1000  }
0x82: {  	[sflag:s5] =	ssyncset.done $0x0  }
0x83: {  	s31 =	sand.u32 $0x1F0, s30;
	[sflag:s5] =	ssyncadd.s32 $0xFFFFF000  }
0x84: {  	v8 =	vld [tilespmem:s31+$0x0];
	_ =	sdelay $0x1  }
0x85: {  	s11 =	simm.s32 $0x0;
	s5 =	simm.s32 @!p1 $0x8  }
0x86: {  	s11 =	simm.s32 @p2 $0x4;
	s5 =	simm.s32 @p1 $0xC  }
0x87: {  	s11 =	smov.u32 @p0 s5  }
0x88: {  	(v2sf) =	vpush v8, s11;
	_ =	sdelay $0x6  }
0x89: {  	v9 =	vld [tilespmem:s31+$0x200];
	_ =	sdelay $0x4  }
0x8a: {  	(v2sf) =	vpush v9, s11;
	_ =	sdelay $0x2  }
0x8b: {  	s5 =	spop (v2sf)  }
0x8c: {  	s3 =	sand.u32 $0x7F, s5  }
0x8d: {  	v10 =	vor.u32 s3, v0;
	_ =	sdelay $0x1  }
0x8e: {  	s31 =	simm.s32 $0x400;
	s5 =	simm.s32 @!p1 $0x400  }
0x8f: {  	s31 =	simm.s32 @p2 $0x4400;
	s5 =	simm.s32 @p1 $0x4400  }
0x90: {  	s22 =	simm.s32 $0x1;
	s11 =	simm.s32 @!p1 $0x9;
	s31 =	smov.u32 @p0 s5  }
0x91: {  	s22 =	simm.s32 @p2 $0x5;
	s11 =	simm.s32 @p1 $0xD;
	v10 =	vld.idx.msk [tilespmem:v10+s31+$0x0], $0xffff  }
0x92: {  	s22 =	smov.u32 @p0 s11;
	v11 =	vor.u32 s3, v1  }
0x93: {  	(v2sf) =	vpush v8, s22;
	_ =	sdelay $0x2  }
0x94: {  	s11 =	spop (v2sf);
	[tilespmem:s28+$0xFFFFFFC0] =	vst v10  }
0x95: {  	s23 =	sand.u32 $0x7F, s11;
	v10 =	vld.idx.msk [tilespmem:v11+s31+$0x0], $0xffff  }
0x96: {  	v50 =	vor.u32 s23, v0;
	_ =	sdelay $0x1  }
0x97: {  	s11 =	simm.s32 @!p1 $0x8400;
	s3 =	simm.s32 $0x8400  }
0x98: {  	s11 =	simm.s32 @p1 $0xC400;
	s3 =	simm.s32 @p2 $0xC400  }
0x99: {  	s3 =	smov.u32 @p0 s11;
	[tilespmem:s28+$0xFFFFFFD0] =	vst v10  }
0x9a: {  	v10 =	vld.idx.msk [tilespmem:v50+s3+$0x0], $0xffff  }
0x9b: {  	v51 =	vor.u32 s23, v1  }
0x9c: {  	(v2sf) =	vpush v9, s22;
	_ =	sdelay $0x2  }
0x9d: {  	s23 =	spop (v2sf);
	[tilespmem:s29+$0xFFFFFFC0] =	vst v10  }
0x9e: {  	s5 =	sand.u32 $0x7F, s23;
	v10 =	vld.idx.msk [tilespmem:v51+s3+$0x0], $0xffff  }
0x9f: {  	v52 =	vor.u32 s5, v2;
	_ =	sdelay $0x3  }
0xa0: {  	s22 =	simm.s32 $0x2;
	s11 =	simm.s32 @!p1 $0xA;
	[tilespmem:s29+$0xFFFFFFD0] =	vst v10  }
0xa1: {  	s22 =	simm.s32 @p2 $0x6;
	s11 =	simm.s32 @p1 $0xE;
	v10 =	vld.idx.msk [tilespmem:v52+s31+$0x0], $0xffff  }
0xa2: {  	s22 =	smov.u32 @p0 s11;
	v53 =	vor.u32 s5, v3  }
0xa3: {  	(v2sf) =	vpush v8, s22;
	_ =	sdelay $0x2  }
0xa4: {  	s11 =	spop (v2sf);
	[tilespmem:s28+$0xFFFFFFE0] =	vst v10  }
0xa5: {  	s5 =	sand.u32 $0x7F, s11;
	v10 =	vld.idx.msk [tilespmem:v53+s31+$0x0], $0xffff  }
0xa6: {  	v54 =	vor.u32 s5, v2;
	_ =	sdelay $0x3  }
0xa7: {  	[tilespmem:s28+$0xFFFFFFF0] =	vst v10  }
0xa8: {  	v10 =	vld.idx.msk [tilespmem:v54+s3+$0x0], $0xffff  }
0xa9: {  	v55 =	vor.u32 s5, v3  }
0xaa: {  	(v2sf) =	vpush v9, s22;
	_ =	sdelay $0x2  }
0xab: {  	s23 =	spop (v2sf);
	[tilespmem:s29+$0xFFFFFFE0] =	vst v10  }
0xac: {  	s5 =	sand.u32 $0x7F, s23;
	v10 =	vld.idx.msk [tilespmem:v55+s3+$0x0], $0xffff  }
0xad: {  	v56 =	vor.u32 s5, v4;
	_ =	sdelay $0x3  }
0xae: {  	s22 =	simm.s32 $0x3;
	s11 =	simm.s32 @!p1 $0xB;
	[tilespmem:s29+$0xFFFFFFF0] =	vst v10  }
0xaf: {  	s22 =	simm.s32 @p2 $0x7;
	s11 =	simm.s32 @p1 $0xF;
	v10 =	vld.idx.msk [tilespmem:v56+s31+$0x0], $0xffff  }
0xb0: {  	s22 =	smov.u32 @p0 s11;
	v57 =	vor.u32 s5, v5  }
0xb1: {  	(v2sf) =	vpush v8, s22;
	_ =	sdelay $0x2  }
0xb2: {  	s11 =	spop (v2sf);
	[tilespmem:s28+$0x0] =	vst v10  }
0xb3: {  	s5 =	sand.u32 $0x7F, s11;
	v8 =	vld.idx.msk [tilespmem:v57+s31+$0x0], $0xffff  }
0xb4: {  	v58 =	vor.u32 s5, v4;
	_ =	sdelay $0x3  }
0xb5: {  	[tilespmem:s28+$0x10] =	vst v8  }
0xb6: {  	v8 =	vld.idx.msk [tilespmem:v58+s3+$0x0], $0xffff  }
0xb7: {  	v59 =	vor.u32 s5, v5  }
0xb8: {  	(v2sf) =	vpush v9, s22;
	_ =	sdelay $0x2  }
0xb9: {  	s22 =	spop (v2sf);
	[tilespmem:s29+$0x0] =	vst v8  }
0xba: {  	s5 =	sand.u32 $0x7F, s22;
	v8 =	vld.idx.msk [tilespmem:v59+s3+$0x0], $0xffff  }
0xbb: {  	v60 =	vor.u32 s5, v6;
	_ =	sdelay $0x3  }
0xbc: {  	[tilespmem:s29+$0x10] =	vst v8  }
0xbd: {  	v8 =	vld.idx.msk [tilespmem:v60+s31+$0x0], $0xffff  }
0xbe: {  	v61 =	vor.u32 s5, v7;
	_ =	sdelay $0x3  }
0xbf: {  	s23 =	spop (v2sf);
	[tilespmem:s28+$0x20] =	vst v8  }
0xc0: {  	s5 =	sand.u32 $0x7F, s23;
	v8 =	vld.idx.msk [tilespmem:v61+s31+$0x0], $0xffff  }
0xc1: {  	v62 =	vor.u32 s5, v6;
	_ =	sdelay $0x3  }
0xc2: {  	[tilespmem:s28+$0x30] =	vst v8  }
0xc3: {  	v8 =	vld.idx.msk [tilespmem:v62+s3+$0x0], $0xffff  }
0xc4: {  	v63 =	vor.u32 s5, v7;
	_ =	sdelay $0x3  }
0xc5: {  	s30 =	sadd.s32 $0x4, s30;
	[tilespmem:s29+$0x20] =	vst v8  }
0xc6: {  	p0 =	sne.s32 s30, $0x200;
	v8 =	vld.idx.msk [tilespmem:v63+s3+$0x0], $0xffff  }
.Ltmp3:
0xc7: {  	_ = 	snop;
	(pc) =	sbr.rel @!p0 .LBB2_8-.Ltmp3, $3  }
0xc8: {  	_ =	sdelay $0x1  }
0xc9: {  	s25 =	sadd.s32 $0x4, s25  }
0xca: {  	s26 =	sadd.s32 $0x4, s26;
	s28 =	sadd.s32 $0x80, s28;
	[tilespmem:s29+$0x30] =	vst v8;
	s29 =	sadd.s32 $0x80, s29  }
.LBB2_2:
0xcb: {  	s31 =	smov.u32 s0;
	s0 =	sadd.s32 $0x1, s0  }
0xcc: {  	p0 =	seq.s32 s30, $0x1FC;
	s3 =	sand.u32 $0x3, s0  }
0xcd: {  	p1 =	sne.s32 @!p0 s3, $0x0  }
0xce: {  	p0 =	por p0, p1  }
.Ltmp4:
0xcf: {  	_ = 	snop;
	(pc) =	sbr.rel @!p0 .LBB2_3-.Ltmp4, $1  }
0xd0: {  	_ =	sdelay $0x3  }
0xd1: {  	p0 =	sgt.s32 s3, $0x1  }
.Ltmp5:
0xd2: {  	_ = 	snop;
	(pc) =	sbr.rel @p0 .LBB2_6-.Ltmp5, $1  }
0xd3: {  	_ =	sdelay $0x3  }
0xd4: {  	p0 =	seq.s32 s3, $0x0  }
0xd5: {  	s3 =	sadd.s32 @!p0 $0x4, s30  }
0xd6: {  	s3 =	sand.u32 @!p0 $0x3F0, s3  }
0xd7: {  	v8 =	vld @!p0 [tilespmem:s3+$0x0];
	_ =	sdelay $0x3  }
0xd8: {  	v9 =	vld @!p0 [tilespmem:s3+$0x200]  }
0xd9: {  	(v2sf) =	vpush @!p0 v8, $0x4;
	_ =	sdelay $0x3  }
0xda: {  	(v2sf) =	vpush @!p0 v9, $0x4;
	_ =	sdelay $0x3  }
0xdb: {  	(v2sf) =	vpush @!p0 v8, $0x5;
	_ =	sdelay $0x3  }
0xdc: {  	(v2sf) =	vpush @!p0 v9, $0x5;
	_ =	sdelay $0x2  }
0xdd: {  	s3 =	spop @!p0 (v2sf)  }
0xde: {  	s11 =	simm.s32 @!p0 $0x400;
	(v2sf) =	vpush @!p0 v8, $0x6;
	s3 =	sand.u32 @!p0 $0xFFFFF80, s3  }
0xdf: {  	s22 =	simm.s32 @!p0 $0x7A1400;
	s23 =	simm.s32 @!p0 $0x4400;
	s3 =	sadd.s32 @!p0 s1, s3  }
0xe0: {  	[tilespmem:s23], [sflag:$0x2] =	stream.strided.gather @!p0 [hbm4b:s3+s11], $0x1000, s22, s11, $0x38;
	[tilespmem:$0x18400] =	vst v63  }
0xe1: {  	s3 =	spop @!p0 (v2sf)  }
0xe2: {  	(v2sf) =	vpush @!p0 v9, $0x6;
	s3 =	sand.u32 @!p0 $0xFFFFF80, s3  }
0xe3: {  	s5 =	simm.s32 @!p0 $0xC400;
	s23 =	simm.s32 @!p0 $0xC3800;
	s3 =	sadd.s32 @!p0 s2, s3  }
0xe4: {  	[tilespmem:s5], [sflag:$0x2] =	stream.strided.gather @!p0 [hbm4b:s3+s11], $0x1000, s23, s11, $0x38;
	[tilespmem:$0x18400] =	vst v63  }
0xe5: {  	s3 =	spop @!p0 (v2sf)  }
0xe6: {  	(v2sf) =	vpush @!p0 v8, $0x7;
	s3 =	sand.u32 @!p0 $0xFFFFF80, s3  }
0xe7: {  	s5 =	simm.s32 @!p0 $0x5400;
	s3 =	sadd.s32 @!p0 s1, s3  }
0xe8: {  	[tilespmem:s5], [sflag:$0x2] =	stream.strided.gather @!p0 [hbm4b:s3+s11], $0x1000, s22, s11, $0x38;
	[tilespmem:$0x18400] =	vst v63  }
0xe9: {  	s3 =	spop @!p0 (v2sf)  }
0xea: {  	s3 =	sand.u32 @!p0 $0xFFFFF80, s3  }
0xeb: {  	(v2sf) =	vpush @!p0 v9, $0x7;
	s5 =	simm.s32 @!p0 $0xD400;
	s3 =	sadd.s32 @!p0 s2, s3  }
0xec: {  	[tilespmem:s5], [sflag:$0x2] =	stream.strided.gather @!p0 [hbm4b:s3+s11], $0x1000, s23, s11, $0x38;
	[tilespmem:$0x18400] =	vst v63  }
0xed: {  	s3 =	spop @!p0 (v2sf)  }
0xee: {  	s3 =	sand.u32 @!p0 $0xFFFFF80, s3  }
0xef: {  	s5 =	simm.s32 @!p0 $0x6400;
	s3 =	sadd.s32 @!p0 s1, s3  }
0xf0: {  	[tilespmem:s5], [sflag:$0x2] =	stream.strided.gather @!p0 [hbm4b:s3+s11], $0x1000, s22, s11, $0x38;
	[tilespmem:$0x18400] =	vst v63  }
0xf1: {  	s3 =	spop @!p0 (v2sf)  }
0xf2: {  	s3 =	sand.u32 @!p0 $0xFFFFF80, s3  }
0xf3: {  	s5 =	simm.s32 @!p0 $0xE400;
	s3 =	sadd.s32 @!p0 s2, s3  }
0xf4: {  	[tilespmem:s5], [sflag:$0x2] =	stream.strided.gather @!p0 [hbm4b:s3+s11], $0x1000, s23, s11, $0x38;
	[tilespmem:$0x18400] =	vst v63  }
0xf5: {  	s3 =	spop @!p0 (v2sf)  }
0xf6: {  	s3 =	sand.u32 @!p0 $0xFFFFF80, s3  }
0xf7: {  	s5 =	simm.s32 @!p0 $0x7400;
	s3 =	sadd.s32 @!p0 s1, s3  }
0xf8: {  	[tilespmem:s5], [sflag:$0x2] =	stream.strided.gather @!p0 [hbm4b:s3+s11], $0x1000, s22, s11, $0x38;
	[tilespmem:$0x18400] =	vst v63  }
.Ltmp6:
0xf9: {  	_ = 	snop;
	(pc) =	sbr.rel .LBB2_7-.Ltmp6, $4  }
0xfa: {  	s3 =	spop @!p0 (v2sf)  }
0xfb: {  	s3 =	sand.u32 @!p0 $0xFFFFF80, s3  }
0xfc: {  	s5 =	simm.s32 @!p0 $0xF400;
	s3 =	sadd.s32 @!p0 s2, s3  }
0xfd: {  	[tilespmem:s5], [sflag:$0x2] =	stream.strided.gather @!p0 [hbm4b:s3+s11], $0x1000, s23, s11, $0x38;
	[tilespmem:$0x18400] =	vst v63  }
.LBB2_6:
0xfe: {  	p0 =	seq.s32 s3, $0x2  }
0xff: {  	s3 =	sadd.s32 @p0 $0x4, s30  }
0x100: {  	s3 =	sand.u32 @p0 $0x3F0, s3  }
0x101: {  	v8 =	vld @p0 [tilespmem:s3+$0x0];
	_ =	sdelay $0x3  }
0x102: {  	v9 =	vld @p0 [tilespmem:s3+$0x200]  }
0x103: {  	(v2sf) =	vpush @p0 v8, $0x8;
	_ =	sdelay $0x3  }
0x104: {  	(v2sf) =	vpush @p0 v9, $0x8;
	_ =	sdelay $0x3  }
0x105: {  	(v2sf) =	vpush @p0 v8, $0x9;
	_ =	sdelay $0x3  }
0x106: {  	(v2sf) =	vpush @p0 v9, $0x9;
	_ =	sdelay $0x2  }
0x107: {  	s3 =	spop @p0 (v2sf)  }
0x108: {  	(v2sf) =	vpush @p0 v8, $0xA;
	s3 =	sand.u32 @p0 $0xFFFFF80, s3  }
0x109: {  	s5 =	simm.s32 @p0 $0x7A1400;
	s11 =	simm.s32 @p0 $0x400;
	s3 =	sadd.s32 @p0 s1, s3  }
0x10a: {  	[tilespmem:s11], [sflag:$0x1] =	stream.strided.gather @p0 [hbm4b:s3+s11], $0x1000, s5, s11, $0x38;
	[tilespmem:$0x18400] =	vst v63  }
0x10b: {  	s3 =	spop @p0 (v2sf)  }
0x10c: {  	(v2sf) =	vpush @p0 v9, $0xA;
	s3 =	sand.u32 @p0 $0xFFFFF80, s3  }
0x10d: {  	s22 =	simm.s32 @p0 $0xC3800;
	s23 =	simm.s32 @p0 $0x8400;
	s3 =	sadd.s32 @p0 s2, s3  }
0x10e: {  	[tilespmem:s23], [sflag:$0x1] =	stream.strided.gather @p0 [hbm4b:s3+s11], $0x1000, s22, s11, $0x38;
	[tilespmem:$0x18400] =	vst v63  }
0x10f: {  	s3 =	spop @p0 (v2sf)  }
0x110: {  	(v2sf) =	vpush @p0 v8, $0xB;
	s3 =	sand.u32 @p0 $0xFFFFF80, s3  }
0x111: {  	s23 =	simm.s32 @p0 $0x1400;
	s3 =	sadd.s32 @p0 s1, s3  }
0x112: {  	[tilespmem:s23], [sflag:$0x1] =	stream.strided.gather @p0 [hbm4b:s3+s11], $0x1000, s5, s11, $0x38;
	[tilespmem:$0x18400] =	vst v63  }
0x113: {  	s3 =	spop @p0 (v2sf)  }
0x114: {  	(v2sf) =	vpush @p0 v9, $0xB;
	s3 =	sand.u32 @p0 $0xFFFFF80, s3  }
0x115: {  	s23 =	simm.s32 @p0 $0x9400;
	s3 =	sadd.s32 @p0 s2, s3  }
0x116: {  	[tilespmem:s23], [sflag:$0x1] =	stream.strided.gather @p0 [hbm4b:s3+s11], $0x1000, s22, s11, $0x38;
	[tilespmem:$0x18400] =	vst v63  }
0x117: {  	s3 =	spop @p0 (v2sf)  }
0x118: {  	s3 =	sand.u32 @p0 $0xFFFFF80, s3  }
0x119: {  	s23 =	simm.s32 @p0 $0x2400;
	s3 =	sadd.s32 @p0 s1, s3  }
0x11a: {  	[tilespmem:s23], [sflag:$0x1] =	stream.strided.gather @p0 [hbm4b:s3+s11], $0x1000, s5, s11, $0x38;
	[tilespmem:$0x18400] =	vst v63  }
0x11b: {  	s3 =	spop @p0 (v2sf)  }
0x11c: {  	s3 =	sand.u32 @p0 $0xFFFFF80, s3  }
0x11d: {  	s23 =	simm.s32 @p0 $0xA400;
	s3 =	sadd.s32 @p0 s2, s3  }
0x11e: {  	[tilespmem:s23], [sflag:$0x1] =	stream.strided.gather @p0 [hbm4b:s3+s11], $0x1000, s22, s11, $0x38;
	[tilespmem:$0x18400] =	vst v63  }
0x11f: {  	s3 =	spop @p0 (v2sf)  }
0x120: {  	s3 =	sand.u32 @p0 $0xFFFFF80, s3  }
0x121: {  	s23 =	simm.s32 @p0 $0x3400;
	s3 =	sadd.s32 @p0 s1, s3  }
0x122: {  	[tilespmem:s23], [sflag:$0x1] =	stream.strided.gather @p0 [hbm4b:s3+s11], $0x1000, s5, s11, $0x38;
	[tilespmem:$0x18400] =	vst v63  }
0x123: {  	s3 =	spop @p0 (v2sf)  }
0x124: {  	s3 =	sand.u32 @p0 $0xFFFFF80, s3  }
0x125: {  	s5 =	simm.s32 @p0 $0xB400;
	s3 =	sadd.s32 @p0 s2, s3  }
0x126: {  	[tilespmem:s5], [sflag:$0x1] =	stream.strided.gather @p0 [hbm4b:s3+s11], $0x1000, s22, s11, $0x38;
	[tilespmem:$0x18400] =	vst v63  }
0x127: {  	s3 =	sadd.s32 @!p0 $0x4, s30  }
0x128: {  	s3 =	sand.u32 @!p0 $0x3F0, s3  }
0x129: {  	v8 =	vld @!p0 [tilespmem:s3+$0x0];
	_ =	sdelay $0x3  }
0x12a: {  	v9 =	vld @!p0 [tilespmem:s3+$0x200]  }
0x12b: {  	(v2sf) =	vpush @!p0 v8, $0xC;
	_ =	sdelay $0x3  }
0x12c: {  	(v2sf) =	vpush @!p0 v9, $0xC;
	_ =	sdelay $0x3  }
0x12d: {  	(v2sf) =	vpush @!p0 v8, $0xD;
	_ =	sdelay $0x3  }
0x12e: {  	(v2sf) =	vpush @!p0 v9, $0xD;
	_ =	sdelay $0x2  }
0x12f: {  	s3 =	spop @!p0 (v2sf)  }
0x130: {  	s5 =	simm.s32 @!p0 $0x400;
	(v2sf) =	vpush @!p0 v8, $0xE;
	s3 =	sand.u32 @!p0 $0xFFFFF80, s3  }
0x131: {  	s11 =	simm.s32 @!p0 $0x7A1400;
	s22 =	simm.s32 @!p0 $0x4400;
	s3 =	sadd.s32 @!p0 s1, s3  }
0x132: {  	[tilespmem:s22], [sflag:$0x2] =	stream.strided.gather @!p0 [hbm4b:s3+s5], $0x1000, s11, s5, $0x38;
	[tilespmem:$0x18400] =	vst v63  }
0x133: {  	s3 =	spop @!p0 (v2sf)  }
0x134: {  	(v2sf) =	vpush @!p0 v9, $0xE;
	s3 =	sand.u32 @!p0 $0xFFFFF80, s3  }
0x135: {  	s23 =	simm.s32 @!p0 $0xC400;
	s22 =	simm.s32 @!p0 $0xC3800;
	s3 =	sadd.s32 @!p0 s2, s3  }
0x136: {  	[tilespmem:s23], [sflag:$0x2] =	stream.strided.gather @!p0 [hbm4b:s3+s5], $0x1000, s22, s5, $0x38;
	[tilespmem:$0x18400] =	vst v63  }
0x137: {  	s3 =	spop @!p0 (v2sf)  }
0x138: {  	(v2sf) =	vpush @!p0 v8, $0xF;
	s3 =	sand.u32 @!p0 $0xFFFFF80, s3  }
0x139: {  	s23 =	simm.s32 @!p0 $0x5400;
	s3 =	sadd.s32 @!p0 s1, s3  }
0x13a: {  	[tilespmem:s23], [sflag:$0x2] =	stream.strided.gather @!p0 [hbm4b:s3+s5], $0x1000, s11, s5, $0x38;
	[tilespmem:$0x18400] =	vst v63  }
0x13b: {  	s3 =	spop @!p0 (v2sf)  }
0x13c: {  	s3 =	sand.u32 @!p0 $0xFFFFF80, s3  }
0x13d: {  	(v2sf) =	vpush @!p0 v9, $0xF;
	s23 =	simm.s32 @!p0 $0xD400;
	s3 =	sadd.s32 @!p0 s2, s3  }
0x13e: {  	[tilespmem:s23], [sflag:$0x2] =	stream.strided.gather @!p0 [hbm4b:s3+s5], $0x1000, s22, s5, $0x38;
	[tilespmem:$0x18400] =	vst v63  }
0x13f: {  	s3 =	spop @!p0 (v2sf)  }
0x140: {  	s3 =	sand.u32 @!p0 $0xFFFFF80, s3  }
0x141: {  	s23 =	simm.s32 @!p0 $0x6400;
	s3 =	sadd.s32 @!p0 s1, s3  }
0x142: {  	[tilespmem:s23], [sflag:$0x2] =	stream.strided.gather @!p0 [hbm4b:s3+s5], $0x1000, s11, s5, $0x38;
	[tilespmem:$0x18400] =	vst v63  }
0x143: {  	s3 =	spop @!p0 (v2sf)  }
0x144: {  	s3 =	sand.u32 @!p0 $0xFFFFF80, s3  }
0x145: {  	s23 =	simm.s32 @!p0 $0xE400;
	s3 =	sadd.s32 @!p0 s2, s3  }
0x146: {  	[tilespmem:s23], [sflag:$0x2] =	stream.strided.gather @!p0 [hbm4b:s3+s5], $0x1000, s22, s5, $0x38;
	[tilespmem:$0x18400] =	vst v63  }
0x147: {  	s3 =	spop @!p0 (v2sf)  }
0x148: {  	s3 =	sand.u32 @!p0 $0xFFFFF80, s3  }
0x149: {  	s23 =	simm.s32 @!p0 $0x7400;
	s3 =	sadd.s32 @!p0 s1, s3  }
0x14a: {  	[tilespmem:s23], [sflag:$0x2] =	stream.strided.gather @!p0 [hbm4b:s3+s5], $0x1000, s11, s5, $0x38;
	[tilespmem:$0x18400] =	vst v63  }
.Ltmp7:
0x14b: {  	_ = 	snop;
	(pc) =	sbr.rel .LBB2_7-.Ltmp7, $4  }
0x14c: {  	s3 =	spop @!p0 (v2sf)  }
0x14d: {  	s3 =	sand.u32 @!p0 $0xFFFFF80, s3  }
0x14e: {  	s11 =	simm.s32 @!p0 $0xF400;
	s3 =	sadd.s32 @!p0 s2, s3  }
0x14f: {  	[tilespmem:s11], [sflag:$0x2] =	stream.strided.gather @!p0 [hbm4b:s3+s5], $0x1000, s22, s5, $0x38;
	[tilespmem:$0x18400] =	vst v63  }
.LBB2_9:
0x150: {  	_ =	sfence.sel $0x180000  }
0x151: {  	[bflag:$0x0] =	sbarrier.arrive $0xFFFF  }
0x152: {  	_ =	strace $0x90000047  }
0x153: {  	s0 =	stileid.u32;
	[bflag:$0x2] =	sbarrier.arrive $0xFFFF  }
0x154: {  	p0 =	sne.s32 s0, $0x0;
	s0 =	rddreg [dreg:$0x5]  }
0x155: {  	s0 =	sadd.s32 @!p0 $0x100000, s0  }
0x156: {  	[sflag:s0] =	ssyncadd.tile.s32 @!p0 $0x1;
	_ =	shalt  }
.Lfunc_end2:
_tile_overlayer_lowered:
.L_overlay_start_2:
0x157: {  	(tag) =	ssettag $0x2  }
0x158: {  	s0 =	rddreg [dreg:$0x0];
	s2 =	stileid.u32  }
0x159: {  	s1 =	rddreg [dreg:$0x1];
	p0 =	sne.s32 s2, $0x0  }
0x15a: {  	s3 =	rddreg [dreg:$0x2];
	[bflag:$0x3] =	sbarrier.arrive $0xFFFF;
	s2 =	simm.s32 @!p0 $0x1C03  }
0x15b: {  	[timem:s3], [sflag:s2] =	dma.local @!p0 [hbm:s0], s1  }
0x15c: {  	s0 =	simm.s32 @!p0 $0x3  }
0x15d: {  	_ =	swait.ge @!p0 [sflag:s0], s1  }
0x15e: {  	s1 =	ssub.s32 @!p0 $0x0, s1;
	[sflag:s0] =	ssyncset.done @!p0 $0x0  }
0x15f: {  	[sflag:s0] =	ssyncadd.s32 @!p0 s1  }
0x160: {  	[bflag:$0x3] =	sbarrier.arrive $0xFFFF  }
0x161: {  	_ =	shalt  }

</sc_bundles>
